<compile_context>
chip_gen: v7x
topology: tpu7x:2x2x1
jax: 0.10.2.dev20260603
libtpu: 0.0.44.dev20260713+nightly
codegen_flags: <defaults>
</compile_context>

<pallas_src>
import functools

import jax
import jax.numpy as jnp
from jax import lax
from jax.experimental import pallas as pl
from jax.experimental.pallas import tpu as pltpu
from jax.experimental.pallas import tpu_sc as plsc

VOCAB = 50000
NQ = 4
NB = 128
LANES = 16
COLV = NB // LANES
NSH = 8
BIG = 2**30

VT = 24576
VCT = 4096
NJT = VT // VCT

SCV = VOCAB - VT
SHARD = 3200
CH = 448
NCHK = -(-SHARD // CH)


def _sc_body(x_hbm, iout_hbm, vout_hbm, bufa, bufb, stage_m, stage_i,
             merge_m, merge_i, shm, shi, sema, semb):
    c = lax.axis_index("c")
    s = lax.axis_index("s")
    q = c * 2 + s // NSH
    w = s % NSH
    v0 = VT + w * SHARD
    limit = jnp.clip(VOCAB - v0, 0, SHARD)
    bufs = (bufa, bufb)
    sems = (sema, semb)

    def chunk_copy(k):
        return pltpu.async_copy(
            x_hbm.at[q, pl.ds(v0 + k * CH, CH), :], bufs[k % 2], sems[k % 2])

    neg = jnp.full((LANES,), -jnp.inf, jnp.float32)
    zero = jnp.zeros((LANES,), jnp.int32)
    ms = [neg] * COLV
    mis = [zero] * COLV

    pending = [chunk_copy(0), chunk_copy(1)]
    for k in range(NCHK):
        pending[k % 2].wait()
        buf = bufs[k % 2]
        base = v0 + k * CH

        def row_body(vr, carry):
            ms, mis = list(carry[0]), list(carry[1])
            vsp = jnp.full((LANES,), base + vr, jnp.int32)
            for u in range(COLV):
                v = buf[vr, pl.ds(u * LANES, LANES)]
                upd = v > ms[u]
                ms[u] = jnp.where(upd, v, ms[u])
                mis[u] = jnp.where(upd, vsp, mis[u])
            return tuple(ms), tuple(mis)

        nrows = jnp.clip(limit - k * CH, 0, CH)
        ms, mis = lax.fori_loop(0, nrows, row_body, (tuple(ms), tuple(mis)))
        ms, mis = list(ms), list(mis)
        if k + 2 < NCHK:
            pending[k % 2] = chunk_copy(k + 2)

    for u in range(COLV):
        stage_m[pl.ds(u * LANES, LANES)] = ms[u]
        stage_i[pl.ds(u * LANES, LANES)] = mis[u]
    pltpu.sync_copy(stage_m, shm.at[s])
    pltpu.sync_copy(stage_i, shi.at[s])
    plsc.subcore_barrier()

    @pl.when(w == 0)
    def _():
        msf = list(ms)
        misf = list(mis)
        for sh in range(1, NSH):
            pltpu.sync_copy(shm.at[s + sh], merge_m)
            pltpu.sync_copy(shi.at[s + sh], merge_i)
            for u in range(COLV):
                mv = merge_m[pl.ds(u * LANES, LANES)]
                iv = merge_i[pl.ds(u * LANES, LANES)]
                take = mv > msf[u]
                msf[u] = jnp.where(take, mv, msf[u])
                misf[u] = jnp.where(take, iv, misf[u])
        for u in range(COLV):
            stage_i[pl.ds(u * LANES, LANES)] = misf[u]
            stage_m[pl.ds(u * LANES, LANES)] = msf[u]
        pltpu.sync_copy(stage_i, iout_hbm.at[pl.ds(q * NB, NB)])
        pltpu.sync_copy(stage_m, vout_hbm.at[pl.ds(q * NB, NB)])


def _tc_body(x_ref, vout_ref, iout_ref):
    j = pl.program_id(1)
    v = x_ref[0]
    cm = jnp.max(v, axis=0)
    ci = jnp.argmax(v, axis=0).astype(jnp.int32) + j * VCT

    @pl.when(j == 0)
    def _():
        vout_ref[0, 0] = cm
        iout_ref[0, 0] = ci

    @pl.when(j > 0)
    def _():
        rm = vout_ref[0, 0]
        upd = cm > rm
        vout_ref[0, 0] = jnp.where(upd, cm, rm)
        iout_ref[0, 0] = jnp.where(upd, ci, iout_ref[0, 0])


def kernel(logits):
    xt = jnp.transpose(logits, (1, 2, 0))
    mesh = plsc.VectorSubcoreMesh(core_axis_name="c", subcore_axis_name="s")
    sc_i, sc_v = pl.kernel(
        _sc_body,
        out_type=(jax.ShapeDtypeStruct((NQ * NB,), jnp.int32),
                  jax.ShapeDtypeStruct((NQ * NB,), jnp.float32)),
        mesh=mesh,
        compiler_params=pltpu.CompilerParams(needs_layout_passes=False),
        scratch_types=[
            pltpu.VMEM((CH, NB), jnp.float32),
            pltpu.VMEM((CH, NB), jnp.float32),
            pltpu.VMEM((NB,), jnp.float32),
            pltpu.VMEM((NB,), jnp.int32),
            pltpu.VMEM((NB,), jnp.float32),
            pltpu.VMEM((NB,), jnp.int32),
            pltpu.VMEM_SHARED((16, NB), jnp.float32),
            pltpu.VMEM_SHARED((16, NB), jnp.int32),
            pltpu.SemaphoreType.DMA,
            pltpu.SemaphoreType.DMA,
        ],
    )(xt)

    tc_v, tc_i = pl.pallas_call(
        _tc_body,
        grid=(NQ, NJT),
        in_specs=[pl.BlockSpec((1, VCT, NB), lambda q, j: (q, j, 0))],
        out_specs=[pl.BlockSpec((1, 1, NB), lambda q, j: (q, 0, 0)),
                   pl.BlockSpec((1, 1, NB), lambda q, j: (q, 0, 0))],
        out_shape=[jax.ShapeDtypeStruct((NQ, 1, NB), jnp.float32),
                   jax.ShapeDtypeStruct((NQ, 1, NB), jnp.int32)],
        compiler_params=pltpu.CompilerParams(
            dimension_semantics=("parallel", "arbitrary")),
    )(xt)

    tc_v = tc_v.reshape(NQ, NB)
    tc_i = tc_i.reshape(NQ, NB)
    sc_i = sc_i.reshape(NQ, NB)
    sc_v = sc_v.reshape(NQ, NB)
    idx = jnp.where(tc_v >= sc_v, tc_i, sc_i)
    return idx.T

# --- scband reference (transcript-rebuilt; emitter-appended) ---
"""Pipeline reference for scband-sampler-65438121722481 (READ-ONLY COPY).

The authoritative reference and input builder live on the scoring server;
editing this copy changes nothing except your own understanding.
"""

import jax, jax.numpy as jnp
import numpy as np

MIN_VOCAB_SIZE = 50000

def setup_inputs(seed: int = 0) -> dict:
    key = jax.random.key(seed)
    logits = jax.random.normal(key, (128, 4, 100000), dtype=jnp.float32)
    return {"logits": logits}

def reference(logits):
    current_vocab_size = logits.shape[-1]
    if MIN_VOCAB_SIZE is not None and current_vocab_size > MIN_VOCAB_SIZE:
        logits = logits[:, :, :MIN_VOCAB_SIZE]
    sampled_tokens = jnp.argmax(logits, axis=-1)
    return sampled_tokens

if __name__ == "__main__":
    import jax
    _d = setup_inputs()
    print(jax.jit(kernel)(*tuple(_d.values())))

</pallas_src>

<mosaic_0001>
#map = affine_map<(d0, d1) -> (0, 0, 0)>
#map1 = affine_map<(d0, d1) -> (0)>
module attributes {stable_mosaic.version = 14 : i64} {
  func.func @_sc_body(%arg0: i32, %arg1: i32, %arg2: memref<4x100000x128xf32, #tpu.memory_space<hbm>>, %arg3: memref<512xi32, #tpu.memory_space<hbm>>, %arg4: memref<512xf32, #tpu.memory_space<hbm>>, %arg5: memref<448x128xf32, #tpu.memory_space<vmem>>, %arg6: memref<448x128xf32, #tpu.memory_space<vmem>>, %arg7: memref<128xf32, #tpu.memory_space<vmem>>, %arg8: memref<128xi32, #tpu.memory_space<vmem>>, %arg9: memref<128xf32, #tpu.memory_space<vmem>>, %arg10: memref<128xi32, #tpu.memory_space<vmem>>, %arg11: memref<16x128xf32, #tpu.memory_space<vmem_shared>>, %arg12: memref<16x128xi32, #tpu.memory_space<vmem_shared>>, %arg13: memref<!tpu.dma_semaphore, #tpu.memory_space<semaphore_mem>>, %arg14: memref<!tpu.dma_semaphore, #tpu.memory_space<semaphore_mem>>) attributes {dimension_semantics = [#tpu.dimension_semantics<core_parallel>, #tpu.dimension_semantics<subcore_parallel>], iteration_bounds = array<i64: 2, 16>, scalar_prefetch = 0 : i64, scratch_operands = 10 : i64, tpu.core_type = #tpu.core_type<sc_vector_subcore>, window_params = [{transform_indices = #map}, {transform_indices = #map1}, {transform_indices = #map1}]} {
    %mul3A = arith.constant 2 : i32
    %mul3A_0 = arith.muli %arg0, %mul3A : i32
    %jit3A = arith.constant 8 : i32
    %div3A = arith.divsi %arg1, %jit3A : i32
    %sign3A = arith.constant 0 : i32
    %sign3A_1 = arith.cmpi sgt, %arg1, %sign3A : i32
    %sign3A_2 = arith.extui %sign3A_1 : i1 to i32
    %sign3A_3 = arith.constant 0 : i32
    %sign3A_4 = arith.cmpi slt, %arg1, %sign3A_3 : i32
    %sign3A_5 = arith.extui %sign3A_4 : i1 to i32
    %sign3A_6 = arith.subi %sign3A_2, %sign3A_5 : i32
    %sign3A_7 = arith.constant 0 : i32
    %sign3A_8 = arith.cmpi sgt, %jit3A, %sign3A_7 : i32
    %sign3A_9 = arith.extui %sign3A_8 : i1 to i32
    %sign3A_10 = arith.constant 0 : i32
    %sign3A_11 = arith.cmpi slt, %jit3A, %sign3A_10 : i32
    %sign3A_12 = arith.extui %sign3A_11 : i1 to i32
    %sign3A_13 = arith.subi %sign3A_9, %sign3A_12 : i32
    %ne3A = arith.cmpi ne, %sign3A_6, %sign3A_13 : i32
    %rem3A = arith.remsi %arg1, %jit3A : i32
    %ne3A_14 = arith.constant 0 : i32
    %ne3A_15 = arith.cmpi ne, %rem3A, %ne3A_14 : i32
    %and3A = arith.andi %ne3A, %ne3A_15 : i1
    %sub3A = arith.constant 1 : i32
    %sub3A_16 = arith.subi %div3A, %sub3A : i32
    %select_n3A = arith.select %and3A, %sub3A_16, %div3A : i32
    %add3A = arith.addi %mul3A_0, %select_n3A : i32
    %jit3A_17 = arith.constant 8 : i32
    %eq3A = arith.constant 0 : i32
    %eq3A_18 = arith.cmpi eq, %jit3A_17, %eq3A : i32
    %jit3A_19 = arith.constant 1 : i32
    %select_n3A_20 = arith.select %eq3A_18, %jit3A_19, %jit3A_17 : i32
    %rem3A_21 = arith.remsi %arg1, %select_n3A_20 : i32
    %ne3A_22 = arith.constant 0 : i32
    %ne3A_23 = arith.cmpi ne, %rem3A_21, %ne3A_22 : i32
    %lt3A = arith.constant 0 : i32
    %lt3A_24 = arith.cmpi slt, %rem3A_21, %lt3A : i32
    %lt3A_25 = arith.constant 0 : i32
    %lt3A_26 = arith.cmpi slt, %select_n3A_20, %lt3A_25 : i32
    %ne3A_27 = arith.xori %lt3A_24, %lt3A_26 : i1
    %and3A_28 = arith.andi %ne3A_27, %ne3A_23 : i1
    %add3A_29 = arith.addi %rem3A_21, %select_n3A_20 : i32
    %select_n3A_30 = arith.select %and3A_28, %add3A_29, %rem3A_21 : i32
    %mul3A_31 = arith.constant 3200 : i32
    %mul3A_32 = arith.muli %select_n3A_30, %mul3A_31 : i32
    %add3A_33 = arith.constant 24576 : i32
    %add3A_34 = arith.addi %add3A_33, %mul3A_32 : i32
    %sub3A_35 = arith.constant 50000 : i32
    %sub3A_36 = arith.subi %sub3A_35, %add3A_34 : i32
    %jit3A_37 = arith.constant 0 : i32
    %jit3A_38 = arith.constant 3200 : i32
    %max3A = arith.maxsi %jit3A_37, %sub3A_36 : i32
    %min3A = arith.minsi %jit3A_38, %max3A : i32
    %broadcast_in_dim3A = arith.constant 0xFF800000 : f32
    %broadcast_in_dim3A_39 = vector.broadcast %broadcast_in_dim3A : f32 to vector<16xf32>
    %broadcast_in_dim3A_40 = arith.constant 0 : i32
    %broadcast_in_dim3A_41 = vector.broadcast %broadcast_in_dim3A_40 : i32 to vector<16xi32>
    %add3A_42 = arith.constant 0 : i32
    %add3A_43 = arith.addi %add3A_34, %add3A_42 : i32
    %dma_start3A = arith.constant 0 : i32
    %dma_start3A_44 = tpu.memref_slice %arg2[%add3A, %add3A_43, %dma_start3A] : memref<4x100000x128xf32, #tpu.memory_space<hbm>> -> memref<1x448x128xf32, #tpu.memory_space<hbm>>
    %dma_start3A_45 = tpu.memref_squeeze %dma_start3A_44 : memref<1x448x128xf32, #tpu.memory_space<hbm>> -> memref<448x128xf32, #tpu.memory_space<hbm>>
    %dma_start3A_46 = arith.constant 0 : i32
    %dma_start3A_47 = tpu.memref_slice %arg2[%add3A, %add3A_43, %dma_start3A_46] : memref<4x100000x128xf32, #tpu.memory_space<hbm>> -> memref<1x448x128xf32, #tpu.memory_space<hbm>>
    %dma_start3A_48 = tpu.memref_squeeze %dma_start3A_47 : memref<1x448x128xf32, #tpu.memory_space<hbm>> -> memref<448x128xf32, #tpu.memory_space<hbm>>
    tpu.enqueue_dma source(%dma_start3A_48 : memref<448x128xf32, #tpu.memory_space<hbm>>) target(%arg5 : memref<448x128xf32, #tpu.memory_space<vmem>>) target_semaphore(%arg13 : memref<!tpu.dma_semaphore, #tpu.memory_space<semaphore_mem>>)
    %add3A_49 = arith.constant 448 : i32
    %add3A_50 = arith.addi %add3A_34, %add3A_49 : i32
    %dma_start3A_51 = arith.constant 0 : i32
    %dma_start3A_52 = tpu.memref_slice %arg2[%add3A, %add3A_50, %dma_start3A_51] : memref<4x100000x128xf32, #tpu.memory_space<hbm>> -> memref<1x448x128xf32, #tpu.memory_space<hbm>>
    %dma_start3A_53 = tpu.memref_squeeze %dma_start3A_52 : memref<1x448x128xf32, #tpu.memory_space<hbm>> -> memref<448x128xf32, #tpu.memory_space<hbm>>
    %dma_start3A_54 = arith.constant 0 : i32
    %dma_start3A_55 = tpu.memref_slice %arg2[%add3A, %add3A_50, %dma_start3A_54] : memref<4x100000x128xf32, #tpu.memory_space<hbm>> -> memref<1x448x128xf32, #tpu.memory_space<hbm>>
    %dma_start3A_56 = tpu.memref_squeeze %dma_start3A_55 : memref<1x448x128xf32, #tpu.memory_space<hbm>> -> memref<448x128xf32, #tpu.memory_space<hbm>>
    tpu.enqueue_dma source(%dma_start3A_56 : memref<448x128xf32, #tpu.memory_space<hbm>>) target(%arg6 : memref<448x128xf32, #tpu.memory_space<vmem>>) target_semaphore(%arg14 : memref<!tpu.dma_semaphore, #tpu.memory_space<semaphore_mem>>)
    %dma_wait3A = arith.constant 0 : i32
    %dma_wait3A_57 = tpu.memref_slice %arg2[%add3A, %add3A_43, %dma_wait3A] : memref<4x100000x128xf32, #tpu.memory_space<hbm>> -> memref<1x448x128xf32, #tpu.memory_space<hbm>>
    %dma_wait3A_58 = tpu.memref_squeeze %dma_wait3A_57 : memref<1x448x128xf32, #tpu.memory_space<hbm>> -> memref<448x128xf32, #tpu.memory_space<hbm>>
    %dma_wait3A_59 = arith.constant 0 : i32
    %dma_wait3A_60 = tpu.memref_slice %arg2[%add3A, %add3A_43, %dma_wait3A_59] : memref<4x100000x128xf32, #tpu.memory_space<hbm>> -> memref<1x448x128xf32, #tpu.memory_space<hbm>>
    %dma_wait3A_61 = tpu.memref_squeeze %dma_wait3A_60 : memref<1x448x128xf32, #tpu.memory_space<hbm>> -> memref<448x128xf32, #tpu.memory_space<hbm>>
    tpu.wait_dma2 semaphore(%arg13 : memref<!tpu.dma_semaphore, #tpu.memory_space<semaphore_mem>>) src(%dma_wait3A_61 : memref<448x128xf32, #tpu.memory_space<hbm>>) dst(%arg5 : memref<448x128xf32, #tpu.memory_space<vmem>>)
    %add3A_62 = arith.constant 0 : i32
    %add3A_63 = arith.addi %add3A_34, %add3A_62 : i32
    %sub3A_64 = arith.constant 0 : i32
    %sub3A_65 = arith.subi %min3A, %sub3A_64 : i32
    %jit3A_66 = arith.constant 0 : i32
    %jit3A_67 = arith.constant 448 : i32
    %max3A_68 = arith.maxsi %jit3A_66, %sub3A_65 : i32
    %min3A_69 = arith.minsi %jit3A_67, %max3A_68 : i32
    %while3A = arith.constant 0 : i32
    %while3A_70 = arith.subi %min3A_69, %while3A : i32
    %while3A_71 = arith.addi %while3A, %while3A_70 : i32
    %while3A_72 = arith.constant 1 : i32
    %while3A_73 = arith.divsi %while3A_70, %while3A_72 : i32
    %while3A_74 = arith.muli %while3A_73, %while3A_72 : i32
    %while3A_75 = arith.addi %while3A, %while3A_74 : i32
    %while3A_76 = arith.constant 1 : i32
    %while3A_77:16 = scf.for %while3A_337 = %while3A to %while3A_75 step %while3A_76 iter_args(%while3A_338 = %broadcast_in_dim3A_39, %while3A_339 = %broadcast_in_dim3A_39, %while3A_340 = %broadcast_in_dim3A_39, %while3A_341 = %broadcast_in_dim3A_39, %while3A_342 = %broadcast_in_dim3A_39, %while3A_343 = %broadcast_in_dim3A_39, %while3A_344 = %broadcast_in_dim3A_39, %while3A_345 = %broadcast_in_dim3A_39, %while3A_346 = %broadcast_in_dim3A_41, %while3A_347 = %broadcast_in_dim3A_41, %while3A_348 = %broadcast_in_dim3A_41, %while3A_349 = %broadcast_in_dim3A_41, %while3A_350 = %broadcast_in_dim3A_41, %while3A_351 = %broadcast_in_dim3A_41, %while3A_352 = %broadcast_in_dim3A_41, %while3A_353 = %broadcast_in_dim3A_41) -> (vector<16xf32>, vector<16xf32>, vector<16xf32>, vector<16xf32>, vector<16xf32>, vector<16xf32>, vector<16xf32>, vector<16xf32>, vector<16xi32>, vector<16xi32>, vector<16xi32>, vector<16xi32>, vector<16xi32>, vector<16xi32>, vector<16xi32>, vector<16xi32>)  : i32 {
      %add3A_354 = arith.addi %add3A_63, %while3A_337 : i32
      %broadcast_in_dim3A_355 = vector.broadcast %add3A_354 : i32 to vector<16xi32>
      %get3A = arith.index_cast %while3A_337 : i32 to index
      %get3A_356 = arith.constant 0 : index
      %get3A_357 = tpu.vector_load %arg5[%get3A, %get3A_356] {strides = array<i32>} : memref<448x128xf32, #tpu.memory_space<vmem>>, vector<16xf32>,
      %gt3A = arith.cmpf ogt, %get3A_357, %while3A_338 : vector<16xf32>
      %select_n3A_358 = arith.select %gt3A, %get3A_357, %while3A_338 : vector<16xi1>, vector<16xf32>
      %select_n3A_359 = arith.select %gt3A, %broadcast_in_dim3A_355, %while3A_346 : vector<16xi1>, vector<16xi32>
      %get3A_360 = arith.index_cast %while3A_337 : i32 to index
      %get3A_361 = arith.constant 16 : index
      %get3A_362 = tpu.vector_load %arg5[%get3A_360, %get3A_361] {strides = array<i32>} : memref<448x128xf32, #tpu.memory_space<vmem>>, vector<16xf32>,
      %gt3A_363 = arith.cmpf ogt, %get3A_362, %while3A_339 : vector<16xf32>
      %select_n3A_364 = arith.select %gt3A_363, %get3A_362, %while3A_339 : vector<16xi1>, vector<16xf32>
      %select_n3A_365 = arith.select %gt3A_363, %broadcast_in_dim3A_355, %while3A_347 : vector<16xi1>, vector<16xi32>
      %get3A_366 = arith.index_cast %while3A_337 : i32 to index
      %get3A_367 = arith.constant 32 : index
      %get3A_368 = tpu.vector_load %arg5[%get3A_366, %get3A_367] {strides = array<i32>} : memref<448x128xf32, #tpu.memory_space<vmem>>, vector<16xf32>,
      %gt3A_369 = arith.cmpf ogt, %get3A_368, %while3A_340 : vector<16xf32>
      %select_n3A_370 = arith.select %gt3A_369, %get3A_368, %while3A_340 : vector<16xi1>, vector<16xf32>
      %select_n3A_371 = arith.select %gt3A_369, %broadcast_in_dim3A_355, %while3A_348 : vector<16xi1>, vector<16xi32>
      %get3A_372 = arith.index_cast %while3A_337 : i32 to index
      %get3A_373 = arith.constant 48 : index
      %get3A_374 = tpu.vector_load %arg5[%get3A_372, %get3A_373] {strides = array<i32>} : memref<448x128xf32, #tpu.memory_space<vmem>>, vector<16xf32>,
      %gt3A_375 = arith.cmpf ogt, %get3A_374, %while3A_341 : vector<16xf32>
      %select_n3A_376 = arith.select %gt3A_375, %get3A_374, %while3A_341 : vector<16xi1>, vector<16xf32>
      %select_n3A_377 = arith.select %gt3A_375, %broadcast_in_dim3A_355, %while3A_349 : vector<16xi1>, vector<16xi32>
      %get3A_378 = arith.index_cast %while3A_337 : i32 to index
      %get3A_379 = arith.constant 64 : index
      %get3A_380 = tpu.vector_load %arg5[%get3A_378, %get3A_379] {strides = array<i32>} : memref<448x128xf32, #tpu.memory_space<vmem>>, vector<16xf32>,
      %gt3A_381 = arith.cmpf ogt, %get3A_380, %while3A_342 : vector<16xf32>
      %select_n3A_382 = arith.select %gt3A_381, %get3A_380, %while3A_342 : vector<16xi1>, vector<16xf32>
      %select_n3A_383 = arith.select %gt3A_381, %broadcast_in_dim3A_355, %while3A_350 : vector<16xi1>, vector<16xi32>
      %get3A_384 = arith.index_cast %while3A_337 : i32 to index
      %get3A_385 = arith.constant 80 : index
      %get3A_386 = tpu.vector_load %arg5[%get3A_384, %get3A_385] {strides = array<i32>} : memref<448x128xf32, #tpu.memory_space<vmem>>, vector<16xf32>,
      %gt3A_387 = arith.cmpf ogt, %get3A_386, %while3A_343 : vector<16xf32>
      %select_n3A_388 = arith.select %gt3A_387, %get3A_386, %while3A_343 : vector<16xi1>, vector<16xf32>
      %select_n3A_389 = arith.select %gt3A_387, %broadcast_in_dim3A_355, %while3A_351 : vector<16xi1>, vector<16xi32>
      %get3A_390 = arith.index_cast %while3A_337 : i32 to index
      %get3A_391 = arith.constant 96 : index
      %get3A_392 = tpu.vector_load %arg5[%get3A_390, %get3A_391] {strides = array<i32>} : memref<448x128xf32, #tpu.memory_space<vmem>>, vector<16xf32>,
      %gt3A_393 = arith.cmpf ogt, %get3A_392, %while3A_344 : vector<16xf32>
      %select_n3A_394 = arith.select %gt3A_393, %get3A_392, %while3A_344 : vector<16xi1>, vector<16xf32>
      %select_n3A_395 = arith.select %gt3A_393, %broadcast_in_dim3A_355, %while3A_352 : vector<16xi1>, vector<16xi32>
      %get3A_396 = arith.index_cast %while3A_337 : i32 to index
      %get3A_397 = arith.constant 112 : index
      %get3A_398 = tpu.vector_load %arg5[%get3A_396, %get3A_397] {strides = array<i32>} : memref<448x128xf32, #tpu.memory_space<vmem>>, vector<16xf32>,
      %gt3A_399 = arith.cmpf ogt, %get3A_398, %while3A_345 : vector<16xf32>
      %select_n3A_400 = arith.select %gt3A_399, %get3A_398, %while3A_345 : vector<16xi1>, vector<16xf32>
      %select_n3A_401 = arith.select %gt3A_399, %broadcast_in_dim3A_355, %while3A_353 : vector<16xi1>, vector<16xi32>
      scf.yield %select_n3A_358, %select_n3A_364, %select_n3A_370, %select_n3A_376, %select_n3A_382, %select_n3A_388, %select_n3A_394, %select_n3A_400, %select_n3A_359, %select_n3A_365, %select_n3A_371, %select_n3A_377, %select_n3A_383, %select_n3A_389, %select_n3A_395, %select_n3A_401 : vector<16xf32>, vector<16xf32>, vector<16xf32>, vector<16xf32>, vector<16xf32>, vector<16xf32>, vector<16xf32>, vector<16xf32>, vector<16xi32>, vector<16xi32>, vector<16xi32>, vector<16xi32>, vector<16xi32>, vector<16xi32>, vector<16xi32>, vector<16xi32>
    }
    %while3A_78 = arith.constant 1 : i32
    %while3A_79:16 = scf.for %while3A_337 = %while3A_75 to %while3A_71 step %while3A_78 iter_args(%while3A_338 = %while3A_77#0, %while3A_339 = %while3A_77#1, %while3A_340 = %while3A_77#2, %while3A_341 = %while3A_77#3, %while3A_342 = %while3A_77#4, %while3A_343 = %while3A_77#5, %while3A_344 = %while3A_77#6, %while3A_345 = %while3A_77#7, %while3A_346 = %while3A_77#8, %while3A_347 = %while3A_77#9, %while3A_348 = %while3A_77#10, %while3A_349 = %while3A_77#11, %while3A_350 = %while3A_77#12, %while3A_351 = %while3A_77#13, %while3A_352 = %while3A_77#14, %while3A_353 = %while3A_77#15) -> (vector<16xf32>, vector<16xf32>, vector<16xf32>, vector<16xf32>, vector<16xf32>, vector<16xf32>, vector<16xf32>, vector<16xf32>, vector<16xi32>, vector<16xi32>, vector<16xi32>, vector<16xi32>, vector<16xi32>, vector<16xi32>, vector<16xi32>, vector<16xi32>)  : i32 {
      %add3A_354 = arith.addi %add3A_63, %while3A_337 : i32
      %broadcast_in_dim3A_355 = vector.broadcast %add3A_354 : i32 to vector<16xi32>
      %get3A = arith.index_cast %while3A_337 : i32 to index
      %get3A_356 = arith.constant 0 : index
      %get3A_357 = tpu.vector_load %arg5[%get3A, %get3A_356] {strides = array<i32>} : memref<448x128xf32, #tpu.memory_space<vmem>>, vector<16xf32>,
      %gt3A = arith.cmpf ogt, %get3A_357, %while3A_338 : vector<16xf32>
      %select_n3A_358 = arith.select %gt3A, %get3A_357, %while3A_338 : vector<16xi1>, vector<16xf32>
      %select_n3A_359 = arith.select %gt3A, %broadcast_in_dim3A_355, %while3A_346 : vector<16xi1>, vector<16xi32>
      %get3A_360 = arith.index_cast %while3A_337 : i32 to index
      %get3A_361 = arith.constant 16 : index
      %get3A_362 = tpu.vector_load %arg5[%get3A_360, %get3A_361] {strides = array<i32>} : memref<448x128xf32, #tpu.memory_space<vmem>>, vector<16xf32>,
      %gt3A_363 = arith.cmpf ogt, %get3A_362, %while3A_339 : vector<16xf32>
      %select_n3A_364 = arith.select %gt3A_363, %get3A_362, %while3A_339 : vector<16xi1>, vector<16xf32>
      %select_n3A_365 = arith.select %gt3A_363, %broadcast_in_dim3A_355, %while3A_347 : vector<16xi1>, vector<16xi32>
      %get3A_366 = arith.index_cast %while3A_337 : i32 to index
      %get3A_367 = arith.constant 32 : index
      %get3A_368 = tpu.vector_load %arg5[%get3A_366, %get3A_367] {strides = array<i32>} : memref<448x128xf32, #tpu.memory_space<vmem>>, vector<16xf32>,
      %gt3A_369 = arith.cmpf ogt, %get3A_368, %while3A_340 : vector<16xf32>
      %select_n3A_370 = arith.select %gt3A_369, %get3A_368, %while3A_340 : vector<16xi1>, vector<16xf32>
      %select_n3A_371 = arith.select %gt3A_369, %broadcast_in_dim3A_355, %while3A_348 : vector<16xi1>, vector<16xi32>
      %get3A_372 = arith.index_cast %while3A_337 : i32 to index
      %get3A_373 = arith.constant 48 : index
      %get3A_374 = tpu.vector_load %arg5[%get3A_372, %get3A_373] {strides = array<i32>} : memref<448x128xf32, #tpu.memory_space<vmem>>, vector<16xf32>,
      %gt3A_375 = arith.cmpf ogt, %get3A_374, %while3A_341 : vector<16xf32>
      %select_n3A_376 = arith.select %gt3A_375, %get3A_374, %while3A_341 : vector<16xi1>, vector<16xf32>
      %select_n3A_377 = arith.select %gt3A_375, %broadcast_in_dim3A_355, %while3A_349 : vector<16xi1>, vector<16xi32>
      %get3A_378 = arith.index_cast %while3A_337 : i32 to index
      %get3A_379 = arith.constant 64 : index
      %get3A_380 = tpu.vector_load %arg5[%get3A_378, %get3A_379] {strides = array<i32>} : memref<448x128xf32, #tpu.memory_space<vmem>>, vector<16xf32>,
      %gt3A_381 = arith.cmpf ogt, %get3A_380, %while3A_342 : vector<16xf32>
      %select_n3A_382 = arith.select %gt3A_381, %get3A_380, %while3A_342 : vector<16xi1>, vector<16xf32>
      %select_n3A_383 = arith.select %gt3A_381, %broadcast_in_dim3A_355, %while3A_350 : vector<16xi1>, vector<16xi32>
      %get3A_384 = arith.index_cast %while3A_337 : i32 to index
      %get3A_385 = arith.constant 80 : index
      %get3A_386 = tpu.vector_load %arg5[%get3A_384, %get3A_385] {strides = array<i32>} : memref<448x128xf32, #tpu.memory_space<vmem>>, vector<16xf32>,
      %gt3A_387 = arith.cmpf ogt, %get3A_386, %while3A_343 : vector<16xf32>
      %select_n3A_388 = arith.select %gt3A_387, %get3A_386, %while3A_343 : vector<16xi1>, vector<16xf32>
      %select_n3A_389 = arith.select %gt3A_387, %broadcast_in_dim3A_355, %while3A_351 : vector<16xi1>, vector<16xi32>
      %get3A_390 = arith.index_cast %while3A_337 : i32 to index
      %get3A_391 = arith.constant 96 : index
      %get3A_392 = tpu.vector_load %arg5[%get3A_390, %get3A_391] {strides = array<i32>} : memref<448x128xf32, #tpu.memory_space<vmem>>, vector<16xf32>,
      %gt3A_393 = arith.cmpf ogt, %get3A_392, %while3A_344 : vector<16xf32>
      %select_n3A_394 = arith.select %gt3A_393, %get3A_392, %while3A_344 : vector<16xi1>, vector<16xf32>
      %select_n3A_395 = arith.select %gt3A_393, %broadcast_in_dim3A_355, %while3A_352 : vector<16xi1>, vector<16xi32>
      %get3A_396 = arith.index_cast %while3A_337 : i32 to index
      %get3A_397 = arith.constant 112 : index
      %get3A_398 = tpu.vector_load %arg5[%get3A_396, %get3A_397] {strides = array<i32>} : memref<448x128xf32, #tpu.memory_space<vmem>>, vector<16xf32>,
      %gt3A_399 = arith.cmpf ogt, %get3A_398, %while3A_345 : vector<16xf32>
      %select_n3A_400 = arith.select %gt3A_399, %get3A_398, %while3A_345 : vector<16xi1>, vector<16xf32>
      %select_n3A_401 = arith.select %gt3A_399, %broadcast_in_dim3A_355, %while3A_353 : vector<16xi1>, vector<16xi32>
      scf.yield %select_n3A_358, %select_n3A_364, %select_n3A_370, %select_n3A_376, %select_n3A_382, %select_n3A_388, %select_n3A_394, %select_n3A_400, %select_n3A_359, %select_n3A_365, %select_n3A_371, %select_n3A_377, %select_n3A_383, %select_n3A_389, %select_n3A_395, %select_n3A_401 : vector<16xf32>, vector<16xf32>, vector<16xf32>, vector<16xf32>, vector<16xf32>, vector<16xf32>, vector<16xf32>, vector<16xf32>, vector<16xi32>, vector<16xi32>, vector<16xi32>, vector<16xi32>, vector<16xi32>, vector<16xi32>, vector<16xi32>, vector<16xi32>
    }
    %add3A_80 = arith.constant 896 : i32
    %add3A_81 = arith.addi %add3A_34, %add3A_80 : i32
    %dma_start3A_82 = arith.constant 0 : i32
    %dma_start3A_83 = tpu.memref_slice %arg2[%add3A, %add3A_81, %dma_start3A_82] : memref<4x100000x128xf32, #tpu.memory_space<hbm>> -> memref<1x448x128xf32, #tpu.memory_space<hbm>>
    %dma_start3A_84 = tpu.memref_squeeze %dma_start3A_83 : memref<1x448x128xf32, #tpu.memory_space<hbm>> -> memref<448x128xf32, #tpu.memory_space<hbm>>
    %dma_start3A_85 = arith.constant 0 : i32
    %dma_start3A_86 = tpu.memref_slice %arg2[%add3A, %add3A_81, %dma_start3A_85] : memref<4x100000x128xf32, #tpu.memory_space<hbm>> -> memref<1x448x128xf32, #tpu.memory_space<hbm>>
    %dma_start3A_87 = tpu.memref_squeeze %dma_start3A_86 : memref<1x448x128xf32, #tpu.memory_space<hbm>> -> memref<448x128xf32, #tpu.memory_space<hbm>>
    tpu.enqueue_dma source(%dma_start3A_87 : memref<448x128xf32, #tpu.memory_space<hbm>>) target(%arg5 : memref<448x128xf32, #tpu.memory_space<vmem>>) target_semaphore(%arg13 : memref<!tpu.dma_semaphore, #tpu.memory_space<semaphore_mem>>)
    %dma_wait3A_88 = arith.constant 0 : i32
    %dma_wait3A_89 = tpu.memref_slice %arg2[%add3A, %add3A_50, %dma_wait3A_88] : memref<4x100000x128xf32, #tpu.memory_space<hbm>> -> memref<1x448x128xf32, #tpu.memory_space<hbm>>
    %dma_wait3A_90 = tpu.memref_squeeze %dma_wait3A_89 : memref<1x448x128xf32, #tpu.memory_space<hbm>> -> memref<448x128xf32, #tpu.memory_space<hbm>>
    %dma_wait3A_91 = arith.constant 0 : i32
    %dma_wait3A_92 = tpu.memref_slice %arg2[%add3A, %add3A_50, %dma_wait3A_91] : memref<4x100000x128xf32, #tpu.memory_space<hbm>> -> memref<1x448x128xf32, #tpu.memory_space<hbm>>
    %dma_wait3A_93 = tpu.memref_squeeze %dma_wait3A_92 : memref<1x448x128xf32, #tpu.memory_space<hbm>> -> memref<448x128xf32, #tpu.memory_space<hbm>>
    tpu.wait_dma2 semaphore(%arg14 : memref<!tpu.dma_semaphore, #tpu.memory_space<semaphore_mem>>) src(%dma_wait3A_93 : memref<448x128xf32, #tpu.memory_space<hbm>>) dst(%arg6 : memref<448x128xf32, #tpu.memory_space<vmem>>)
    %add3A_94 = arith.constant 448 : i32
    %add3A_95 = arith.addi %add3A_34, %add3A_94 : i32
    %sub3A_96 = arith.constant 448 : i32
    %sub3A_97 = arith.subi %min3A, %sub3A_96 : i32
    %jit3A_98 = arith.constant 0 : i32
    %jit3A_99 = arith.constant 448 : i32
    %max3A_100 = arith.maxsi %jit3A_98, %sub3A_97 : i32
    %min3A_101 = arith.minsi %jit3A_99, %max3A_100 : i32
    %while3A_102 = arith.constant 0 : i32
    %while3A_103 = arith.subi %min3A_101, %while3A_102 : i32
    %while3A_104 = arith.addi %while3A_102, %while3A_103 : i32
    %while3A_105 = arith.constant 1 : i32
    %while3A_106 = arith.divsi %while3A_103, %while3A_105 : i32
    %while3A_107 = arith.muli %while3A_106, %while3A_105 : i32
    %while3A_108 = arith.addi %while3A_102, %while3A_107 : i32
    %while3A_109 = arith.constant 1 : i32
    %while3A_110:16 = scf.for %while3A_337 = %while3A_102 to %while3A_108 step %while3A_109 iter_args(%while3A_338 = %while3A_79#0, %while3A_339 = %while3A_79#1, %while3A_340 = %while3A_79#2, %while3A_341 = %while3A_79#3, %while3A_342 = %while3A_79#4, %while3A_343 = %while3A_79#5, %while3A_344 = %while3A_79#6, %while3A_345 = %while3A_79#7, %while3A_346 = %while3A_79#8, %while3A_347 = %while3A_79#9, %while3A_348 = %while3A_79#10, %while3A_349 = %while3A_79#11, %while3A_350 = %while3A_79#12, %while3A_351 = %while3A_79#13, %while3A_352 = %while3A_79#14, %while3A_353 = %while3A_79#15) -> (vector<16xf32>, vector<16xf32>, vector<16xf32>, vector<16xf32>, vector<16xf32>, vector<16xf32>, vector<16xf32>, vector<16xf32>, vector<16xi32>, vector<16xi32>, vector<16xi32>, vector<16xi32>, vector<16xi32>, vector<16xi32>, vector<16xi32>, vector<16xi32>)  : i32 {
      %add3A_354 = arith.addi %add3A_95, %while3A_337 : i32
      %broadcast_in_dim3A_355 = vector.broadcast %add3A_354 : i32 to vector<16xi32>
      %get3A = arith.index_cast %while3A_337 : i32 to index
      %get3A_356 = arith.constant 0 : index
      %get3A_357 = tpu.vector_load %arg6[%get3A, %get3A_356] {strides = array<i32>} : memref<448x128xf32, #tpu.memory_space<vmem>>, vector<16xf32>,
      %gt3A = arith.cmpf ogt, %get3A_357, %while3A_338 : vector<16xf32>
      %select_n3A_358 = arith.select %gt3A, %get3A_357, %while3A_338 : vector<16xi1>, vector<16xf32>
      %select_n3A_359 = arith.select %gt3A, %broadcast_in_dim3A_355, %while3A_346 : vector<16xi1>, vector<16xi32>
      %get3A_360 = arith.index_cast %while3A_337 : i32 to index
      %get3A_361 = arith.constant 16 : index
      %get3A_362 = tpu.vector_load %arg6[%get3A_360, %get3A_361] {strides = array<i32>} : memref<448x128xf32, #tpu.memory_space<vmem>>, vector<16xf32>,
      %gt3A_363 = arith.cmpf ogt, %get3A_362, %while3A_339 : vector<16xf32>
      %select_n3A_364 = arith.select %gt3A_363, %get3A_362, %while3A_339 : vector<16xi1>, vector<16xf32>
      %select_n3A_365 = arith.select %gt3A_363, %broadcast_in_dim3A_355, %while3A_347 : vector<16xi1>, vector<16xi32>
      %get3A_366 = arith.index_cast %while3A_337 : i32 to index
      %get3A_367 = arith.constant 32 : index
      %get3A_368 = tpu.vector_load %arg6[%get3A_366, %get3A_367] {strides = array<i32>} : memref<448x128xf32, #tpu.memory_space<vmem>>, vector<16xf32>,
      %gt3A_369 = arith.cmpf ogt, %get3A_368, %while3A_340 : vector<16xf32>
      %select_n3A_370 = arith.select %gt3A_369, %get3A_368, %while3A_340 : vector<16xi1>, vector<16xf32>
      %select_n3A_371 = arith.select %gt3A_369, %broadcast_in_dim3A_355, %while3A_348 : vector<16xi1>, vector<16xi32>
      %get3A_372 = arith.index_cast %while3A_337 : i32 to index
      %get3A_373 = arith.constant 48 : index
      %get3A_374 = tpu.vector_load %arg6[%get3A_372, %get3A_373] {strides = array<i32>} : memref<448x128xf32, #tpu.memory_space<vmem>>, vector<16xf32>,
      %gt3A_375 = arith.cmpf ogt, %get3A_374, %while3A_341 : vector<16xf32>
      %select_n3A_376 = arith.select %gt3A_375, %get3A_374, %while3A_341 : vector<16xi1>, vector<16xf32>
      %select_n3A_377 = arith.select %gt3A_375, %broadcast_in_dim3A_355, %while3A_349 : vector<16xi1>, vector<16xi32>
      %get3A_378 = arith.index_cast %while3A_337 : i32 to index
      %get3A_379 = arith.constant 64 : index
      %get3A_380 = tpu.vector_load %arg6[%get3A_378, %get3A_379] {strides = array<i32>} : memref<448x128xf32, #tpu.memory_space<vmem>>, vector<16xf32>,
      %gt3A_381 = arith.cmpf ogt, %get3A_380, %while3A_342 : vector<16xf32>
      %select_n3A_382 = arith.select %gt3A_381, %get3A_380, %while3A_342 : vector<16xi1>, vector<16xf32>
      %select_n3A_383 = arith.select %gt3A_381, %broadcast_in_dim3A_355, %while3A_350 : vector<16xi1>, vector<16xi32>
      %get3A_384 = arith.index_cast %while3A_337 : i32 to index
      %get3A_385 = arith.constant 80 : index
      %get3A_386 = tpu.vector_load %arg6[%get3A_384, %get3A_385] {strides = array<i32>} : memref<448x128xf32, #tpu.memory_space<vmem>>, vector<16xf32>,
      %gt3A_387 = arith.cmpf ogt, %get3A_386, %while3A_343 : vector<16xf32>
      %select_n3A_388 = arith.select %gt3A_387, %get3A_386, %while3A_343 : vector<16xi1>, vector<16xf32>
      %select_n3A_389 = arith.select %gt3A_387, %broadcast_in_dim3A_355, %while3A_351 : vector<16xi1>, vector<16xi32>
      %get3A_390 = arith.index_cast %while3A_337 : i32 to index
      %get3A_391 = arith.constant 96 : index
      %get3A_392 = tpu.vector_load %arg6[%get3A_390, %get3A_391] {strides = array<i32>} : memref<448x128xf32, #tpu.memory_space<vmem>>, vector<16xf32>,
      %gt3A_393 = arith.cmpf ogt, %get3A_392, %while3A_344 : vector<16xf32>
      %select_n3A_394 = arith.select %gt3A_393, %get3A_392, %while3A_344 : vector<16xi1>, vector<16xf32>
      %select_n3A_395 = arith.select %gt3A_393, %broadcast_in_dim3A_355, %while3A_352 : vector<16xi1>, vector<16xi32>
      %get3A_396 = arith.index_cast %while3A_337 : i32 to index
      %get3A_397 = arith.constant 112 : index
      %get3A_398 = tpu.vector_load %arg6[%get3A_396, %get3A_397] {strides = array<i32>} : memref<448x128xf32, #tpu.memory_space<vmem>>, vector<16xf32>,
      %gt3A_399 = arith.cmpf ogt, %get3A_398, %while3A_345 : vector<16xf32>
      %select_n3A_400 = arith.select %gt3A_399, %get3A_398, %while3A_345 : vector<16xi1>, vector<16xf32>
      %select_n3A_401 = arith.select %gt3A_399, %broadcast_in_dim3A_355, %while3A_353 : vector<16xi1>, vector<16xi32>
      scf.yield %select_n3A_358, %select_n3A_364, %select_n3A_370, %select_n3A_376, %select_n3A_382, %select_n3A_388, %select_n3A_394, %select_n3A_400, %select_n3A_359, %select_n3A_365, %select_n3A_371, %select_n3A_377, %select_n3A_383, %select_n3A_389, %select_n3A_395, %select_n3A_401 : vector<16xf32>, vector<16xf32>, vector<16xf32>, vector<16xf32>, vector<16xf32>, vector<16xf32>, vector<16xf32>, vector<16xf32>, vector<16xi32>, vector<16xi32>, vector<16xi32>, vector<16xi32>, vector<16xi32>, vector<16xi32>, vector<16xi32>, vector<16xi32>
    }
    %while3A_111 = arith.constant 1 : i32
    %while3A_112:16 = scf.for %while3A_337 = %while3A_108 to %while3A_104 step %while3A_111 iter_args(%while3A_338 = %while3A_110#0, %while3A_339 = %while3A_110#1, %while3A_340 = %while3A_110#2, %while3A_341 = %while3A_110#3, %while3A_342 = %while3A_110#4, %while3A_343 = %while3A_110#5, %while3A_344 = %while3A_110#6, %while3A_345 = %while3A_110#7, %while3A_346 = %while3A_110#8, %while3A_347 = %while3A_110#9, %while3A_348 = %while3A_110#10, %while3A_349 = %while3A_110#11, %while3A_350 = %while3A_110#12, %while3A_351 = %while3A_110#13, %while3A_352 = %while3A_110#14, %while3A_353 = %while3A_110#15) -> (vector<16xf32>, vector<16xf32>, vector<16xf32>, vector<16xf32>, vector<16xf32>, vector<16xf32>, vector<16xf32>, vector<16xf32>, vector<16xi32>, vector<16xi32>, vector<16xi32>, vector<16xi32>, vector<16xi32>, vector<16xi32>, vector<16xi32>, vector<16xi32>)  : i32 {
      %add3A_354 = arith.addi %add3A_95, %while3A_337 : i32
      %broadcast_in_dim3A_355 = vector.broadcast %add3A_354 : i32 to vector<16xi32>
      %get3A = arith.index_cast %while3A_337 : i32 to index
      %get3A_356 = arith.constant 0 : index
      %get3A_357 = tpu.vector_load %arg6[%get3A, %get3A_356] {strides = array<i32>} : memref<448x128xf32, #tpu.memory_space<vmem>>, vector<16xf32>,
      %gt3A = arith.cmpf ogt, %get3A_357, %while3A_338 : vector<16xf32>
      %select_n3A_358 = arith.select %gt3A, %get3A_357, %while3A_338 : vector<16xi1>, vector<16xf32>
      %select_n3A_359 = arith.select %gt3A, %broadcast_in_dim3A_355, %while3A_346 : vector<16xi1>, vector<16xi32>
      %get3A_360 = arith.index_cast %while3A_337 : i32 to index
      %get3A_361 = arith.constant 16 : index
      %get3A_362 = tpu.vector_load %arg6[%get3A_360, %get3A_361] {strides = array<i32>} : memref<448x128xf32, #tpu.memory_space<vmem>>, vector<16xf32>,
      %gt3A_363 = arith.cmpf ogt, %get3A_362, %while3A_339 : vector<16xf32>
      %select_n3A_364 = arith.select %gt3A_363, %get3A_362, %while3A_339 : vector<16xi1>, vector<16xf32>
      %select_n3A_365 = arith.select %gt3A_363, %broadcast_in_dim3A_355, %while3A_347 : vector<16xi1>, vector<16xi32>
      %get3A_366 = arith.index_cast %while3A_337 : i32 to index
      %get3A_367 = arith.constant 32 : index
      %get3A_368 = tpu.vector_load %arg6[%get3A_366, %get3A_367] {strides = array<i32>} : memref<448x128xf32, #tpu.memory_space<vmem>>, vector<16xf32>,
      %gt3A_369 = arith.cmpf ogt, %get3A_368, %while3A_340 : vector<16xf32>
      %select_n3A_370 = arith.select %gt3A_369, %get3A_368, %while3A_340 : vector<16xi1>, vector<16xf32>
      %select_n3A_371 = arith.select %gt3A_369, %broadcast_in_dim3A_355, %while3A_348 : vector<16xi1>, vector<16xi32>
      %get3A_372 = arith.index_cast %while3A_337 : i32 to index
      %get3A_373 = arith.constant 48 : index
      %get3A_374 = tpu.vector_load %arg6[%get3A_372, %get3A_373] {strides = array<i32>} : memref<448x128xf32, #tpu.memory_space<vmem>>, vector<16xf32>,
      %gt3A_375 = arith.cmpf ogt, %get3A_374, %while3A_341 : vector<16xf32>
      %select_n3A_376 = arith.select %gt3A_375, %get3A_374, %while3A_341 : vector<16xi1>, vector<16xf32>
      %select_n3A_377 = arith.select %gt3A_375, %broadcast_in_dim3A_355, %while3A_349 : vector<16xi1>, vector<16xi32>
      %get3A_378 = arith.index_cast %while3A_337 : i32 to index
      %get3A_379 = arith.constant 64 : index
      %get3A_380 = tpu.vector_load %arg6[%get3A_378, %get3A_379] {strides = array<i32>} : memref<448x128xf32, #tpu.memory_space<vmem>>, vector<16xf32>,
      %gt3A_381 = arith.cmpf ogt, %get3A_380, %while3A_342 : vector<16xf32>
      %select_n3A_382 = arith.select %gt3A_381, %get3A_380, %while3A_342 : vector<16xi1>, vector<16xf32>
      %select_n3A_383 = arith.select %gt3A_381, %broadcast_in_dim3A_355, %while3A_350 : vector<16xi1>, vector<16xi32>
      %get3A_384 = arith.index_cast %while3A_337 : i32 to index
      %get3A_385 = arith.constant 80 : index
      %get3A_386 = tpu.vector_load %arg6[%get3A_384, %get3A_385] {strides = array<i32>} : memref<448x128xf32, #tpu.memory_space<vmem>>, vector<16xf32>,
      %gt3A_387 = arith.cmpf ogt, %get3A_386, %while3A_343 : vector<16xf32>
      %select_n3A_388 = arith.select %gt3A_387, %get3A_386, %while3A_343 : vector<16xi1>, vector<16xf32>
      %select_n3A_389 = arith.select %gt3A_387, %broadcast_in_dim3A_355, %while3A_351 : vector<16xi1>, vector<16xi32>
      %get3A_390 = arith.index_cast %while3A_337 : i32 to index
      %get3A_391 = arith.constant 96 : index
      %get3A_392 = tpu.vector_load %arg6[%get3A_390, %get3A_391] {strides = array<i32>} : memref<448x128xf32, #tpu.memory_space<vmem>>, vector<16xf32>,
      %gt3A_393 = arith.cmpf ogt, %get3A_392, %while3A_344 : vector<16xf32>
      %select_n3A_394 = arith.select %gt3A_393, %get3A_392, %while3A_344 : vector<16xi1>, vector<16xf32>
      %select_n3A_395 = arith.select %gt3A_393, %broadcast_in_dim3A_355, %while3A_352 : vector<16xi1>, vector<16xi32>
      %get3A_396 = arith.index_cast %while3A_337 : i32 to index
      %get3A_397 = arith.constant 112 : index
      %get3A_398 = tpu.vector_load %arg6[%get3A_396, %get3A_397] {strides = array<i32>} : memref<448x128xf32, #tpu.memory_space<vmem>>, vector<16xf32>,
      %gt3A_399 = arith.cmpf ogt, %get3A_398, %while3A_345 : vector<16xf32>
      %select_n3A_400 = arith.select %gt3A_399, %get3A_398, %while3A_345 : vector<16xi1>, vector<16xf32>
      %select_n3A_401 = arith.select %gt3A_399, %broadcast_in_dim3A_355, %while3A_353 : vector<16xi1>, vector<16xi32>
      scf.yield %select_n3A_358, %select_n3A_364, %select_n3A_370, %select_n3A_376, %select_n3A_382, %select_n3A_388, %select_n3A_394, %select_n3A_400, %select_n3A_359, %select_n3A_365, %select_n3A_371, %select_n3A_377, %select_n3A_383, %select_n3A_389, %select_n3A_395, %select_n3A_401 : vector<16xf32>, vector<16xf32>, vector<16xf32>, vector<16xf32>, vector<16xf32>, vector<16xf32>, vector<16xf32>, vector<16xf32>, vector<16xi32>, vector<16xi32>, vector<16xi32>, vector<16xi32>, vector<16xi32>, vector<16xi32>, vector<16xi32>, vector<16xi32>
    }
    %add3A_113 = arith.constant 1344 : i32
    %add3A_114 = arith.addi %add3A_34, %add3A_113 : i32
    %dma_start3A_115 = arith.constant 0 : i32
    %dma_start3A_116 = tpu.memref_slice %arg2[%add3A, %add3A_114, %dma_start3A_115] : memref<4x100000x128xf32, #tpu.memory_space<hbm>> -> memref<1x448x128xf32, #tpu.memory_space<hbm>>
    %dma_start3A_117 = tpu.memref_squeeze %dma_start3A_116 : memref<1x448x128xf32, #tpu.memory_space<hbm>> -> memref<448x128xf32, #tpu.memory_space<hbm>>
    %dma_start3A_118 = arith.constant 0 : i32
    %dma_start3A_119 = tpu.memref_slice %arg2[%add3A, %add3A_114, %dma_start3A_118] : memref<4x100000x128xf32, #tpu.memory_space<hbm>> -> memref<1x448x128xf32, #tpu.memory_space<hbm>>
    %dma_start3A_120 = tpu.memref_squeeze %dma_start3A_119 : memref<1x448x128xf32, #tpu.memory_space<hbm>> -> memref<448x128xf32, #tpu.memory_space<hbm>>
    tpu.enqueue_dma source(%dma_start3A_120 : memref<448x128xf32, #tpu.memory_space<hbm>>) target(%arg6 : memref<448x128xf32, #tpu.memory_space<vmem>>) target_semaphore(%arg14 : memref<!tpu.dma_semaphore, #tpu.memory_space<semaphore_mem>>)
    %dma_wait3A_121 = arith.constant 0 : i32
    %dma_wait3A_122 = tpu.memref_slice %arg2[%add3A, %add3A_81, %dma_wait3A_121] : memref<4x100000x128xf32, #tpu.memory_space<hbm>> -> memref<1x448x128xf32, #tpu.memory_space<hbm>>
    %dma_wait3A_123 = tpu.memref_squeeze %dma_wait3A_122 : memref<1x448x128xf32, #tpu.memory_space<hbm>> -> memref<448x128xf32, #tpu.memory_space<hbm>>
    %dma_wait3A_124 = arith.constant 0 : i32
    %dma_wait3A_125 = tpu.memref_slice %arg2[%add3A, %add3A_81, %dma_wait3A_124] : memref<4x100000x128xf32, #tpu.memory_space<hbm>> -> memref<1x448x128xf32, #tpu.memory_space<hbm>>
    %dma_wait3A_126 = tpu.memref_squeeze %dma_wait3A_125 : memref<1x448x128xf32, #tpu.memory_space<hbm>> -> memref<448x128xf32, #tpu.memory_space<hbm>>
    tpu.wait_dma2 semaphore(%arg13 : memref<!tpu.dma_semaphore, #tpu.memory_space<semaphore_mem>>) src(%dma_wait3A_126 : memref<448x128xf32, #tpu.memory_space<hbm>>) dst(%arg5 : memref<448x128xf32, #tpu.memory_space<vmem>>)
    %add3A_127 = arith.constant 896 : i32
    %add3A_128 = arith.addi %add3A_34, %add3A_127 : i32
    %sub3A_129 = arith.constant 896 : i32
    %sub3A_130 = arith.subi %min3A, %sub3A_129 : i32
    %jit3A_131 = arith.constant 0 : i32
    %jit3A_132 = arith.constant 448 : i32
    %max3A_133 = arith.maxsi %jit3A_131, %sub3A_130 : i32
    %min3A_134 = arith.minsi %jit3A_132, %max3A_133 : i32
    %while3A_135 = arith.constant 0 : i32
    %while3A_136 = arith.subi %min3A_134, %while3A_135 : i32
    %while3A_137 = arith.addi %while3A_135, %while3A_136 : i32
    %while3A_138 = arith.constant 1 : i32
    %while3A_139 = arith.divsi %while3A_136, %while3A_138 : i32
    %while3A_140 = arith.muli %while3A_139, %while3A_138 : i32
    %while3A_141 = arith.addi %while3A_135, %while3A_140 : i32
    %while3A_142 = arith.constant 1 : i32
    %while3A_143:16 = scf.for %while3A_337 = %while3A_135 to %while3A_141 step %while3A_142 iter_args(%while3A_338 = %while3A_112#0, %while3A_339 = %while3A_112#1, %while3A_340 = %while3A_112#2, %while3A_341 = %while3A_112#3, %while3A_342 = %while3A_112#4, %while3A_343 = %while3A_112#5, %while3A_344 = %while3A_112#6, %while3A_345 = %while3A_112#7, %while3A_346 = %while3A_112#8, %while3A_347 = %while3A_112#9, %while3A_348 = %while3A_112#10, %while3A_349 = %while3A_112#11, %while3A_350 = %while3A_112#12, %while3A_351 = %while3A_112#13, %while3A_352 = %while3A_112#14, %while3A_353 = %while3A_112#15) -> (vector<16xf32>, vector<16xf32>, vector<16xf32>, vector<16xf32>, vector<16xf32>, vector<16xf32>, vector<16xf32>, vector<16xf32>, vector<16xi32>, vector<16xi32>, vector<16xi32>, vector<16xi32>, vector<16xi32>, vector<16xi32>, vector<16xi32>, vector<16xi32>)  : i32 {
      %add3A_354 = arith.addi %add3A_128, %while3A_337 : i32
      %broadcast_in_dim3A_355 = vector.broadcast %add3A_354 : i32 to vector<16xi32>
      %get3A = arith.index_cast %while3A_337 : i32 to index
      %get3A_356 = arith.constant 0 : index
      %get3A_357 = tpu.vector_load %arg5[%get3A, %get3A_356] {strides = array<i32>} : memref<448x128xf32, #tpu.memory_space<vmem>>, vector<16xf32>,
      %gt3A = arith.cmpf ogt, %get3A_357, %while3A_338 : vector<16xf32>
      %select_n3A_358 = arith.select %gt3A, %get3A_357, %while3A_338 : vector<16xi1>, vector<16xf32>
      %select_n3A_359 = arith.select %gt3A, %broadcast_in_dim3A_355, %while3A_346 : vector<16xi1>, vector<16xi32>
      %get3A_360 = arith.index_cast %while3A_337 : i32 to index
      %get3A_361 = arith.constant 16 : index
      %get3A_362 = tpu.vector_load %arg5[%get3A_360, %get3A_361] {strides = array<i32>} : memref<448x128xf32, #tpu.memory_space<vmem>>, vector<16xf32>,
      %gt3A_363 = arith.cmpf ogt, %get3A_362, %while3A_339 : vector<16xf32>
      %select_n3A_364 = arith.select %gt3A_363, %get3A_362, %while3A_339 : vector<16xi1>, vector<16xf32>
      %select_n3A_365 = arith.select %gt3A_363, %broadcast_in_dim3A_355, %while3A_347 : vector<16xi1>, vector<16xi32>
      %get3A_366 = arith.index_cast %while3A_337 : i32 to index
      %get3A_367 = arith.constant 32 : index
      %get3A_368 = tpu.vector_load %arg5[%get3A_366, %get3A_367] {strides = array<i32>} : memref<448x128xf32, #tpu.memory_space<vmem>>, vector<16xf32>,
      %gt3A_369 = arith.cmpf ogt, %get3A_368, %while3A_340 : vector<16xf32>
      %select_n3A_370 = arith.select %gt3A_369, %get3A_368, %while3A_340 : vector<16xi1>, vector<16xf32>
      %select_n3A_371 = arith.select %gt3A_369, %broadcast_in_dim3A_355, %while3A_348 : vector<16xi1>, vector<16xi32>
      %get3A_372 = arith.index_cast %while3A_337 : i32 to index
      %get3A_373 = arith.constant 48 : index
      %get3A_374 = tpu.vector_load %arg5[%get3A_372, %get3A_373] {strides = array<i32>} : memref<448x128xf32, #tpu.memory_space<vmem>>, vector<16xf32>,
      %gt3A_375 = arith.cmpf ogt, %get3A_374, %while3A_341 : vector<16xf32>
      %select_n3A_376 = arith.select %gt3A_375, %get3A_374, %while3A_341 : vector<16xi1>, vector<16xf32>
      %select_n3A_377 = arith.select %gt3A_375, %broadcast_in_dim3A_355, %while3A_349 : vector<16xi1>, vector<16xi32>
      %get3A_378 = arith.index_cast %while3A_337 : i32 to index
      %get3A_379 = arith.constant 64 : index
      %get3A_380 = tpu.vector_load %arg5[%get3A_378, %get3A_379] {strides = array<i32>} : memref<448x128xf32, #tpu.memory_space<vmem>>, vector<16xf32>,
      %gt3A_381 = arith.cmpf ogt, %get3A_380, %while3A_342 : vector<16xf32>
      %select_n3A_382 = arith.select %gt3A_381, %get3A_380, %while3A_342 : vector<16xi1>, vector<16xf32>
      %select_n3A_383 = arith.select %gt3A_381, %broadcast_in_dim3A_355, %while3A_350 : vector<16xi1>, vector<16xi32>
      %get3A_384 = arith.index_cast %while3A_337 : i32 to index
      %get3A_385 = arith.constant 80 : index
      %get3A_386 = tpu.vector_load %arg5[%get3A_384, %get3A_385] {strides = array<i32>} : memref<448x128xf32, #tpu.memory_space<vmem>>, vector<16xf32>,
      %gt3A_387 = arith.cmpf ogt, %get3A_386, %while3A_343 : vector<16xf32>
      %select_n3A_388 = arith.select %gt3A_387, %get3A_386, %while3A_343 : vector<16xi1>, vector<16xf32>
      %select_n3A_389 = arith.select %gt3A_387, %broadcast_in_dim3A_355, %while3A_351 : vector<16xi1>, vector<16xi32>
      %get3A_390 = arith.index_cast %while3A_337 : i32 to index
      %get3A_391 = arith.constant 96 : index
      %get3A_392 = tpu.vector_load %arg5[%get3A_390, %get3A_391] {strides = array<i32>} : memref<448x128xf32, #tpu.memory_space<vmem>>, vector<16xf32>,
      %gt3A_393 = arith.cmpf ogt, %get3A_392, %while3A_344 : vector<16xf32>
      %select_n3A_394 = arith.select %gt3A_393, %get3A_392, %while3A_344 : vector<16xi1>, vector<16xf32>
      %select_n3A_395 = arith.select %gt3A_393, %broadcast_in_dim3A_355, %while3A_352 : vector<16xi1>, vector<16xi32>
      %get3A_396 = arith.index_cast %while3A_337 : i32 to index
      %get3A_397 = arith.constant 112 : index
      %get3A_398 = tpu.vector_load %arg5[%get3A_396, %get3A_397] {strides = array<i32>} : memref<448x128xf32, #tpu.memory_space<vmem>>, vector<16xf32>,
      %gt3A_399 = arith.cmpf ogt, %get3A_398, %while3A_345 : vector<16xf32>
      %select_n3A_400 = arith.select %gt3A_399, %get3A_398, %while3A_345 : vector<16xi1>, vector<16xf32>
      %select_n3A_401 = arith.select %gt3A_399, %broadcast_in_dim3A_355, %while3A_353 : vector<16xi1>, vector<16xi32>
      scf.yield %select_n3A_358, %select_n3A_364, %select_n3A_370, %select_n3A_376, %select_n3A_382, %select_n3A_388, %select_n3A_394, %select_n3A_400, %select_n3A_359, %select_n3A_365, %select_n3A_371, %select_n3A_377, %select_n3A_383, %select_n3A_389, %select_n3A_395, %select_n3A_401 : vector<16xf32>, vector<16xf32>, vector<16xf32>, vector<16xf32>, vector<16xf32>, vector<16xf32>, vector<16xf32>, vector<16xf32>, vector<16xi32>, vector<16xi32>, vector<16xi32>, vector<16xi32>, vector<16xi32>, vector<16xi32>, vector<16xi32>, vector<16xi32>
    }
    %while3A_144 = arith.constant 1 : i32
    %while3A_145:16 = scf.for %while3A_337 = %while3A_141 to %while3A_137 step %while3A_144 iter_args(%while3A_338 = %while3A_143#0, %while3A_339 = %while3A_143#1, %while3A_340 = %while3A_143#2, %while3A_341 = %while3A_143#3, %while3A_342 = %while3A_143#4, %while3A_343 = %while3A_143#5, %while3A_344 = %while3A_143#6, %while3A_345 = %while3A_143#7, %while3A_346 = %while3A_143#8, %while3A_347 = %while3A_143#9, %while3A_348 = %while3A_143#10, %while3A_349 = %while3A_143#11, %while3A_350 = %while3A_143#12, %while3A_351 = %while3A_143#13, %while3A_352 = %while3A_143#14, %while3A_353 = %while3A_143#15) -> (vector<16xf32>, vector<16xf32>, vector<16xf32>, vector<16xf32>, vector<16xf32>, vector<16xf32>, vector<16xf32>, vector<16xf32>, vector<16xi32>, vector<16xi32>, vector<16xi32>, vector<16xi32>, vector<16xi32>, vector<16xi32>, vector<16xi32>, vector<16xi32>)  : i32 {
      %add3A_354 = arith.addi %add3A_128, %while3A_337 : i32
      %broadcast_in_dim3A_355 = vector.broadcast %add3A_354 : i32 to vector<16xi32>
      %get3A = arith.index_cast %while3A_337 : i32 to index
      %get3A_356 = arith.constant 0 : index
      %get3A_357 = tpu.vector_load %arg5[%get3A, %get3A_356] {strides = array<i32>} : memref<448x128xf32, #tpu.memory_space<vmem>>, vector<16xf32>,
      %gt3A = arith.cmpf ogt, %get3A_357, %while3A_338 : vector<16xf32>
      %select_n3A_358 = arith.select %gt3A, %get3A_357, %while3A_338 : vector<16xi1>, vector<16xf32>
      %select_n3A_359 = arith.select %gt3A, %broadcast_in_dim3A_355, %while3A_346 : vector<16xi1>, vector<16xi32>
      %get3A_360 = arith.index_cast %while3A_337 : i32 to index
      %get3A_361 = arith.constant 16 : index
      %get3A_362 = tpu.vector_load %arg5[%get3A_360, %get3A_361] {strides = array<i32>} : memref<448x128xf32, #tpu.memory_space<vmem>>, vector<16xf32>,
      %gt3A_363 = arith.cmpf ogt, %get3A_362, %while3A_339 : vector<16xf32>
      %select_n3A_364 = arith.select %gt3A_363, %get3A_362, %while3A_339 : vector<16xi1>, vector<16xf32>
      %select_n3A_365 = arith.select %gt3A_363, %broadcast_in_dim3A_355, %while3A_347 : vector<16xi1>, vector<16xi32>
      %get3A_366 = arith.index_cast %while3A_337 : i32 to index
      %get3A_367 = arith.constant 32 : index
      %get3A_368 = tpu.vector_load %arg5[%get3A_366, %get3A_367] {strides = array<i32>} : memref<448x128xf32, #tpu.memory_space<vmem>>, vector<16xf32>,
      %gt3A_369 = arith.cmpf ogt, %get3A_368, %while3A_340 : vector<16xf32>
      %select_n3A_370 = arith.select %gt3A_369, %get3A_368, %while3A_340 : vector<16xi1>, vector<16xf32>
      %select_n3A_371 = arith.select %gt3A_369, %broadcast_in_dim3A_355, %while3A_348 : vector<16xi1>, vector<16xi32>
      %get3A_372 = arith.index_cast %while3A_337 : i32 to index
      %get3A_373 = arith.constant 48 : index
      %get3A_374 = tpu.vector_load %arg5[%get3A_372, %get3A_373] {strides = array<i32>} : memref<448x128xf32, #tpu.memory_space<vmem>>, vector<16xf32>,
      %gt3A_375 = arith.cmpf ogt, %get3A_374, %while3A_341 : vector<16xf32>
      %select_n3A_376 = arith.select %gt3A_375, %get3A_374, %while3A_341 : vector<16xi1>, vector<16xf32>
      %select_n3A_377 = arith.select %gt3A_375, %broadcast_in_dim3A_355, %while3A_349 : vector<16xi1>, vector<16xi32>
      %get3A_378 = arith.index_cast %while3A_337 : i32 to index
      %get3A_379 = arith.constant 64 : index
      %get3A_380 = tpu.vector_load %arg5[%get3A_378, %get3A_379] {strides = array<i32>} : memref<448x128xf32, #tpu.memory_space<vmem>>, vector<16xf32>,
      %gt3A_381 = arith.cmpf ogt, %get3A_380, %while3A_342 : vector<16xf32>
      %select_n3A_382 = arith.select %gt3A_381, %get3A_380, %while3A_342 : vector<16xi1>, vector<16xf32>
      %select_n3A_383 = arith.select %gt3A_381, %broadcast_in_dim3A_355, %while3A_350 : vector<16xi1>, vector<16xi32>
      %get3A_384 = arith.index_cast %while3A_337 : i32 to index
      %get3A_385 = arith.constant 80 : index
      %get3A_386 = tpu.vector_load %arg5[%get3A_384, %get3A_385] {strides = array<i32>} : memref<448x128xf32, #tpu.memory_space<vmem>>, vector<16xf32>,
      %gt3A_387 = arith.cmpf ogt, %get3A_386, %while3A_343 : vector<16xf32>
      %select_n3A_388 = arith.select %gt3A_387, %get3A_386, %while3A_343 : vector<16xi1>, vector<16xf32>
      %select_n3A_389 = arith.select %gt3A_387, %broadcast_in_dim3A_355, %while3A_351 : vector<16xi1>, vector<16xi32>
      %get3A_390 = arith.index_cast %while3A_337 : i32 to index
      %get3A_391 = arith.constant 96 : index
      %get3A_392 = tpu.vector_load %arg5[%get3A_390, %get3A_391] {strides = array<i32>} : memref<448x128xf32, #tpu.memory_space<vmem>>, vector<16xf32>,
      %gt3A_393 = arith.cmpf ogt, %get3A_392, %while3A_344 : vector<16xf32>
      %select_n3A_394 = arith.select %gt3A_393, %get3A_392, %while3A_344 : vector<16xi1>, vector<16xf32>
      %select_n3A_395 = arith.select %gt3A_393, %broadcast_in_dim3A_355, %while3A_352 : vector<16xi1>, vector<16xi32>
      %get3A_396 = arith.index_cast %while3A_337 : i32 to index
      %get3A_397 = arith.constant 112 : index
      %get3A_398 = tpu.vector_load %arg5[%get3A_396, %get3A_397] {strides = array<i32>} : memref<448x128xf32, #tpu.memory_space<vmem>>, vector<16xf32>,
      %gt3A_399 = arith.cmpf ogt, %get3A_398, %while3A_345 : vector<16xf32>
      %select_n3A_400 = arith.select %gt3A_399, %get3A_398, %while3A_345 : vector<16xi1>, vector<16xf32>
      %select_n3A_401 = arith.select %gt3A_399, %broadcast_in_dim3A_355, %while3A_353 : vector<16xi1>, vector<16xi32>
      scf.yield %select_n3A_358, %select_n3A_364, %select_n3A_370, %select_n3A_376, %select_n3A_382, %select_n3A_388, %select_n3A_394, %select_n3A_400, %select_n3A_359, %select_n3A_365, %select_n3A_371, %select_n3A_377, %select_n3A_383, %select_n3A_389, %select_n3A_395, %select_n3A_401 : vector<16xf32>, vector<16xf32>, vector<16xf32>, vector<16xf32>, vector<16xf32>, vector<16xf32>, vector<16xf32>, vector<16xf32>, vector<16xi32>, vector<16xi32>, vector<16xi32>, vector<16xi32>, vector<16xi32>, vector<16xi32>, vector<16xi32>, vector<16xi32>
    }
    %add3A_146 = arith.constant 1792 : i32
    %add3A_147 = arith.addi %add3A_34, %add3A_146 : i32
    %dma_start3A_148 = arith.constant 0 : i32
    %dma_start3A_149 = tpu.memref_slice %arg2[%add3A, %add3A_147, %dma_start3A_148] : memref<4x100000x128xf32, #tpu.memory_space<hbm>> -> memref<1x448x128xf32, #tpu.memory_space<hbm>>
    %dma_start3A_150 = tpu.memref_squeeze %dma_start3A_149 : memref<1x448x128xf32, #tpu.memory_space<hbm>> -> memref<448x128xf32, #tpu.memory_space<hbm>>
    %dma_start3A_151 = arith.constant 0 : i32
    %dma_start3A_152 = tpu.memref_slice %arg2[%add3A, %add3A_147, %dma_start3A_151] : memref<4x100000x128xf32, #tpu.memory_space<hbm>> -> memref<1x448x128xf32, #tpu.memory_space<hbm>>
    %dma_start3A_153 = tpu.memref_squeeze %dma_start3A_152 : memref<1x448x128xf32, #tpu.memory_space<hbm>> -> memref<448x128xf32, #tpu.memory_space<hbm>>
    tpu.enqueue_dma source(%dma_start3A_153 : memref<448x128xf32, #tpu.memory_space<hbm>>) target(%arg5 : memref<448x128xf32, #tpu.memory_space<vmem>>) target_semaphore(%arg13 : memref<!tpu.dma_semaphore, #tpu.memory_space<semaphore_mem>>)
    %dma_wait3A_154 = arith.constant 0 : i32
    %dma_wait3A_155 = tpu.memref_slice %arg2[%add3A, %add3A_114, %dma_wait3A_154] : memref<4x100000x128xf32, #tpu.memory_space<hbm>> -> memref<1x448x128xf32, #tpu.memory_space<hbm>>
    %dma_wait3A_156 = tpu.memref_squeeze %dma_wait3A_155 : memref<1x448x128xf32, #tpu.memory_space<hbm>> -> memref<448x128xf32, #tpu.memory_space<hbm>>
    %dma_wait3A_157 = arith.constant 0 : i32
    %dma_wait3A_158 = tpu.memref_slice %arg2[%add3A, %add3A_114, %dma_wait3A_157] : memref<4x100000x128xf32, #tpu.memory_space<hbm>> -> memref<1x448x128xf32, #tpu.memory_space<hbm>>
    %dma_wait3A_159 = tpu.memref_squeeze %dma_wait3A_158 : memref<1x448x128xf32, #tpu.memory_space<hbm>> -> memref<448x128xf32, #tpu.memory_space<hbm>>
    tpu.wait_dma2 semaphore(%arg14 : memref<!tpu.dma_semaphore, #tpu.memory_space<semaphore_mem>>) src(%dma_wait3A_159 : memref<448x128xf32, #tpu.memory_space<hbm>>) dst(%arg6 : memref<448x128xf32, #tpu.memory_space<vmem>>)
    %add3A_160 = arith.constant 1344 : i32
    %add3A_161 = arith.addi %add3A_34, %add3A_160 : i32
    %sub3A_162 = arith.constant 1344 : i32
    %sub3A_163 = arith.subi %min3A, %sub3A_162 : i32
    %jit3A_164 = arith.constant 0 : i32
    %jit3A_165 = arith.constant 448 : i32
    %max3A_166 = arith.maxsi %jit3A_164, %sub3A_163 : i32
    %min3A_167 = arith.minsi %jit3A_165, %max3A_166 : i32
    %while3A_168 = arith.constant 0 : i32
    %while3A_169 = arith.subi %min3A_167, %while3A_168 : i32
    %while3A_170 = arith.addi %while3A_168, %while3A_169 : i32
    %while3A_171 = arith.constant 1 : i32
    %while3A_172 = arith.divsi %while3A_169, %while3A_171 : i32
    %while3A_173 = arith.muli %while3A_172, %while3A_171 : i32
    %while3A_174 = arith.addi %while3A_168, %while3A_173 : i32
    %while3A_175 = arith.constant 1 : i32
    %while3A_176:16 = scf.for %while3A_337 = %while3A_168 to %while3A_174 step %while3A_175 iter_args(%while3A_338 = %while3A_145#0, %while3A_339 = %while3A_145#1, %while3A_340 = %while3A_145#2, %while3A_341 = %while3A_145#3, %while3A_342 = %while3A_145#4, %while3A_343 = %while3A_145#5, %while3A_344 = %while3A_145#6, %while3A_345 = %while3A_145#7, %while3A_346 = %while3A_145#8, %while3A_347 = %while3A_145#9, %while3A_348 = %while3A_145#10, %while3A_349 = %while3A_145#11, %while3A_350 = %while3A_145#12, %while3A_351 = %while3A_145#13, %while3A_352 = %while3A_145#14, %while3A_353 = %while3A_145#15) -> (vector<16xf32>, vector<16xf32>, vector<16xf32>, vector<16xf32>, vector<16xf32>, vector<16xf32>, vector<16xf32>, vector<16xf32>, vector<16xi32>, vector<16xi32>, vector<16xi32>, vector<16xi32>, vector<16xi32>, vector<16xi32>, vector<16xi32>, vector<16xi32>)  : i32 {
      %add3A_354 = arith.addi %add3A_161, %while3A_337 : i32
      %broadcast_in_dim3A_355 = vector.broadcast %add3A_354 : i32 to vector<16xi32>
      %get3A = arith.index_cast %while3A_337 : i32 to index
      %get3A_356 = arith.constant 0 : index
      %get3A_357 = tpu.vector_load %arg6[%get3A, %get3A_356] {strides = array<i32>} : memref<448x128xf32, #tpu.memory_space<vmem>>, vector<16xf32>,
      %gt3A = arith.cmpf ogt, %get3A_357, %while3A_338 : vector<16xf32>
      %select_n3A_358 = arith.select %gt3A, %get3A_357, %while3A_338 : vector<16xi1>, vector<16xf32>
      %select_n3A_359 = arith.select %gt3A, %broadcast_in_dim3A_355, %while3A_346 : vector<16xi1>, vector<16xi32>
      %get3A_360 = arith.index_cast %while3A_337 : i32 to index
      %get3A_361 = arith.constant 16 : index
      %get3A_362 = tpu.vector_load %arg6[%get3A_360, %get3A_361] {strides = array<i32>} : memref<448x128xf32, #tpu.memory_space<vmem>>, vector<16xf32>,
      %gt3A_363 = arith.cmpf ogt, %get3A_362, %while3A_339 : vector<16xf32>
      %select_n3A_364 = arith.select %gt3A_363, %get3A_362, %while3A_339 : vector<16xi1>, vector<16xf32>
      %select_n3A_365 = arith.select %gt3A_363, %broadcast_in_dim3A_355, %while3A_347 : vector<16xi1>, vector<16xi32>
      %get3A_366 = arith.index_cast %while3A_337 : i32 to index
      %get3A_367 = arith.constant 32 : index
      %get3A_368 = tpu.vector_load %arg6[%get3A_366, %get3A_367] {strides = array<i32>} : memref<448x128xf32, #tpu.memory_space<vmem>>, vector<16xf32>,
      %gt3A_369 = arith.cmpf ogt, %get3A_368, %while3A_340 : vector<16xf32>
      %select_n3A_370 = arith.select %gt3A_369, %get3A_368, %while3A_340 : vector<16xi1>, vector<16xf32>
      %select_n3A_371 = arith.select %gt3A_369, %broadcast_in_dim3A_355, %while3A_348 : vector<16xi1>, vector<16xi32>
      %get3A_372 = arith.index_cast %while3A_337 : i32 to index
      %get3A_373 = arith.constant 48 : index
      %get3A_374 = tpu.vector_load %arg6[%get3A_372, %get3A_373] {strides = array<i32>} : memref<448x128xf32, #tpu.memory_space<vmem>>, vector<16xf32>,
      %gt3A_375 = arith.cmpf ogt, %get3A_374, %while3A_341 : vector<16xf32>
      %select_n3A_376 = arith.select %gt3A_375, %get3A_374, %while3A_341 : vector<16xi1>, vector<16xf32>
      %select_n3A_377 = arith.select %gt3A_375, %broadcast_in_dim3A_355, %while3A_349 : vector<16xi1>, vector<16xi32>
      %get3A_378 = arith.index_cast %while3A_337 : i32 to index
      %get3A_379 = arith.constant 64 : index
      %get3A_380 = tpu.vector_load %arg6[%get3A_378, %get3A_379] {strides = array<i32>} : memref<448x128xf32, #tpu.memory_space<vmem>>, vector<16xf32>,
      %gt3A_381 = arith.cmpf ogt, %get3A_380, %while3A_342 : vector<16xf32>
      %select_n3A_382 = arith.select %gt3A_381, %get3A_380, %while3A_342 : vector<16xi1>, vector<16xf32>
      %select_n3A_383 = arith.select %gt3A_381, %broadcast_in_dim3A_355, %while3A_350 : vector<16xi1>, vector<16xi32>
      %get3A_384 = arith.index_cast %while3A_337 : i32 to index
      %get3A_385 = arith.constant 80 : index
      %get3A_386 = tpu.vector_load %arg6[%get3A_384, %get3A_385] {strides = array<i32>} : memref<448x128xf32, #tpu.memory_space<vmem>>, vector<16xf32>,
      %gt3A_387 = arith.cmpf ogt, %get3A_386, %while3A_343 : vector<16xf32>
      %select_n3A_388 = arith.select %gt3A_387, %get3A_386, %while3A_343 : vector<16xi1>, vector<16xf32>
      %select_n3A_389 = arith.select %gt3A_387, %broadcast_in_dim3A_355, %while3A_351 : vector<16xi1>, vector<16xi32>
      %get3A_390 = arith.index_cast %while3A_337 : i32 to index
      %get3A_391 = arith.constant 96 : index
      %get3A_392 = tpu.vector_load %arg6[%get3A_390, %get3A_391] {strides = array<i32>} : memref<448x128xf32, #tpu.memory_space<vmem>>, vector<16xf32>,
      %gt3A_393 = arith.cmpf ogt, %get3A_392, %while3A_344 : vector<16xf32>
      %select_n3A_394 = arith.select %gt3A_393, %get3A_392, %while3A_344 : vector<16xi1>, vector<16xf32>
      %select_n3A_395 = arith.select %gt3A_393, %broadcast_in_dim3A_355, %while3A_352 : vector<16xi1>, vector<16xi32>
      %get3A_396 = arith.index_cast %while3A_337 : i32 to index
      %get3A_397 = arith.constant 112 : index
      %get3A_398 = tpu.vector_load %arg6[%get3A_396, %get3A_397] {strides = array<i32>} : memref<448x128xf32, #tpu.memory_space<vmem>>, vector<16xf32>,
      %gt3A_399 = arith.cmpf ogt, %get3A_398, %while3A_345 : vector<16xf32>
      %select_n3A_400 = arith.select %gt3A_399, %get3A_398, %while3A_345 : vector<16xi1>, vector<16xf32>
      %select_n3A_401 = arith.select %gt3A_399, %broadcast_in_dim3A_355, %while3A_353 : vector<16xi1>, vector<16xi32>
      scf.yield %select_n3A_358, %select_n3A_364, %select_n3A_370, %select_n3A_376, %select_n3A_382, %select_n3A_388, %select_n3A_394, %select_n3A_400, %select_n3A_359, %select_n3A_365, %select_n3A_371, %select_n3A_377, %select_n3A_383, %select_n3A_389, %select_n3A_395, %select_n3A_401 : vector<16xf32>, vector<16xf32>, vector<16xf32>, vector<16xf32>, vector<16xf32>, vector<16xf32>, vector<16xf32>, vector<16xf32>, vector<16xi32>, vector<16xi32>, vector<16xi32>, vector<16xi32>, vector<16xi32>, vector<16xi32>, vector<16xi32>, vector<16xi32>
    }
    %while3A_177 = arith.constant 1 : i32
    %while3A_178:16 = scf.for %while3A_337 = %while3A_174 to %while3A_170 step %while3A_177 iter_args(%while3A_338 = %while3A_176#0, %while3A_339 = %while3A_176#1, %while3A_340 = %while3A_176#2, %while3A_341 = %while3A_176#3, %while3A_342 = %while3A_176#4, %while3A_343 = %while3A_176#5, %while3A_344 = %while3A_176#6, %while3A_345 = %while3A_176#7, %while3A_346 = %while3A_176#8, %while3A_347 = %while3A_176#9, %while3A_348 = %while3A_176#10, %while3A_349 = %while3A_176#11, %while3A_350 = %while3A_176#12, %while3A_351 = %while3A_176#13, %while3A_352 = %while3A_176#14, %while3A_353 = %while3A_176#15) -> (vector<16xf32>, vector<16xf32>, vector<16xf32>, vector<16xf32>, vector<16xf32>, vector<16xf32>, vector<16xf32>, vector<16xf32>, vector<16xi32>, vector<16xi32>, vector<16xi32>, vector<16xi32>, vector<16xi32>, vector<16xi32>, vector<16xi32>, vector<16xi32>)  : i32 {
      %add3A_354 = arith.addi %add3A_161, %while3A_337 : i32
      %broadcast_in_dim3A_355 = vector.broadcast %add3A_354 : i32 to vector<16xi32>
      %get3A = arith.index_cast %while3A_337 : i32 to index
      %get3A_356 = arith.constant 0 : index
      %get3A_357 = tpu.vector_load %arg6[%get3A, %get3A_356] {strides = array<i32>} : memref<448x128xf32, #tpu.memory_space<vmem>>, vector<16xf32>,
      %gt3A = arith.cmpf ogt, %get3A_357, %while3A_338 : vector<16xf32>
      %select_n3A_358 = arith.select %gt3A, %get3A_357, %while3A_338 : vector<16xi1>, vector<16xf32>
      %select_n3A_359 = arith.select %gt3A, %broadcast_in_dim3A_355, %while3A_346 : vector<16xi1>, vector<16xi32>
      %get3A_360 = arith.index_cast %while3A_337 : i32 to index
      %get3A_361 = arith.constant 16 : index
      %get3A_362 = tpu.vector_load %arg6[%get3A_360, %get3A_361] {strides = array<i32>} : memref<448x128xf32, #tpu.memory_space<vmem>>, vector<16xf32>,
      %gt3A_363 = arith.cmpf ogt, %get3A_362, %while3A_339 : vector<16xf32>
      %select_n3A_364 = arith.select %gt3A_363, %get3A_362, %while3A_339 : vector<16xi1>, vector<16xf32>
      %select_n3A_365 = arith.select %gt3A_363, %broadcast_in_dim3A_355, %while3A_347 : vector<16xi1>, vector<16xi32>
      %get3A_366 = arith.index_cast %while3A_337 : i32 to index
      %get3A_367 = arith.constant 32 : index
      %get3A_368 = tpu.vector_load %arg6[%get3A_366, %get3A_367] {strides = array<i32>} : memref<448x128xf32, #tpu.memory_space<vmem>>, vector<16xf32>,
      %gt3A_369 = arith.cmpf ogt, %get3A_368, %while3A_340 : vector<16xf32>
      %select_n3A_370 = arith.select %gt3A_369, %get3A_368, %while3A_340 : vector<16xi1>, vector<16xf32>
      %select_n3A_371 = arith.select %gt3A_369, %broadcast_in_dim3A_355, %while3A_348 : vector<16xi1>, vector<16xi32>
      %get3A_372 = arith.index_cast %while3A_337 : i32 to index
      %get3A_373 = arith.constant 48 : index
      %get3A_374 = tpu.vector_load %arg6[%get3A_372, %get3A_373] {strides = array<i32>} : memref<448x128xf32, #tpu.memory_space<vmem>>, vector<16xf32>,
      %gt3A_375 = arith.cmpf ogt, %get3A_374, %while3A_341 : vector<16xf32>
      %select_n3A_376 = arith.select %gt3A_375, %get3A_374, %while3A_341 : vector<16xi1>, vector<16xf32>
      %select_n3A_377 = arith.select %gt3A_375, %broadcast_in_dim3A_355, %while3A_349 : vector<16xi1>, vector<16xi32>
      %get3A_378 = arith.index_cast %while3A_337 : i32 to index
      %get3A_379 = arith.constant 64 : index
      %get3A_380 = tpu.vector_load %arg6[%get3A_378, %get3A_379] {strides = array<i32>} : memref<448x128xf32, #tpu.memory_space<vmem>>, vector<16xf32>,
      %gt3A_381 = arith.cmpf ogt, %get3A_380, %while3A_342 : vector<16xf32>
      %select_n3A_382 = arith.select %gt3A_381, %get3A_380, %while3A_342 : vector<16xi1>, vector<16xf32>
      %select_n3A_383 = arith.select %gt3A_381, %broadcast_in_dim3A_355, %while3A_350 : vector<16xi1>, vector<16xi32>
      %get3A_384 = arith.index_cast %while3A_337 : i32 to index
      %get3A_385 = arith.constant 80 : index
      %get3A_386 = tpu.vector_load %arg6[%get3A_384, %get3A_385] {strides = array<i32>} : memref<448x128xf32, #tpu.memory_space<vmem>>, vector<16xf32>,
      %gt3A_387 = arith.cmpf ogt, %get3A_386, %while3A_343 : vector<16xf32>
      %select_n3A_388 = arith.select %gt3A_387, %get3A_386, %while3A_343 : vector<16xi1>, vector<16xf32>
      %select_n3A_389 = arith.select %gt3A_387, %broadcast_in_dim3A_355, %while3A_351 : vector<16xi1>, vector<16xi32>
      %get3A_390 = arith.index_cast %while3A_337 : i32 to index
      %get3A_391 = arith.constant 96 : index
      %get3A_392 = tpu.vector_load %arg6[%get3A_390, %get3A_391] {strides = array<i32>} : memref<448x128xf32, #tpu.memory_space<vmem>>, vector<16xf32>,
      %gt3A_393 = arith.cmpf ogt, %get3A_392, %while3A_344 : vector<16xf32>
      %select_n3A_394 = arith.select %gt3A_393, %get3A_392, %while3A_344 : vector<16xi1>, vector<16xf32>
      %select_n3A_395 = arith.select %gt3A_393, %broadcast_in_dim3A_355, %while3A_352 : vector<16xi1>, vector<16xi32>
      %get3A_396 = arith.index_cast %while3A_337 : i32 to index
      %get3A_397 = arith.constant 112 : index
      %get3A_398 = tpu.vector_load %arg6[%get3A_396, %get3A_397] {strides = array<i32>} : memref<448x128xf32, #tpu.memory_space<vmem>>, vector<16xf32>,
      %gt3A_399 = arith.cmpf ogt, %get3A_398, %while3A_345 : vector<16xf32>
      %select_n3A_400 = arith.select %gt3A_399, %get3A_398, %while3A_345 : vector<16xi1>, vector<16xf32>
      %select_n3A_401 = arith.select %gt3A_399, %broadcast_in_dim3A_355, %while3A_353 : vector<16xi1>, vector<16xi32>
      scf.yield %select_n3A_358, %select_n3A_364, %select_n3A_370, %select_n3A_376, %select_n3A_382, %select_n3A_388, %select_n3A_394, %select_n3A_400, %select_n3A_359, %select_n3A_365, %select_n3A_371, %select_n3A_377, %select_n3A_383, %select_n3A_389, %select_n3A_395, %select_n3A_401 : vector<16xf32>, vector<16xf32>, vector<16xf32>, vector<16xf32>, vector<16xf32>, vector<16xf32>, vector<16xf32>, vector<16xf32>, vector<16xi32>, vector<16xi32>, vector<16xi32>, vector<16xi32>, vector<16xi32>, vector<16xi32>, vector<16xi32>, vector<16xi32>
    }
    %add3A_179 = arith.constant 2240 : i32
    %add3A_180 = arith.addi %add3A_34, %add3A_179 : i32
    %dma_start3A_181 = arith.constant 0 : i32
    %dma_start3A_182 = tpu.memref_slice %arg2[%add3A, %add3A_180, %dma_start3A_181] : memref<4x100000x128xf32, #tpu.memory_space<hbm>> -> memref<1x448x128xf32, #tpu.memory_space<hbm>>
    %dma_start3A_183 = tpu.memref_squeeze %dma_start3A_182 : memref<1x448x128xf32, #tpu.memory_space<hbm>> -> memref<448x128xf32, #tpu.memory_space<hbm>>
    %dma_start3A_184 = arith.constant 0 : i32
    %dma_start3A_185 = tpu.memref_slice %arg2[%add3A, %add3A_180, %dma_start3A_184] : memref<4x100000x128xf32, #tpu.memory_space<hbm>> -> memref<1x448x128xf32, #tpu.memory_space<hbm>>
    %dma_start3A_186 = tpu.memref_squeeze %dma_start3A_185 : memref<1x448x128xf32, #tpu.memory_space<hbm>> -> memref<448x128xf32, #tpu.memory_space<hbm>>
    tpu.enqueue_dma source(%dma_start3A_186 : memref<448x128xf32, #tpu.memory_space<hbm>>) target(%arg6 : memref<448x128xf32, #tpu.memory_space<vmem>>) target_semaphore(%arg14 : memref<!tpu.dma_semaphore, #tpu.memory_space<semaphore_mem>>)
    %dma_wait3A_187 = arith.constant 0 : i32
    %dma_wait3A_188 = tpu.memref_slice %arg2[%add3A, %add3A_147, %dma_wait3A_187] : memref<4x100000x128xf32, #tpu.memory_space<hbm>> -> memref<1x448x128xf32, #tpu.memory_space<hbm>>
    %dma_wait3A_189 = tpu.memref_squeeze %dma_wait3A_188 : memref<1x448x128xf32, #tpu.memory_space<hbm>> -> memref<448x128xf32, #tpu.memory_space<hbm>>
    %dma_wait3A_190 = arith.constant 0 : i32
    %dma_wait3A_191 = tpu.memref_slice %arg2[%add3A, %add3A_147, %dma_wait3A_190] : memref<4x100000x128xf32, #tpu.memory_space<hbm>> -> memref<1x448x128xf32, #tpu.memory_space<hbm>>
    %dma_wait3A_192 = tpu.memref_squeeze %dma_wait3A_191 : memref<1x448x128xf32, #tpu.memory_space<hbm>> -> memref<448x128xf32, #tpu.memory_space<hbm>>
    tpu.wait_dma2 semaphore(%arg13 : memref<!tpu.dma_semaphore, #tpu.memory_space<semaphore_mem>>) src(%dma_wait3A_192 : memref<448x128xf32, #tpu.memory_space<hbm>>) dst(%arg5 : memref<448x128xf32, #tpu.memory_space<vmem>>)
    %add3A_193 = arith.constant 1792 : i32
    %add3A_194 = arith.addi %add3A_34, %add3A_193 : i32
    %sub3A_195 = arith.constant 1792 : i32
    %sub3A_196 = arith.subi %min3A, %sub3A_195 : i32
    %jit3A_197 = arith.constant 0 : i32
    %jit3A_198 = arith.constant 448 : i32
    %max3A_199 = arith.maxsi %jit3A_197, %sub3A_196 : i32
    %min3A_200 = arith.minsi %jit3A_198, %max3A_199 : i32
    %while3A_201 = arith.constant 0 : i32
    %while3A_202 = arith.subi %min3A_200, %while3A_201 : i32
    %while3A_203 = arith.addi %while3A_201, %while3A_202 : i32
    %while3A_204 = arith.constant 1 : i32
    %while3A_205 = arith.divsi %while3A_202, %while3A_204 : i32
    %while3A_206 = arith.muli %while3A_205, %while3A_204 : i32
    %while3A_207 = arith.addi %while3A_201, %while3A_206 : i32
    %while3A_208 = arith.constant 1 : i32
    %while3A_209:16 = scf.for %while3A_337 = %while3A_201 to %while3A_207 step %while3A_208 iter_args(%while3A_338 = %while3A_178#0, %while3A_339 = %while3A_178#1, %while3A_340 = %while3A_178#2, %while3A_341 = %while3A_178#3, %while3A_342 = %while3A_178#4, %while3A_343 = %while3A_178#5, %while3A_344 = %while3A_178#6, %while3A_345 = %while3A_178#7, %while3A_346 = %while3A_178#8, %while3A_347 = %while3A_178#9, %while3A_348 = %while3A_178#10, %while3A_349 = %while3A_178#11, %while3A_350 = %while3A_178#12, %while3A_351 = %while3A_178#13, %while3A_352 = %while3A_178#14, %while3A_353 = %while3A_178#15) -> (vector<16xf32>, vector<16xf32>, vector<16xf32>, vector<16xf32>, vector<16xf32>, vector<16xf32>, vector<16xf32>, vector<16xf32>, vector<16xi32>, vector<16xi32>, vector<16xi32>, vector<16xi32>, vector<16xi32>, vector<16xi32>, vector<16xi32>, vector<16xi32>)  : i32 {
      %add3A_354 = arith.addi %add3A_194, %while3A_337 : i32
      %broadcast_in_dim3A_355 = vector.broadcast %add3A_354 : i32 to vector<16xi32>
      %get3A = arith.index_cast %while3A_337 : i32 to index
      %get3A_356 = arith.constant 0 : index
      %get3A_357 = tpu.vector_load %arg5[%get3A, %get3A_356] {strides = array<i32>} : memref<448x128xf32, #tpu.memory_space<vmem>>, vector<16xf32>,
      %gt3A = arith.cmpf ogt, %get3A_357, %while3A_338 : vector<16xf32>
      %select_n3A_358 = arith.select %gt3A, %get3A_357, %while3A_338 : vector<16xi1>, vector<16xf32>
      %select_n3A_359 = arith.select %gt3A, %broadcast_in_dim3A_355, %while3A_346 : vector<16xi1>, vector<16xi32>
      %get3A_360 = arith.index_cast %while3A_337 : i32 to index
      %get3A_361 = arith.constant 16 : index
      %get3A_362 = tpu.vector_load %arg5[%get3A_360, %get3A_361] {strides = array<i32>} : memref<448x128xf32, #tpu.memory_space<vmem>>, vector<16xf32>,
      %gt3A_363 = arith.cmpf ogt, %get3A_362, %while3A_339 : vector<16xf32>
      %select_n3A_364 = arith.select %gt3A_363, %get3A_362, %while3A_339 : vector<16xi1>, vector<16xf32>
      %select_n3A_365 = arith.select %gt3A_363, %broadcast_in_dim3A_355, %while3A_347 : vector<16xi1>, vector<16xi32>
      %get3A_366 = arith.index_cast %while3A_337 : i32 to index
      %get3A_367 = arith.constant 32 : index
      %get3A_368 = tpu.vector_load %arg5[%get3A_366, %get3A_367] {strides = array<i32>} : memref<448x128xf32, #tpu.memory_space<vmem>>, vector<16xf32>,
      %gt3A_369 = arith.cmpf ogt, %get3A_368, %while3A_340 : vector<16xf32>
      %select_n3A_370 = arith.select %gt3A_369, %get3A_368, %while3A_340 : vector<16xi1>, vector<16xf32>
      %select_n3A_371 = arith.select %gt3A_369, %broadcast_in_dim3A_355, %while3A_348 : vector<16xi1>, vector<16xi32>
      %get3A_372 = arith.index_cast %while3A_337 : i32 to index
      %get3A_373 = arith.constant 48 : index
      %get3A_374 = tpu.vector_load %arg5[%get3A_372, %get3A_373] {strides = array<i32>} : memref<448x128xf32, #tpu.memory_space<vmem>>, vector<16xf32>,
      %gt3A_375 = arith.cmpf ogt, %get3A_374, %while3A_341 : vector<16xf32>
      %select_n3A_376 = arith.select %gt3A_375, %get3A_374, %while3A_341 : vector<16xi1>, vector<16xf32>
      %select_n3A_377 = arith.select %gt3A_375, %broadcast_in_dim3A_355, %while3A_349 : vector<16xi1>, vector<16xi32>
      %get3A_378 = arith.index_cast %while3A_337 : i32 to index
      %get3A_379 = arith.constant 64 : index
      %get3A_380 = tpu.vector_load %arg5[%get3A_378, %get3A_379] {strides = array<i32>} : memref<448x128xf32, #tpu.memory_space<vmem>>, vector<16xf32>,
      %gt3A_381 = arith.cmpf ogt, %get3A_380, %while3A_342 : vector<16xf32>
      %select_n3A_382 = arith.select %gt3A_381, %get3A_380, %while3A_342 : vector<16xi1>, vector<16xf32>
      %select_n3A_383 = arith.select %gt3A_381, %broadcast_in_dim3A_355, %while3A_350 : vector<16xi1>, vector<16xi32>
      %get3A_384 = arith.index_cast %while3A_337 : i32 to index
      %get3A_385 = arith.constant 80 : index
      %get3A_386 = tpu.vector_load %arg5[%get3A_384, %get3A_385] {strides = array<i32>} : memref<448x128xf32, #tpu.memory_space<vmem>>, vector<16xf32>,
      %gt3A_387 = arith.cmpf ogt, %get3A_386, %while3A_343 : vector<16xf32>
      %select_n3A_388 = arith.select %gt3A_387, %get3A_386, %while3A_343 : vector<16xi1>, vector<16xf32>
      %select_n3A_389 = arith.select %gt3A_387, %broadcast_in_dim3A_355, %while3A_351 : vector<16xi1>, vector<16xi32>
      %get3A_390 = arith.index_cast %while3A_337 : i32 to index
      %get3A_391 = arith.constant 96 : index
      %get3A_392 = tpu.vector_load %arg5[%get3A_390, %get3A_391] {strides = array<i32>} : memref<448x128xf32, #tpu.memory_space<vmem>>, vector<16xf32>,
      %gt3A_393 = arith.cmpf ogt, %get3A_392, %while3A_344 : vector<16xf32>
      %select_n3A_394 = arith.select %gt3A_393, %get3A_392, %while3A_344 : vector<16xi1>, vector<16xf32>
      %select_n3A_395 = arith.select %gt3A_393, %broadcast_in_dim3A_355, %while3A_352 : vector<16xi1>, vector<16xi32>
      %get3A_396 = arith.index_cast %while3A_337 : i32 to index
      %get3A_397 = arith.constant 112 : index
      %get3A_398 = tpu.vector_load %arg5[%get3A_396, %get3A_397] {strides = array<i32>} : memref<448x128xf32, #tpu.memory_space<vmem>>, vector<16xf32>,
      %gt3A_399 = arith.cmpf ogt, %get3A_398, %while3A_345 : vector<16xf32>
      %select_n3A_400 = arith.select %gt3A_399, %get3A_398, %while3A_345 : vector<16xi1>, vector<16xf32>
      %select_n3A_401 = arith.select %gt3A_399, %broadcast_in_dim3A_355, %while3A_353 : vector<16xi1>, vector<16xi32>
      scf.yield %select_n3A_358, %select_n3A_364, %select_n3A_370, %select_n3A_376, %select_n3A_382, %select_n3A_388, %select_n3A_394, %select_n3A_400, %select_n3A_359, %select_n3A_365, %select_n3A_371, %select_n3A_377, %select_n3A_383, %select_n3A_389, %select_n3A_395, %select_n3A_401 : vector<16xf32>, vector<16xf32>, vector<16xf32>, vector<16xf32>, vector<16xf32>, vector<16xf32>, vector<16xf32>, vector<16xf32>, vector<16xi32>, vector<16xi32>, vector<16xi32>, vector<16xi32>, vector<16xi32>, vector<16xi32>, vector<16xi32>, vector<16xi32>
    }
    %while3A_210 = arith.constant 1 : i32
    %while3A_211:16 = scf.for %while3A_337 = %while3A_207 to %while3A_203 step %while3A_210 iter_args(%while3A_338 = %while3A_209#0, %while3A_339 = %while3A_209#1, %while3A_340 = %while3A_209#2, %while3A_341 = %while3A_209#3, %while3A_342 = %while3A_209#4, %while3A_343 = %while3A_209#5, %while3A_344 = %while3A_209#6, %while3A_345 = %while3A_209#7, %while3A_346 = %while3A_209#8, %while3A_347 = %while3A_209#9, %while3A_348 = %while3A_209#10, %while3A_349 = %while3A_209#11, %while3A_350 = %while3A_209#12, %while3A_351 = %while3A_209#13, %while3A_352 = %while3A_209#14, %while3A_353 = %while3A_209#15) -> (vector<16xf32>, vector<16xf32>, vector<16xf32>, vector<16xf32>, vector<16xf32>, vector<16xf32>, vector<16xf32>, vector<16xf32>, vector<16xi32>, vector<16xi32>, vector<16xi32>, vector<16xi32>, vector<16xi32>, vector<16xi32>, vector<16xi32>, vector<16xi32>)  : i32 {
      %add3A_354 = arith.addi %add3A_194, %while3A_337 : i32
      %broadcast_in_dim3A_355 = vector.broadcast %add3A_354 : i32 to vector<16xi32>
      %get3A = arith.index_cast %while3A_337 : i32 to index
      %get3A_356 = arith.constant 0 : index
      %get3A_357 = tpu.vector_load %arg5[%get3A, %get3A_356] {strides = array<i32>} : memref<448x128xf32, #tpu.memory_space<vmem>>, vector<16xf32>,
      %gt3A = arith.cmpf ogt, %get3A_357, %while3A_338 : vector<16xf32>
      %select_n3A_358 = arith.select %gt3A, %get3A_357, %while3A_338 : vector<16xi1>, vector<16xf32>
      %select_n3A_359 = arith.select %gt3A, %broadcast_in_dim3A_355, %while3A_346 : vector<16xi1>, vector<16xi32>
      %get3A_360 = arith.index_cast %while3A_337 : i32 to index
      %get3A_361 = arith.constant 16 : index
      %get3A_362 = tpu.vector_load %arg5[%get3A_360, %get3A_361] {strides = array<i32>} : memref<448x128xf32, #tpu.memory_space<vmem>>, vector<16xf32>,
      %gt3A_363 = arith.cmpf ogt, %get3A_362, %while3A_339 : vector<16xf32>
      %select_n3A_364 = arith.select %gt3A_363, %get3A_362, %while3A_339 : vector<16xi1>, vector<16xf32>
      %select_n3A_365 = arith.select %gt3A_363, %broadcast_in_dim3A_355, %while3A_347 : vector<16xi1>, vector<16xi32>
      %get3A_366 = arith.index_cast %while3A_337 : i32 to index
      %get3A_367 = arith.constant 32 : index
      %get3A_368 = tpu.vector_load %arg5[%get3A_366, %get3A_367] {strides = array<i32>} : memref<448x128xf32, #tpu.memory_space<vmem>>, vector<16xf32>,
      %gt3A_369 = arith.cmpf ogt, %get3A_368, %while3A_340 : vector<16xf32>
      %select_n3A_370 = arith.select %gt3A_369, %get3A_368, %while3A_340 : vector<16xi1>, vector<16xf32>
      %select_n3A_371 = arith.select %gt3A_369, %broadcast_in_dim3A_355, %while3A_348 : vector<16xi1>, vector<16xi32>
      %get3A_372 = arith.index_cast %while3A_337 : i32 to index
      %get3A_373 = arith.constant 48 : index
      %get3A_374 = tpu.vector_load %arg5[%get3A_372, %get3A_373] {strides = array<i32>} : memref<448x128xf32, #tpu.memory_space<vmem>>, vector<16xf32>,
      %gt3A_375 = arith.cmpf ogt, %get3A_374, %while3A_341 : vector<16xf32>
      %select_n3A_376 = arith.select %gt3A_375, %get3A_374, %while3A_341 : vector<16xi1>, vector<16xf32>
      %select_n3A_377 = arith.select %gt3A_375, %broadcast_in_dim3A_355, %while3A_349 : vector<16xi1>, vector<16xi32>
      %get3A_378 = arith.index_cast %while3A_337 : i32 to index
      %get3A_379 = arith.constant 64 : index
      %get3A_380 = tpu.vector_load %arg5[%get3A_378, %get3A_379] {strides = array<i32>} : memref<448x128xf32, #tpu.memory_space<vmem>>, vector<16xf32>,
      %gt3A_381 = arith.cmpf ogt, %get3A_380, %while3A_342 : vector<16xf32>
      %select_n3A_382 = arith.select %gt3A_381, %get3A_380, %while3A_342 : vector<16xi1>, vector<16xf32>
      %select_n3A_383 = arith.select %gt3A_381, %broadcast_in_dim3A_355, %while3A_350 : vector<16xi1>, vector<16xi32>
      %get3A_384 = arith.index_cast %while3A_337 : i32 to index
      %get3A_385 = arith.constant 80 : index
      %get3A_386 = tpu.vector_load %arg5[%get3A_384, %get3A_385] {strides = array<i32>} : memref<448x128xf32, #tpu.memory_space<vmem>>, vector<16xf32>,
      %gt3A_387 = arith.cmpf ogt, %get3A_386, %while3A_343 : vector<16xf32>
      %select_n3A_388 = arith.select %gt3A_387, %get3A_386, %while3A_343 : vector<16xi1>, vector<16xf32>
      %select_n3A_389 = arith.select %gt3A_387, %broadcast_in_dim3A_355, %while3A_351 : vector<16xi1>, vector<16xi32>
      %get3A_390 = arith.index_cast %while3A_337 : i32 to index
      %get3A_391 = arith.constant 96 : index
      %get3A_392 = tpu.vector_load %arg5[%get3A_390, %get3A_391] {strides = array<i32>} : memref<448x128xf32, #tpu.memory_space<vmem>>, vector<16xf32>,
      %gt3A_393 = arith.cmpf ogt, %get3A_392, %while3A_344 : vector<16xf32>
      %select_n3A_394 = arith.select %gt3A_393, %get3A_392, %while3A_344 : vector<16xi1>, vector<16xf32>
      %select_n3A_395 = arith.select %gt3A_393, %broadcast_in_dim3A_355, %while3A_352 : vector<16xi1>, vector<16xi32>
      %get3A_396 = arith.index_cast %while3A_337 : i32 to index
      %get3A_397 = arith.constant 112 : index
      %get3A_398 = tpu.vector_load %arg5[%get3A_396, %get3A_397] {strides = array<i32>} : memref<448x128xf32, #tpu.memory_space<vmem>>, vector<16xf32>,
      %gt3A_399 = arith.cmpf ogt, %get3A_398, %while3A_345 : vector<16xf32>
      %select_n3A_400 = arith.select %gt3A_399, %get3A_398, %while3A_345 : vector<16xi1>, vector<16xf32>
      %select_n3A_401 = arith.select %gt3A_399, %broadcast_in_dim3A_355, %while3A_353 : vector<16xi1>, vector<16xi32>
      scf.yield %select_n3A_358, %select_n3A_364, %select_n3A_370, %select_n3A_376, %select_n3A_382, %select_n3A_388, %select_n3A_394, %select_n3A_400, %select_n3A_359, %select_n3A_365, %select_n3A_371, %select_n3A_377, %select_n3A_383, %select_n3A_389, %select_n3A_395, %select_n3A_401 : vector<16xf32>, vector<16xf32>, vector<16xf32>, vector<16xf32>, vector<16xf32>, vector<16xf32>, vector<16xf32>, vector<16xf32>, vector<16xi32>, vector<16xi32>, vector<16xi32>, vector<16xi32>, vector<16xi32>, vector<16xi32>, vector<16xi32>, vector<16xi32>
    }
    %add3A_212 = arith.constant 2688 : i32
    %add3A_213 = arith.addi %add3A_34, %add3A_212 : i32
    %dma_start3A_214 = arith.constant 0 : i32
    %dma_start3A_215 = tpu.memref_slice %arg2[%add3A, %add3A_213, %dma_start3A_214] : memref<4x100000x128xf32, #tpu.memory_space<hbm>> -> memref<1x448x128xf32, #tpu.memory_space<hbm>>
    %dma_start3A_216 = tpu.memref_squeeze %dma_start3A_215 : memref<1x448x128xf32, #tpu.memory_space<hbm>> -> memref<448x128xf32, #tpu.memory_space<hbm>>
    %dma_start3A_217 = arith.constant 0 : i32
    %dma_start3A_218 = tpu.memref_slice %arg2[%add3A, %add3A_213, %dma_start3A_217] : memref<4x100000x128xf32, #tpu.memory_space<hbm>> -> memref<1x448x128xf32, #tpu.memory_space<hbm>>
    %dma_start3A_219 = tpu.memref_squeeze %dma_start3A_218 : memref<1x448x128xf32, #tpu.memory_space<hbm>> -> memref<448x128xf32, #tpu.memory_space<hbm>>
    tpu.enqueue_dma source(%dma_start3A_219 : memref<448x128xf32, #tpu.memory_space<hbm>>) target(%arg5 : memref<448x128xf32, #tpu.memory_space<vmem>>) target_semaphore(%arg13 : memref<!tpu.dma_semaphore, #tpu.memory_space<semaphore_mem>>)
    %dma_wait3A_220 = arith.constant 0 : i32
    %dma_wait3A_221 = tpu.memref_slice %arg2[%add3A, %add3A_180, %dma_wait3A_220] : memref<4x100000x128xf32, #tpu.memory_space<hbm>> -> memref<1x448x128xf32, #tpu.memory_space<hbm>>
    %dma_wait3A_222 = tpu.memref_squeeze %dma_wait3A_221 : memref<1x448x128xf32, #tpu.memory_space<hbm>> -> memref<448x128xf32, #tpu.memory_space<hbm>>
    %dma_wait3A_223 = arith.constant 0 : i32
    %dma_wait3A_224 = tpu.memref_slice %arg2[%add3A, %add3A_180, %dma_wait3A_223] : memref<4x100000x128xf32, #tpu.memory_space<hbm>> -> memref<1x448x128xf32, #tpu.memory_space<hbm>>
    %dma_wait3A_225 = tpu.memref_squeeze %dma_wait3A_224 : memref<1x448x128xf32, #tpu.memory_space<hbm>> -> memref<448x128xf32, #tpu.memory_space<hbm>>
    tpu.wait_dma2 semaphore(%arg14 : memref<!tpu.dma_semaphore, #tpu.memory_space<semaphore_mem>>) src(%dma_wait3A_225 : memref<448x128xf32, #tpu.memory_space<hbm>>) dst(%arg6 : memref<448x128xf32, #tpu.memory_space<vmem>>)
    %add3A_226 = arith.constant 2240 : i32
    %add3A_227 = arith.addi %add3A_34, %add3A_226 : i32
    %sub3A_228 = arith.constant 2240 : i32
    %sub3A_229 = arith.subi %min3A, %sub3A_228 : i32
    %jit3A_230 = arith.constant 0 : i32
    %jit3A_231 = arith.constant 448 : i32
    %max3A_232 = arith.maxsi %jit3A_230, %sub3A_229 : i32
    %min3A_233 = arith.minsi %jit3A_231, %max3A_232 : i32
    %while3A_234 = arith.constant 0 : i32
    %while3A_235 = arith.subi %min3A_233, %while3A_234 : i32
    %while3A_236 = arith.addi %while3A_234, %while3A_235 : i32
    %while3A_237 = arith.constant 1 : i32
    %while3A_238 = arith.divsi %while3A_235, %while3A_237 : i32
    %while3A_239 = arith.muli %while3A_238, %while3A_237 : i32
    %while3A_240 = arith.addi %while3A_234, %while3A_239 : i32
    %while3A_241 = arith.constant 1 : i32
    %while3A_242:16 = scf.for %while3A_337 = %while3A_234 to %while3A_240 step %while3A_241 iter_args(%while3A_338 = %while3A_211#0, %while3A_339 = %while3A_211#1, %while3A_340 = %while3A_211#2, %while3A_341 = %while3A_211#3, %while3A_342 = %while3A_211#4, %while3A_343 = %while3A_211#5, %while3A_344 = %while3A_211#6, %while3A_345 = %while3A_211#7, %while3A_346 = %while3A_211#8, %while3A_347 = %while3A_211#9, %while3A_348 = %while3A_211#10, %while3A_349 = %while3A_211#11, %while3A_350 = %while3A_211#12, %while3A_351 = %while3A_211#13, %while3A_352 = %while3A_211#14, %while3A_353 = %while3A_211#15) -> (vector<16xf32>, vector<16xf32>, vector<16xf32>, vector<16xf32>, vector<16xf32>, vector<16xf32>, vector<16xf32>, vector<16xf32>, vector<16xi32>, vector<16xi32>, vector<16xi32>, vector<16xi32>, vector<16xi32>, vector<16xi32>, vector<16xi32>, vector<16xi32>)  : i32 {
      %add3A_354 = arith.addi %add3A_227, %while3A_337 : i32
      %broadcast_in_dim3A_355 = vector.broadcast %add3A_354 : i32 to vector<16xi32>
      %get3A = arith.index_cast %while3A_337 : i32 to index
      %get3A_356 = arith.constant 0 : index
      %get3A_357 = tpu.vector_load %arg6[%get3A, %get3A_356] {strides = array<i32>} : memref<448x128xf32, #tpu.memory_space<vmem>>, vector<16xf32>,
      %gt3A = arith.cmpf ogt, %get3A_357, %while3A_338 : vector<16xf32>
      %select_n3A_358 = arith.select %gt3A, %get3A_357, %while3A_338 : vector<16xi1>, vector<16xf32>
      %select_n3A_359 = arith.select %gt3A, %broadcast_in_dim3A_355, %while3A_346 : vector<16xi1>, vector<16xi32>
      %get3A_360 = arith.index_cast %while3A_337 : i32 to index
      %get3A_361 = arith.constant 16 : index
      %get3A_362 = tpu.vector_load %arg6[%get3A_360, %get3A_361] {strides = array<i32>} : memref<448x128xf32, #tpu.memory_space<vmem>>, vector<16xf32>,
      %gt3A_363 = arith.cmpf ogt, %get3A_362, %while3A_339 : vector<16xf32>
      %select_n3A_364 = arith.select %gt3A_363, %get3A_362, %while3A_339 : vector<16xi1>, vector<16xf32>
      %select_n3A_365 = arith.select %gt3A_363, %broadcast_in_dim3A_355, %while3A_347 : vector<16xi1>, vector<16xi32>
      %get3A_366 = arith.index_cast %while3A_337 : i32 to index
      %get3A_367 = arith.constant 32 : index
      %get3A_368 = tpu.vector_load %arg6[%get3A_366, %get3A_367] {strides = array<i32>} : memref<448x128xf32, #tpu.memory_space<vmem>>, vector<16xf32>,
      %gt3A_369 = arith.cmpf ogt, %get3A_368, %while3A_340 : vector<16xf32>
      %select_n3A_370 = arith.select %gt3A_369, %get3A_368, %while3A_340 : vector<16xi1>, vector<16xf32>
      %select_n3A_371 = arith.select %gt3A_369, %broadcast_in_dim3A_355, %while3A_348 : vector<16xi1>, vector<16xi32>
      %get3A_372 = arith.index_cast %while3A_337 : i32 to index
      %get3A_373 = arith.constant 48 : index
      %get3A_374 = tpu.vector_load %arg6[%get3A_372, %get3A_373] {strides = array<i32>} : memref<448x128xf32, #tpu.memory_space<vmem>>, vector<16xf32>,
      %gt3A_375 = arith.cmpf ogt, %get3A_374, %while3A_341 : vector<16xf32>
      %select_n3A_376 = arith.select %gt3A_375, %get3A_374, %while3A_341 : vector<16xi1>, vector<16xf32>
      %select_n3A_377 = arith.select %gt3A_375, %broadcast_in_dim3A_355, %while3A_349 : vector<16xi1>, vector<16xi32>
      %get3A_378 = arith.index_cast %while3A_337 : i32 to index
      %get3A_379 = arith.constant 64 : index
      %get3A_380 = tpu.vector_load %arg6[%get3A_378, %get3A_379] {strides = array<i32>} : memref<448x128xf32, #tpu.memory_space<vmem>>, vector<16xf32>,
      %gt3A_381 = arith.cmpf ogt, %get3A_380, %while3A_342 : vector<16xf32>
      %select_n3A_382 = arith.select %gt3A_381, %get3A_380, %while3A_342 : vector<16xi1>, vector<16xf32>
      %select_n3A_383 = arith.select %gt3A_381, %broadcast_in_dim3A_355, %while3A_350 : vector<16xi1>, vector<16xi32>
      %get3A_384 = arith.index_cast %while3A_337 : i32 to index
      %get3A_385 = arith.constant 80 : index
      %get3A_386 = tpu.vector_load %arg6[%get3A_384, %get3A_385] {strides = array<i32>} : memref<448x128xf32, #tpu.memory_space<vmem>>, vector<16xf32>,
      %gt3A_387 = arith.cmpf ogt, %get3A_386, %while3A_343 : vector<16xf32>
      %select_n3A_388 = arith.select %gt3A_387, %get3A_386, %while3A_343 : vector<16xi1>, vector<16xf32>
      %select_n3A_389 = arith.select %gt3A_387, %broadcast_in_dim3A_355, %while3A_351 : vector<16xi1>, vector<16xi32>
      %get3A_390 = arith.index_cast %while3A_337 : i32 to index
      %get3A_391 = arith.constant 96 : index
      %get3A_392 = tpu.vector_load %arg6[%get3A_390, %get3A_391] {strides = array<i32>} : memref<448x128xf32, #tpu.memory_space<vmem>>, vector<16xf32>,
      %gt3A_393 = arith.cmpf ogt, %get3A_392, %while3A_344 : vector<16xf32>
      %select_n3A_394 = arith.select %gt3A_393, %get3A_392, %while3A_344 : vector<16xi1>, vector<16xf32>
      %select_n3A_395 = arith.select %gt3A_393, %broadcast_in_dim3A_355, %while3A_352 : vector<16xi1>, vector<16xi32>
      %get3A_396 = arith.index_cast %while3A_337 : i32 to index
      %get3A_397 = arith.constant 112 : index
      %get3A_398 = tpu.vector_load %arg6[%get3A_396, %get3A_397] {strides = array<i32>} : memref<448x128xf32, #tpu.memory_space<vmem>>, vector<16xf32>,
      %gt3A_399 = arith.cmpf ogt, %get3A_398, %while3A_345 : vector<16xf32>
      %select_n3A_400 = arith.select %gt3A_399, %get3A_398, %while3A_345 : vector<16xi1>, vector<16xf32>
      %select_n3A_401 = arith.select %gt3A_399, %broadcast_in_dim3A_355, %while3A_353 : vector<16xi1>, vector<16xi32>
      scf.yield %select_n3A_358, %select_n3A_364, %select_n3A_370, %select_n3A_376, %select_n3A_382, %select_n3A_388, %select_n3A_394, %select_n3A_400, %select_n3A_359, %select_n3A_365, %select_n3A_371, %select_n3A_377, %select_n3A_383, %select_n3A_389, %select_n3A_395, %select_n3A_401 : vector<16xf32>, vector<16xf32>, vector<16xf32>, vector<16xf32>, vector<16xf32>, vector<16xf32>, vector<16xf32>, vector<16xf32>, vector<16xi32>, vector<16xi32>, vector<16xi32>, vector<16xi32>, vector<16xi32>, vector<16xi32>, vector<16xi32>, vector<16xi32>
    }
    %while3A_243 = arith.constant 1 : i32
    %while3A_244:16 = scf.for %while3A_337 = %while3A_240 to %while3A_236 step %while3A_243 iter_args(%while3A_338 = %while3A_242#0, %while3A_339 = %while3A_242#1, %while3A_340 = %while3A_242#2, %while3A_341 = %while3A_242#3, %while3A_342 = %while3A_242#4, %while3A_343 = %while3A_242#5, %while3A_344 = %while3A_242#6, %while3A_345 = %while3A_242#7, %while3A_346 = %while3A_242#8, %while3A_347 = %while3A_242#9, %while3A_348 = %while3A_242#10, %while3A_349 = %while3A_242#11, %while3A_350 = %while3A_242#12, %while3A_351 = %while3A_242#13, %while3A_352 = %while3A_242#14, %while3A_353 = %while3A_242#15) -> (vector<16xf32>, vector<16xf32>, vector<16xf32>, vector<16xf32>, vector<16xf32>, vector<16xf32>, vector<16xf32>, vector<16xf32>, vector<16xi32>, vector<16xi32>, vector<16xi32>, vector<16xi32>, vector<16xi32>, vector<16xi32>, vector<16xi32>, vector<16xi32>)  : i32 {
      %add3A_354 = arith.addi %add3A_227, %while3A_337 : i32
      %broadcast_in_dim3A_355 = vector.broadcast %add3A_354 : i32 to vector<16xi32>
      %get3A = arith.index_cast %while3A_337 : i32 to index
      %get3A_356 = arith.constant 0 : index
      %get3A_357 = tpu.vector_load %arg6[%get3A, %get3A_356] {strides = array<i32>} : memref<448x128xf32, #tpu.memory_space<vmem>>, vector<16xf32>,
      %gt3A = arith.cmpf ogt, %get3A_357, %while3A_338 : vector<16xf32>
      %select_n3A_358 = arith.select %gt3A, %get3A_357, %while3A_338 : vector<16xi1>, vector<16xf32>
      %select_n3A_359 = arith.select %gt3A, %broadcast_in_dim3A_355, %while3A_346 : vector<16xi1>, vector<16xi32>
      %get3A_360 = arith.index_cast %while3A_337 : i32 to index
      %get3A_361 = arith.constant 16 : index
      %get3A_362 = tpu.vector_load %arg6[%get3A_360, %get3A_361] {strides = array<i32>} : memref<448x128xf32, #tpu.memory_space<vmem>>, vector<16xf32>,
      %gt3A_363 = arith.cmpf ogt, %get3A_362, %while3A_339 : vector<16xf32>
      %select_n3A_364 = arith.select %gt3A_363, %get3A_362, %while3A_339 : vector<16xi1>, vector<16xf32>
      %select_n3A_365 = arith.select %gt3A_363, %broadcast_in_dim3A_355, %while3A_347 : vector<16xi1>, vector<16xi32>
      %get3A_366 = arith.index_cast %while3A_337 : i32 to index
      %get3A_367 = arith.constant 32 : index
      %get3A_368 = tpu.vector_load %arg6[%get3A_366, %get3A_367] {strides = array<i32>} : memref<448x128xf32, #tpu.memory_space<vmem>>, vector<16xf32>,
      %gt3A_369 = arith.cmpf ogt, %get3A_368, %while3A_340 : vector<16xf32>
      %select_n3A_370 = arith.select %gt3A_369, %get3A_368, %while3A_340 : vector<16xi1>, vector<16xf32>
      %select_n3A_371 = arith.select %gt3A_369, %broadcast_in_dim3A_355, %while3A_348 : vector<16xi1>, vector<16xi32>
      %get3A_372 = arith.index_cast %while3A_337 : i32 to index
      %get3A_373 = arith.constant 48 : index
      %get3A_374 = tpu.vector_load %arg6[%get3A_372, %get3A_373] {strides = array<i32>} : memref<448x128xf32, #tpu.memory_space<vmem>>, vector<16xf32>,
      %gt3A_375 = arith.cmpf ogt, %get3A_374, %while3A_341 : vector<16xf32>
      %select_n3A_376 = arith.select %gt3A_375, %get3A_374, %while3A_341 : vector<16xi1>, vector<16xf32>
      %select_n3A_377 = arith.select %gt3A_375, %broadcast_in_dim3A_355, %while3A_349 : vector<16xi1>, vector<16xi32>
      %get3A_378 = arith.index_cast %while3A_337 : i32 to index
      %get3A_379 = arith.constant 64 : index
      %get3A_380 = tpu.vector_load %arg6[%get3A_378, %get3A_379] {strides = array<i32>} : memref<448x128xf32, #tpu.memory_space<vmem>>, vector<16xf32>,
      %gt3A_381 = arith.cmpf ogt, %get3A_380, %while3A_342 : vector<16xf32>
      %select_n3A_382 = arith.select %gt3A_381, %get3A_380, %while3A_342 : vector<16xi1>, vector<16xf32>
      %select_n3A_383 = arith.select %gt3A_381, %broadcast_in_dim3A_355, %while3A_350 : vector<16xi1>, vector<16xi32>
      %get3A_384 = arith.index_cast %while3A_337 : i32 to index
      %get3A_385 = arith.constant 80 : index
      %get3A_386 = tpu.vector_load %arg6[%get3A_384, %get3A_385] {strides = array<i32>} : memref<448x128xf32, #tpu.memory_space<vmem>>, vector<16xf32>,
      %gt3A_387 = arith.cmpf ogt, %get3A_386, %while3A_343 : vector<16xf32>
      %select_n3A_388 = arith.select %gt3A_387, %get3A_386, %while3A_343 : vector<16xi1>, vector<16xf32>
      %select_n3A_389 = arith.select %gt3A_387, %broadcast_in_dim3A_355, %while3A_351 : vector<16xi1>, vector<16xi32>
      %get3A_390 = arith.index_cast %while3A_337 : i32 to index
      %get3A_391 = arith.constant 96 : index
      %get3A_392 = tpu.vector_load %arg6[%get3A_390, %get3A_391] {strides = array<i32>} : memref<448x128xf32, #tpu.memory_space<vmem>>, vector<16xf32>,
      %gt3A_393 = arith.cmpf ogt, %get3A_392, %while3A_344 : vector<16xf32>
      %select_n3A_394 = arith.select %gt3A_393, %get3A_392, %while3A_344 : vector<16xi1>, vector<16xf32>
      %select_n3A_395 = arith.select %gt3A_393, %broadcast_in_dim3A_355, %while3A_352 : vector<16xi1>, vector<16xi32>
      %get3A_396 = arith.index_cast %while3A_337 : i32 to index
      %get3A_397 = arith.constant 112 : index
      %get3A_398 = tpu.vector_load %arg6[%get3A_396, %get3A_397] {strides = array<i32>} : memref<448x128xf32, #tpu.memory_space<vmem>>, vector<16xf32>,
      %gt3A_399 = arith.cmpf ogt, %get3A_398, %while3A_345 : vector<16xf32>
      %select_n3A_400 = arith.select %gt3A_399, %get3A_398, %while3A_345 : vector<16xi1>, vector<16xf32>
      %select_n3A_401 = arith.select %gt3A_399, %broadcast_in_dim3A_355, %while3A_353 : vector<16xi1>, vector<16xi32>
      scf.yield %select_n3A_358, %select_n3A_364, %select_n3A_370, %select_n3A_376, %select_n3A_382, %select_n3A_388, %select_n3A_394, %select_n3A_400, %select_n3A_359, %select_n3A_365, %select_n3A_371, %select_n3A_377, %select_n3A_383, %select_n3A_389, %select_n3A_395, %select_n3A_401 : vector<16xf32>, vector<16xf32>, vector<16xf32>, vector<16xf32>, vector<16xf32>, vector<16xf32>, vector<16xf32>, vector<16xf32>, vector<16xi32>, vector<16xi32>, vector<16xi32>, vector<16xi32>, vector<16xi32>, vector<16xi32>, vector<16xi32>, vector<16xi32>
    }
    %add3A_245 = arith.constant 3136 : i32
    %add3A_246 = arith.addi %add3A_34, %add3A_245 : i32
    %dma_start3A_247 = arith.constant 0 : i32
    %dma_start3A_248 = tpu.memref_slice %arg2[%add3A, %add3A_246, %dma_start3A_247] : memref<4x100000x128xf32, #tpu.memory_space<hbm>> -> memref<1x448x128xf32, #tpu.memory_space<hbm>>
    %dma_start3A_249 = tpu.memref_squeeze %dma_start3A_248 : memref<1x448x128xf32, #tpu.memory_space<hbm>> -> memref<448x128xf32, #tpu.memory_space<hbm>>
    %dma_start3A_250 = arith.constant 0 : i32
    %dma_start3A_251 = tpu.memref_slice %arg2[%add3A, %add3A_246, %dma_start3A_250] : memref<4x100000x128xf32, #tpu.memory_space<hbm>> -> memref<1x448x128xf32, #tpu.memory_space<hbm>>
    %dma_start3A_252 = tpu.memref_squeeze %dma_start3A_251 : memref<1x448x128xf32, #tpu.memory_space<hbm>> -> memref<448x128xf32, #tpu.memory_space<hbm>>
    tpu.enqueue_dma source(%dma_start3A_252 : memref<448x128xf32, #tpu.memory_space<hbm>>) target(%arg6 : memref<448x128xf32, #tpu.memory_space<vmem>>) target_semaphore(%arg14 : memref<!tpu.dma_semaphore, #tpu.memory_space<semaphore_mem>>)
    %dma_wait3A_253 = arith.constant 0 : i32
    %dma_wait3A_254 = tpu.memref_slice %arg2[%add3A, %add3A_213, %dma_wait3A_253] : memref<4x100000x128xf32, #tpu.memory_space<hbm>> -> memref<1x448x128xf32, #tpu.memory_space<hbm>>
    %dma_wait3A_255 = tpu.memref_squeeze %dma_wait3A_254 : memref<1x448x128xf32, #tpu.memory_space<hbm>> -> memref<448x128xf32, #tpu.memory_space<hbm>>
    %dma_wait3A_256 = arith.constant 0 : i32
    %dma_wait3A_257 = tpu.memref_slice %arg2[%add3A, %add3A_213, %dma_wait3A_256] : memref<4x100000x128xf32, #tpu.memory_space<hbm>> -> memref<1x448x128xf32, #tpu.memory_space<hbm>>
    %dma_wait3A_258 = tpu.memref_squeeze %dma_wait3A_257 : memref<1x448x128xf32, #tpu.memory_space<hbm>> -> memref<448x128xf32, #tpu.memory_space<hbm>>
    tpu.wait_dma2 semaphore(%arg13 : memref<!tpu.dma_semaphore, #tpu.memory_space<semaphore_mem>>) src(%dma_wait3A_258 : memref<448x128xf32, #tpu.memory_space<hbm>>) dst(%arg5 : memref<448x128xf32, #tpu.memory_space<vmem>>)
    %add3A_259 = arith.constant 2688 : i32
    %add3A_260 = arith.addi %add3A_34, %add3A_259 : i32
    %sub3A_261 = arith.constant 2688 : i32
    %sub3A_262 = arith.subi %min3A, %sub3A_261 : i32
    %jit3A_263 = arith.constant 0 : i32
    %jit3A_264 = arith.constant 448 : i32
    %max3A_265 = arith.maxsi %jit3A_263, %sub3A_262 : i32
    %min3A_266 = arith.minsi %jit3A_264, %max3A_265 : i32
    %while3A_267 = arith.constant 0 : i32
    %while3A_268 = arith.subi %min3A_266, %while3A_267 : i32
    %while3A_269 = arith.addi %while3A_267, %while3A_268 : i32
    %while3A_270 = arith.constant 1 : i32
    %while3A_271 = arith.divsi %while3A_268, %while3A_270 : i32
    %while3A_272 = arith.muli %while3A_271, %while3A_270 : i32
    %while3A_273 = arith.addi %while3A_267, %while3A_272 : i32
    %while3A_274 = arith.constant 1 : i32
    %while3A_275:16 = scf.for %while3A_337 = %while3A_267 to %while3A_273 step %while3A_274 iter_args(%while3A_338 = %while3A_244#0, %while3A_339 = %while3A_244#1, %while3A_340 = %while3A_244#2, %while3A_341 = %while3A_244#3, %while3A_342 = %while3A_244#4, %while3A_343 = %while3A_244#5, %while3A_344 = %while3A_244#6, %while3A_345 = %while3A_244#7, %while3A_346 = %while3A_244#8, %while3A_347 = %while3A_244#9, %while3A_348 = %while3A_244#10, %while3A_349 = %while3A_244#11, %while3A_350 = %while3A_244#12, %while3A_351 = %while3A_244#13, %while3A_352 = %while3A_244#14, %while3A_353 = %while3A_244#15) -> (vector<16xf32>, vector<16xf32>, vector<16xf32>, vector<16xf32>, vector<16xf32>, vector<16xf32>, vector<16xf32>, vector<16xf32>, vector<16xi32>, vector<16xi32>, vector<16xi32>, vector<16xi32>, vector<16xi32>, vector<16xi32>, vector<16xi32>, vector<16xi32>)  : i32 {
      %add3A_354 = arith.addi %add3A_260, %while3A_337 : i32
      %broadcast_in_dim3A_355 = vector.broadcast %add3A_354 : i32 to vector<16xi32>
      %get3A = arith.index_cast %while3A_337 : i32 to index
      %get3A_356 = arith.constant 0 : index
      %get3A_357 = tpu.vector_load %arg5[%get3A, %get3A_356] {strides = array<i32>} : memref<448x128xf32, #tpu.memory_space<vmem>>, vector<16xf32>,
      %gt3A = arith.cmpf ogt, %get3A_357, %while3A_338 : vector<16xf32>
      %select_n3A_358 = arith.select %gt3A, %get3A_357, %while3A_338 : vector<16xi1>, vector<16xf32>
      %select_n3A_359 = arith.select %gt3A, %broadcast_in_dim3A_355, %while3A_346 : vector<16xi1>, vector<16xi32>
      %get3A_360 = arith.index_cast %while3A_337 : i32 to index
      %get3A_361 = arith.constant 16 : index
      %get3A_362 = tpu.vector_load %arg5[%get3A_360, %get3A_361] {strides = array<i32>} : memref<448x128xf32, #tpu.memory_space<vmem>>, vector<16xf32>,
      %gt3A_363 = arith.cmpf ogt, %get3A_362, %while3A_339 : vector<16xf32>
      %select_n3A_364 = arith.select %gt3A_363, %get3A_362, %while3A_339 : vector<16xi1>, vector<16xf32>
      %select_n3A_365 = arith.select %gt3A_363, %broadcast_in_dim3A_355, %while3A_347 : vector<16xi1>, vector<16xi32>
      %get3A_366 = arith.index_cast %while3A_337 : i32 to index
      %get3A_367 = arith.constant 32 : index
      %get3A_368 = tpu.vector_load %arg5[%get3A_366, %get3A_367] {strides = array<i32>} : memref<448x128xf32, #tpu.memory_space<vmem>>, vector<16xf32>,
      %gt3A_369 = arith.cmpf ogt, %get3A_368, %while3A_340 : vector<16xf32>
      %select_n3A_370 = arith.select %gt3A_369, %get3A_368, %while3A_340 : vector<16xi1>, vector<16xf32>
      %select_n3A_371 = arith.select %gt3A_369, %broadcast_in_dim3A_355, %while3A_348 : vector<16xi1>, vector<16xi32>
      %get3A_372 = arith.index_cast %while3A_337 : i32 to index
      %get3A_373 = arith.constant 48 : index
      %get3A_374 = tpu.vector_load %arg5[%get3A_372, %get3A_373] {strides = array<i32>} : memref<448x128xf32, #tpu.memory_space<vmem>>, vector<16xf32>,
      %gt3A_375 = arith.cmpf ogt, %get3A_374, %while3A_341 : vector<16xf32>
      %select_n3A_376 = arith.select %gt3A_375, %get3A_374, %while3A_341 : vector<16xi1>, vector<16xf32>
      %select_n3A_377 = arith.select %gt3A_375, %broadcast_in_dim3A_355, %while3A_349 : vector<16xi1>, vector<16xi32>
      %get3A_378 = arith.index_cast %while3A_337 : i32 to index
      %get3A_379 = arith.constant 64 : index
      %get3A_380 = tpu.vector_load %arg5[%get3A_378, %get3A_379] {strides = array<i32>} : memref<448x128xf32, #tpu.memory_space<vmem>>, vector<16xf32>,
      %gt3A_381 = arith.cmpf ogt, %get3A_380, %while3A_342 : vector<16xf32>
      %select_n3A_382 = arith.select %gt3A_381, %get3A_380, %while3A_342 : vector<16xi1>, vector<16xf32>
      %select_n3A_383 = arith.select %gt3A_381, %broadcast_in_dim3A_355, %while3A_350 : vector<16xi1>, vector<16xi32>
      %get3A_384 = arith.index_cast %while3A_337 : i32 to index
      %get3A_385 = arith.constant 80 : index
      %get3A_386 = tpu.vector_load %arg5[%get3A_384, %get3A_385] {strides = array<i32>} : memref<448x128xf32, #tpu.memory_space<vmem>>, vector<16xf32>,
      %gt3A_387 = arith.cmpf ogt, %get3A_386, %while3A_343 : vector<16xf32>
      %select_n3A_388 = arith.select %gt3A_387, %get3A_386, %while3A_343 : vector<16xi1>, vector<16xf32>
      %select_n3A_389 = arith.select %gt3A_387, %broadcast_in_dim3A_355, %while3A_351 : vector<16xi1>, vector<16xi32>
      %get3A_390 = arith.index_cast %while3A_337 : i32 to index
      %get3A_391 = arith.constant 96 : index
      %get3A_392 = tpu.vector_load %arg5[%get3A_390, %get3A_391] {strides = array<i32>} : memref<448x128xf32, #tpu.memory_space<vmem>>, vector<16xf32>,
      %gt3A_393 = arith.cmpf ogt, %get3A_392, %while3A_344 : vector<16xf32>
      %select_n3A_394 = arith.select %gt3A_393, %get3A_392, %while3A_344 : vector<16xi1>, vector<16xf32>
      %select_n3A_395 = arith.select %gt3A_393, %broadcast_in_dim3A_355, %while3A_352 : vector<16xi1>, vector<16xi32>
      %get3A_396 = arith.index_cast %while3A_337 : i32 to index
      %get3A_397 = arith.constant 112 : index
      %get3A_398 = tpu.vector_load %arg5[%get3A_396, %get3A_397] {strides = array<i32>} : memref<448x128xf32, #tpu.memory_space<vmem>>, vector<16xf32>,
      %gt3A_399 = arith.cmpf ogt, %get3A_398, %while3A_345 : vector<16xf32>
      %select_n3A_400 = arith.select %gt3A_399, %get3A_398, %while3A_345 : vector<16xi1>, vector<16xf32>
      %select_n3A_401 = arith.select %gt3A_399, %broadcast_in_dim3A_355, %while3A_353 : vector<16xi1>, vector<16xi32>
      scf.yield %select_n3A_358, %select_n3A_364, %select_n3A_370, %select_n3A_376, %select_n3A_382, %select_n3A_388, %select_n3A_394, %select_n3A_400, %select_n3A_359, %select_n3A_365, %select_n3A_371, %select_n3A_377, %select_n3A_383, %select_n3A_389, %select_n3A_395, %select_n3A_401 : vector<16xf32>, vector<16xf32>, vector<16xf32>, vector<16xf32>, vector<16xf32>, vector<16xf32>, vector<16xf32>, vector<16xf32>, vector<16xi32>, vector<16xi32>, vector<16xi32>, vector<16xi32>, vector<16xi32>, vector<16xi32>, vector<16xi32>, vector<16xi32>
    }
    %while3A_276 = arith.constant 1 : i32
    %while3A_277:16 = scf.for %while3A_337 = %while3A_273 to %while3A_269 step %while3A_276 iter_args(%while3A_338 = %while3A_275#0, %while3A_339 = %while3A_275#1, %while3A_340 = %while3A_275#2, %while3A_341 = %while3A_275#3, %while3A_342 = %while3A_275#4, %while3A_343 = %while3A_275#5, %while3A_344 = %while3A_275#6, %while3A_345 = %while3A_275#7, %while3A_346 = %while3A_275#8, %while3A_347 = %while3A_275#9, %while3A_348 = %while3A_275#10, %while3A_349 = %while3A_275#11, %while3A_350 = %while3A_275#12, %while3A_351 = %while3A_275#13, %while3A_352 = %while3A_275#14, %while3A_353 = %while3A_275#15) -> (vector<16xf32>, vector<16xf32>, vector<16xf32>, vector<16xf32>, vector<16xf32>, vector<16xf32>, vector<16xf32>, vector<16xf32>, vector<16xi32>, vector<16xi32>, vector<16xi32>, vector<16xi32>, vector<16xi32>, vector<16xi32>, vector<16xi32>, vector<16xi32>)  : i32 {
      %add3A_354 = arith.addi %add3A_260, %while3A_337 : i32
      %broadcast_in_dim3A_355 = vector.broadcast %add3A_354 : i32 to vector<16xi32>
      %get3A = arith.index_cast %while3A_337 : i32 to index
      %get3A_356 = arith.constant 0 : index
      %get3A_357 = tpu.vector_load %arg5[%get3A, %get3A_356] {strides = array<i32>} : memref<448x128xf32, #tpu.memory_space<vmem>>, vector<16xf32>,
      %gt3A = arith.cmpf ogt, %get3A_357, %while3A_338 : vector<16xf32>
      %select_n3A_358 = arith.select %gt3A, %get3A_357, %while3A_338 : vector<16xi1>, vector<16xf32>
      %select_n3A_359 = arith.select %gt3A, %broadcast_in_dim3A_355, %while3A_346 : vector<16xi1>, vector<16xi32>
      %get3A_360 = arith.index_cast %while3A_337 : i32 to index
      %get3A_361 = arith.constant 16 : index
      %get3A_362 = tpu.vector_load %arg5[%get3A_360, %get3A_361] {strides = array<i32>} : memref<448x128xf32, #tpu.memory_space<vmem>>, vector<16xf32>,
      %gt3A_363 = arith.cmpf ogt, %get3A_362, %while3A_339 : vector<16xf32>
      %select_n3A_364 = arith.select %gt3A_363, %get3A_362, %while3A_339 : vector<16xi1>, vector<16xf32>
      %select_n3A_365 = arith.select %gt3A_363, %broadcast_in_dim3A_355, %while3A_347 : vector<16xi1>, vector<16xi32>
      %get3A_366 = arith.index_cast %while3A_337 : i32 to index
      %get3A_367 = arith.constant 32 : index
      %get3A_368 = tpu.vector_load %arg5[%get3A_366, %get3A_367] {strides = array<i32>} : memref<448x128xf32, #tpu.memory_space<vmem>>, vector<16xf32>,
      %gt3A_369 = arith.cmpf ogt, %get3A_368, %while3A_340 : vector<16xf32>
      %select_n3A_370 = arith.select %gt3A_369, %get3A_368, %while3A_340 : vector<16xi1>, vector<16xf32>
      %select_n3A_371 = arith.select %gt3A_369, %broadcast_in_dim3A_355, %while3A_348 : vector<16xi1>, vector<16xi32>
      %get3A_372 = arith.index_cast %while3A_337 : i32 to index
      %get3A_373 = arith.constant 48 : index
      %get3A_374 = tpu.vector_load %arg5[%get3A_372, %get3A_373] {strides = array<i32>} : memref<448x128xf32, #tpu.memory_space<vmem>>, vector<16xf32>,
      %gt3A_375 = arith.cmpf ogt, %get3A_374, %while3A_341 : vector<16xf32>
      %select_n3A_376 = arith.select %gt3A_375, %get3A_374, %while3A_341 : vector<16xi1>, vector<16xf32>
      %select_n3A_377 = arith.select %gt3A_375, %broadcast_in_dim3A_355, %while3A_349 : vector<16xi1>, vector<16xi32>
      %get3A_378 = arith.index_cast %while3A_337 : i32 to index
      %get3A_379 = arith.constant 64 : index
      %get3A_380 = tpu.vector_load %arg5[%get3A_378, %get3A_379] {strides = array<i32>} : memref<448x128xf32, #tpu.memory_space<vmem>>, vector<16xf32>,
      %gt3A_381 = arith.cmpf ogt, %get3A_380, %while3A_342 : vector<16xf32>
      %select_n3A_382 = arith.select %gt3A_381, %get3A_380, %while3A_342 : vector<16xi1>, vector<16xf32>
      %select_n3A_383 = arith.select %gt3A_381, %broadcast_in_dim3A_355, %while3A_350 : vector<16xi1>, vector<16xi32>
      %get3A_384 = arith.index_cast %while3A_337 : i32 to index
      %get3A_385 = arith.constant 80 : index
      %get3A_386 = tpu.vector_load %arg5[%get3A_384, %get3A_385] {strides = array<i32>} : memref<448x128xf32, #tpu.memory_space<vmem>>, vector<16xf32>,
      %gt3A_387 = arith.cmpf ogt, %get3A_386, %while3A_343 : vector<16xf32>
      %select_n3A_388 = arith.select %gt3A_387, %get3A_386, %while3A_343 : vector<16xi1>, vector<16xf32>
      %select_n3A_389 = arith.select %gt3A_387, %broadcast_in_dim3A_355, %while3A_351 : vector<16xi1>, vector<16xi32>
      %get3A_390 = arith.index_cast %while3A_337 : i32 to index
      %get3A_391 = arith.constant 96 : index
      %get3A_392 = tpu.vector_load %arg5[%get3A_390, %get3A_391] {strides = array<i32>} : memref<448x128xf32, #tpu.memory_space<vmem>>, vector<16xf32>,
      %gt3A_393 = arith.cmpf ogt, %get3A_392, %while3A_344 : vector<16xf32>
      %select_n3A_394 = arith.select %gt3A_393, %get3A_392, %while3A_344 : vector<16xi1>, vector<16xf32>
      %select_n3A_395 = arith.select %gt3A_393, %broadcast_in_dim3A_355, %while3A_352 : vector<16xi1>, vector<16xi32>
      %get3A_396 = arith.index_cast %while3A_337 : i32 to index
      %get3A_397 = arith.constant 112 : index
      %get3A_398 = tpu.vector_load %arg5[%get3A_396, %get3A_397] {strides = array<i32>} : memref<448x128xf32, #tpu.memory_space<vmem>>, vector<16xf32>,
      %gt3A_399 = arith.cmpf ogt, %get3A_398, %while3A_345 : vector<16xf32>
      %select_n3A_400 = arith.select %gt3A_399, %get3A_398, %while3A_345 : vector<16xi1>, vector<16xf32>
      %select_n3A_401 = arith.select %gt3A_399, %broadcast_in_dim3A_355, %while3A_353 : vector<16xi1>, vector<16xi32>
      scf.yield %select_n3A_358, %select_n3A_364, %select_n3A_370, %select_n3A_376, %select_n3A_382, %select_n3A_388, %select_n3A_394, %select_n3A_400, %select_n3A_359, %select_n3A_365, %select_n3A_371, %select_n3A_377, %select_n3A_383, %select_n3A_389, %select_n3A_395, %select_n3A_401 : vector<16xf32>, vector<16xf32>, vector<16xf32>, vector<16xf32>, vector<16xf32>, vector<16xf32>, vector<16xf32>, vector<16xf32>, vector<16xi32>, vector<16xi32>, vector<16xi32>, vector<16xi32>, vector<16xi32>, vector<16xi32>, vector<16xi32>, vector<16xi32>
    }
    %dma_wait3A_278 = arith.constant 0 : i32
    %dma_wait3A_279 = tpu.memref_slice %arg2[%add3A, %add3A_246, %dma_wait3A_278] : memref<4x100000x128xf32, #tpu.memory_space<hbm>> -> memref<1x448x128xf32, #tpu.memory_space<hbm>>
    %dma_wait3A_280 = tpu.memref_squeeze %dma_wait3A_279 : memref<1x448x128xf32, #tpu.memory_space<hbm>> -> memref<448x128xf32, #tpu.memory_space<hbm>>
    %dma_wait3A_281 = arith.constant 0 : i32
    %dma_wait3A_282 = tpu.memref_slice %arg2[%add3A, %add3A_246, %dma_wait3A_281] : memref<4x100000x128xf32, #tpu.memory_space<hbm>> -> memref<1x448x128xf32, #tpu.memory_space<hbm>>
    %dma_wait3A_283 = tpu.memref_squeeze %dma_wait3A_282 : memref<1x448x128xf32, #tpu.memory_space<hbm>> -> memref<448x128xf32, #tpu.memory_space<hbm>>
    tpu.wait_dma2 semaphore(%arg14 : memref<!tpu.dma_semaphore, #tpu.memory_space<semaphore_mem>>) src(%dma_wait3A_283 : memref<448x128xf32, #tpu.memory_space<hbm>>) dst(%arg6 : memref<448x128xf32, #tpu.memory_space<vmem>>)
    %add3A_284 = arith.constant 3136 : i32
    %add3A_285 = arith.addi %add3A_34, %add3A_284 : i32
    %sub3A_286 = arith.constant 3136 : i32
    %sub3A_287 = arith.subi %min3A, %sub3A_286 : i32
    %jit3A_288 = arith.constant 0 : i32
    %jit3A_289 = arith.constant 448 : i32
    %max3A_290 = arith.maxsi %jit3A_288, %sub3A_287 : i32
    %min3A_291 = arith.minsi %jit3A_289, %max3A_290 : i32
    %while3A_292 = arith.constant 0 : i32
    %while3A_293 = arith.subi %min3A_291, %while3A_292 : i32
    %while3A_294 = arith.addi %while3A_292, %while3A_293 : i32
    %while3A_295 = arith.constant 1 : i32
    %while3A_296 = arith.divsi %while3A_293, %while3A_295 : i32
    %while3A_297 = arith.muli %while3A_296, %while3A_295 : i32
    %while3A_298 = arith.addi %while3A_292, %while3A_297 : i32
    %while3A_299 = arith.constant 1 : i32
    %while3A_300:16 = scf.for %while3A_337 = %while3A_292 to %while3A_298 step %while3A_299 iter_args(%while3A_338 = %while3A_277#0, %while3A_339 = %while3A_277#1, %while3A_340 = %while3A_277#2, %while3A_341 = %while3A_277#3, %while3A_342 = %while3A_277#4, %while3A_343 = %while3A_277#5, %while3A_344 = %while3A_277#6, %while3A_345 = %while3A_277#7, %while3A_346 = %while3A_277#8, %while3A_347 = %while3A_277#9, %while3A_348 = %while3A_277#10, %while3A_349 = %while3A_277#11, %while3A_350 = %while3A_277#12, %while3A_351 = %while3A_277#13, %while3A_352 = %while3A_277#14, %while3A_353 = %while3A_277#15) -> (vector<16xf32>, vector<16xf32>, vector<16xf32>, vector<16xf32>, vector<16xf32>, vector<16xf32>, vector<16xf32>, vector<16xf32>, vector<16xi32>, vector<16xi32>, vector<16xi32>, vector<16xi32>, vector<16xi32>, vector<16xi32>, vector<16xi32>, vector<16xi32>)  : i32 {
      %add3A_354 = arith.addi %add3A_285, %while3A_337 : i32
      %broadcast_in_dim3A_355 = vector.broadcast %add3A_354 : i32 to vector<16xi32>
      %get3A = arith.index_cast %while3A_337 : i32 to index
      %get3A_356 = arith.constant 0 : index
      %get3A_357 = tpu.vector_load %arg6[%get3A, %get3A_356] {strides = array<i32>} : memref<448x128xf32, #tpu.memory_space<vmem>>, vector<16xf32>,
      %gt3A = arith.cmpf ogt, %get3A_357, %while3A_338 : vector<16xf32>
      %select_n3A_358 = arith.select %gt3A, %get3A_357, %while3A_338 : vector<16xi1>, vector<16xf32>
      %select_n3A_359 = arith.select %gt3A, %broadcast_in_dim3A_355, %while3A_346 : vector<16xi1>, vector<16xi32>
      %get3A_360 = arith.index_cast %while3A_337 : i32 to index
      %get3A_361 = arith.constant 16 : index
      %get3A_362 = tpu.vector_load %arg6[%get3A_360, %get3A_361] {strides = array<i32>} : memref<448x128xf32, #tpu.memory_space<vmem>>, vector<16xf32>,
      %gt3A_363 = arith.cmpf ogt, %get3A_362, %while3A_339 : vector<16xf32>
      %select_n3A_364 = arith.select %gt3A_363, %get3A_362, %while3A_339 : vector<16xi1>, vector<16xf32>
      %select_n3A_365 = arith.select %gt3A_363, %broadcast_in_dim3A_355, %while3A_347 : vector<16xi1>, vector<16xi32>
      %get3A_366 = arith.index_cast %while3A_337 : i32 to index
      %get3A_367 = arith.constant 32 : index
      %get3A_368 = tpu.vector_load %arg6[%get3A_366, %get3A_367] {strides = array<i32>} : memref<448x128xf32, #tpu.memory_space<vmem>>, vector<16xf32>,
      %gt3A_369 = arith.cmpf ogt, %get3A_368, %while3A_340 : vector<16xf32>
      %select_n3A_370 = arith.select %gt3A_369, %get3A_368, %while3A_340 : vector<16xi1>, vector<16xf32>
      %select_n3A_371 = arith.select %gt3A_369, %broadcast_in_dim3A_355, %while3A_348 : vector<16xi1>, vector<16xi32>
      %get3A_372 = arith.index_cast %while3A_337 : i32 to index
      %get3A_373 = arith.constant 48 : index
      %get3A_374 = tpu.vector_load %arg6[%get3A_372, %get3A_373] {strides = array<i32>} : memref<448x128xf32, #tpu.memory_space<vmem>>, vector<16xf32>,
      %gt3A_375 = arith.cmpf ogt, %get3A_374, %while3A_341 : vector<16xf32>
      %select_n3A_376 = arith.select %gt3A_375, %get3A_374, %while3A_341 : vector<16xi1>, vector<16xf32>
      %select_n3A_377 = arith.select %gt3A_375, %broadcast_in_dim3A_355, %while3A_349 : vector<16xi1>, vector<16xi32>
      %get3A_378 = arith.index_cast %while3A_337 : i32 to index
      %get3A_379 = arith.constant 64 : index
      %get3A_380 = tpu.vector_load %arg6[%get3A_378, %get3A_379] {strides = array<i32>} : memref<448x128xf32, #tpu.memory_space<vmem>>, vector<16xf32>,
      %gt3A_381 = arith.cmpf ogt, %get3A_380, %while3A_342 : vector<16xf32>
      %select_n3A_382 = arith.select %gt3A_381, %get3A_380, %while3A_342 : vector<16xi1>, vector<16xf32>
      %select_n3A_383 = arith.select %gt3A_381, %broadcast_in_dim3A_355, %while3A_350 : vector<16xi1>, vector<16xi32>
      %get3A_384 = arith.index_cast %while3A_337 : i32 to index
      %get3A_385 = arith.constant 80 : index
      %get3A_386 = tpu.vector_load %arg6[%get3A_384, %get3A_385] {strides = array<i32>} : memref<448x128xf32, #tpu.memory_space<vmem>>, vector<16xf32>,
      %gt3A_387 = arith.cmpf ogt, %get3A_386, %while3A_343 : vector<16xf32>
      %select_n3A_388 = arith.select %gt3A_387, %get3A_386, %while3A_343 : vector<16xi1>, vector<16xf32>
      %select_n3A_389 = arith.select %gt3A_387, %broadcast_in_dim3A_355, %while3A_351 : vector<16xi1>, vector<16xi32>
      %get3A_390 = arith.index_cast %while3A_337 : i32 to index
      %get3A_391 = arith.constant 96 : index
      %get3A_392 = tpu.vector_load %arg6[%get3A_390, %get3A_391] {strides = array<i32>} : memref<448x128xf32, #tpu.memory_space<vmem>>, vector<16xf32>,
      %gt3A_393 = arith.cmpf ogt, %get3A_392, %while3A_344 : vector<16xf32>
      %select_n3A_394 = arith.select %gt3A_393, %get3A_392, %while3A_344 : vector<16xi1>, vector<16xf32>
      %select_n3A_395 = arith.select %gt3A_393, %broadcast_in_dim3A_355, %while3A_352 : vector<16xi1>, vector<16xi32>
      %get3A_396 = arith.index_cast %while3A_337 : i32 to index
      %get3A_397 = arith.constant 112 : index
      %get3A_398 = tpu.vector_load %arg6[%get3A_396, %get3A_397] {strides = array<i32>} : memref<448x128xf32, #tpu.memory_space<vmem>>, vector<16xf32>,
      %gt3A_399 = arith.cmpf ogt, %get3A_398, %while3A_345 : vector<16xf32>
      %select_n3A_400 = arith.select %gt3A_399, %get3A_398, %while3A_345 : vector<16xi1>, vector<16xf32>
      %select_n3A_401 = arith.select %gt3A_399, %broadcast_in_dim3A_355, %while3A_353 : vector<16xi1>, vector<16xi32>
      scf.yield %select_n3A_358, %select_n3A_364, %select_n3A_370, %select_n3A_376, %select_n3A_382, %select_n3A_388, %select_n3A_394, %select_n3A_400, %select_n3A_359, %select_n3A_365, %select_n3A_371, %select_n3A_377, %select_n3A_383, %select_n3A_389, %select_n3A_395, %select_n3A_401 : vector<16xf32>, vector<16xf32>, vector<16xf32>, vector<16xf32>, vector<16xf32>, vector<16xf32>, vector<16xf32>, vector<16xf32>, vector<16xi32>, vector<16xi32>, vector<16xi32>, vector<16xi32>, vector<16xi32>, vector<16xi32>, vector<16xi32>, vector<16xi32>
    }
    %while3A_301 = arith.constant 1 : i32
    %while3A_302:16 = scf.for %while3A_337 = %while3A_298 to %while3A_294 step %while3A_301 iter_args(%while3A_338 = %while3A_300#0, %while3A_339 = %while3A_300#1, %while3A_340 = %while3A_300#2, %while3A_341 = %while3A_300#3, %while3A_342 = %while3A_300#4, %while3A_343 = %while3A_300#5, %while3A_344 = %while3A_300#6, %while3A_345 = %while3A_300#7, %while3A_346 = %while3A_300#8, %while3A_347 = %while3A_300#9, %while3A_348 = %while3A_300#10, %while3A_349 = %while3A_300#11, %while3A_350 = %while3A_300#12, %while3A_351 = %while3A_300#13, %while3A_352 = %while3A_300#14, %while3A_353 = %while3A_300#15) -> (vector<16xf32>, vector<16xf32>, vector<16xf32>, vector<16xf32>, vector<16xf32>, vector<16xf32>, vector<16xf32>, vector<16xf32>, vector<16xi32>, vector<16xi32>, vector<16xi32>, vector<16xi32>, vector<16xi32>, vector<16xi32>, vector<16xi32>, vector<16xi32>)  : i32 {
      %add3A_354 = arith.addi %add3A_285, %while3A_337 : i32
      %broadcast_in_dim3A_355 = vector.broadcast %add3A_354 : i32 to vector<16xi32>
      %get3A = arith.index_cast %while3A_337 : i32 to index
      %get3A_356 = arith.constant 0 : index
      %get3A_357 = tpu.vector_load %arg6[%get3A, %get3A_356] {strides = array<i32>} : memref<448x128xf32, #tpu.memory_space<vmem>>, vector<16xf32>,
      %gt3A = arith.cmpf ogt, %get3A_357, %while3A_338 : vector<16xf32>
      %select_n3A_358 = arith.select %gt3A, %get3A_357, %while3A_338 : vector<16xi1>, vector<16xf32>
      %select_n3A_359 = arith.select %gt3A, %broadcast_in_dim3A_355, %while3A_346 : vector<16xi1>, vector<16xi32>
      %get3A_360 = arith.index_cast %while3A_337 : i32 to index
      %get3A_361 = arith.constant 16 : index
      %get3A_362 = tpu.vector_load %arg6[%get3A_360, %get3A_361] {strides = array<i32>} : memref<448x128xf32, #tpu.memory_space<vmem>>, vector<16xf32>,
      %gt3A_363 = arith.cmpf ogt, %get3A_362, %while3A_339 : vector<16xf32>
      %select_n3A_364 = arith.select %gt3A_363, %get3A_362, %while3A_339 : vector<16xi1>, vector<16xf32>
      %select_n3A_365 = arith.select %gt3A_363, %broadcast_in_dim3A_355, %while3A_347 : vector<16xi1>, vector<16xi32>
      %get3A_366 = arith.index_cast %while3A_337 : i32 to index
      %get3A_367 = arith.constant 32 : index
      %get3A_368 = tpu.vector_load %arg6[%get3A_366, %get3A_367] {strides = array<i32>} : memref<448x128xf32, #tpu.memory_space<vmem>>, vector<16xf32>,
      %gt3A_369 = arith.cmpf ogt, %get3A_368, %while3A_340 : vector<16xf32>
      %select_n3A_370 = arith.select %gt3A_369, %get3A_368, %while3A_340 : vector<16xi1>, vector<16xf32>
      %select_n3A_371 = arith.select %gt3A_369, %broadcast_in_dim3A_355, %while3A_348 : vector<16xi1>, vector<16xi32>
      %get3A_372 = arith.index_cast %while3A_337 : i32 to index
      %get3A_373 = arith.constant 48 : index
      %get3A_374 = tpu.vector_load %arg6[%get3A_372, %get3A_373] {strides = array<i32>} : memref<448x128xf32, #tpu.memory_space<vmem>>, vector<16xf32>,
      %gt3A_375 = arith.cmpf ogt, %get3A_374, %while3A_341 : vector<16xf32>
      %select_n3A_376 = arith.select %gt3A_375, %get3A_374, %while3A_341 : vector<16xi1>, vector<16xf32>
      %select_n3A_377 = arith.select %gt3A_375, %broadcast_in_dim3A_355, %while3A_349 : vector<16xi1>, vector<16xi32>
      %get3A_378 = arith.index_cast %while3A_337 : i32 to index
      %get3A_379 = arith.constant 64 : index
      %get3A_380 = tpu.vector_load %arg6[%get3A_378, %get3A_379] {strides = array<i32>} : memref<448x128xf32, #tpu.memory_space<vmem>>, vector<16xf32>,
      %gt3A_381 = arith.cmpf ogt, %get3A_380, %while3A_342 : vector<16xf32>
      %select_n3A_382 = arith.select %gt3A_381, %get3A_380, %while3A_342 : vector<16xi1>, vector<16xf32>
      %select_n3A_383 = arith.select %gt3A_381, %broadcast_in_dim3A_355, %while3A_350 : vector<16xi1>, vector<16xi32>
      %get3A_384 = arith.index_cast %while3A_337 : i32 to index
      %get3A_385 = arith.constant 80 : index
      %get3A_386 = tpu.vector_load %arg6[%get3A_384, %get3A_385] {strides = array<i32>} : memref<448x128xf32, #tpu.memory_space<vmem>>, vector<16xf32>,
      %gt3A_387 = arith.cmpf ogt, %get3A_386, %while3A_343 : vector<16xf32>
      %select_n3A_388 = arith.select %gt3A_387, %get3A_386, %while3A_343 : vector<16xi1>, vector<16xf32>
      %select_n3A_389 = arith.select %gt3A_387, %broadcast_in_dim3A_355, %while3A_351 : vector<16xi1>, vector<16xi32>
      %get3A_390 = arith.index_cast %while3A_337 : i32 to index
      %get3A_391 = arith.constant 96 : index
      %get3A_392 = tpu.vector_load %arg6[%get3A_390, %get3A_391] {strides = array<i32>} : memref<448x128xf32, #tpu.memory_space<vmem>>, vector<16xf32>,
      %gt3A_393 = arith.cmpf ogt, %get3A_392, %while3A_344 : vector<16xf32>
      %select_n3A_394 = arith.select %gt3A_393, %get3A_392, %while3A_344 : vector<16xi1>, vector<16xf32>
      %select_n3A_395 = arith.select %gt3A_393, %broadcast_in_dim3A_355, %while3A_352 : vector<16xi1>, vector<16xi32>
      %get3A_396 = arith.index_cast %while3A_337 : i32 to index
      %get3A_397 = arith.constant 112 : index
      %get3A_398 = tpu.vector_load %arg6[%get3A_396, %get3A_397] {strides = array<i32>} : memref<448x128xf32, #tpu.memory_space<vmem>>, vector<16xf32>,
      %gt3A_399 = arith.cmpf ogt, %get3A_398, %while3A_345 : vector<16xf32>
      %select_n3A_400 = arith.select %gt3A_399, %get3A_398, %while3A_345 : vector<16xi1>, vector<16xf32>
      %select_n3A_401 = arith.select %gt3A_399, %broadcast_in_dim3A_355, %while3A_353 : vector<16xi1>, vector<16xi32>
      scf.yield %select_n3A_358, %select_n3A_364, %select_n3A_370, %select_n3A_376, %select_n3A_382, %select_n3A_388, %select_n3A_394, %select_n3A_400, %select_n3A_359, %select_n3A_365, %select_n3A_371, %select_n3A_377, %select_n3A_383, %select_n3A_389, %select_n3A_395, %select_n3A_401 : vector<16xf32>, vector<16xf32>, vector<16xf32>, vector<16xf32>, vector<16xf32>, vector<16xf32>, vector<16xf32>, vector<16xf32>, vector<16xi32>, vector<16xi32>, vector<16xi32>, vector<16xi32>, vector<16xi32>, vector<16xi32>, vector<16xi32>, vector<16xi32>
    }
    %swap3A = arith.constant 0 : index
    %swap3A_303 = tpu.vector_load %arg7[%swap3A] {strides = array<i32>} : memref<128xf32, #tpu.memory_space<vmem>>, vector<16xf32>,
    tpu.vector_store %arg7[%swap3A], %while3A_302#0 {strides = array<i32>} : memref<128xf32, #tpu.memory_space<vmem>>, vector<16xf32>,
    %swap3A_304 = arith.constant 0 : index
    %swap3A_305 = tpu.vector_load %arg8[%swap3A_304] {strides = array<i32>} : memref<128xi32, #tpu.memory_space<vmem>>, vector<16xi32>,
    tpu.vector_store %arg8[%swap3A_304], %while3A_302#8 {strides = array<i32>} : memref<128xi32, #tpu.memory_space<vmem>>, vector<16xi32>,
    %swap3A_306 = arith.constant 16 : index
    %swap3A_307 = tpu.vector_load %arg7[%swap3A_306] {strides = array<i32>} : memref<128xf32, #tpu.memory_space<vmem>>, vector<16xf32>,
    tpu.vector_store %arg7[%swap3A_306], %while3A_302#1 {strides = array<i32>} : memref<128xf32, #tpu.memory_space<vmem>>, vector<16xf32>,
    %swap3A_308 = arith.constant 16 : index
    %swap3A_309 = tpu.vector_load %arg8[%swap3A_308] {strides = array<i32>} : memref<128xi32, #tpu.memory_space<vmem>>, vector<16xi32>,
    tpu.vector_store %arg8[%swap3A_308], %while3A_302#9 {strides = array<i32>} : memref<128xi32, #tpu.memory_space<vmem>>, vector<16xi32>,
    %swap3A_310 = arith.constant 32 : index
    %swap3A_311 = tpu.vector_load %arg7[%swap3A_310] {strides = array<i32>} : memref<128xf32, #tpu.memory_space<vmem>>, vector<16xf32>,
    tpu.vector_store %arg7[%swap3A_310], %while3A_302#2 {strides = array<i32>} : memref<128xf32, #tpu.memory_space<vmem>>, vector<16xf32>,
    %swap3A_312 = arith.constant 32 : index
    %swap3A_313 = tpu.vector_load %arg8[%swap3A_312] {strides = array<i32>} : memref<128xi32, #tpu.memory_space<vmem>>, vector<16xi32>,
    tpu.vector_store %arg8[%swap3A_312], %while3A_302#10 {strides = array<i32>} : memref<128xi32, #tpu.memory_space<vmem>>, vector<16xi32>,
    %swap3A_314 = arith.constant 48 : index
    %swap3A_315 = tpu.vector_load %arg7[%swap3A_314] {strides = array<i32>} : memref<128xf32, #tpu.memory_space<vmem>>, vector<16xf32>,
    tpu.vector_store %arg7[%swap3A_314], %while3A_302#3 {strides = array<i32>} : memref<128xf32, #tpu.memory_space<vmem>>, vector<16xf32>,
    %swap3A_316 = arith.constant 48 : index
    %swap3A_317 = tpu.vector_load %arg8[%swap3A_316] {strides = array<i32>} : memref<128xi32, #tpu.memory_space<vmem>>, vector<16xi32>,
    tpu.vector_store %arg8[%swap3A_316], %while3A_302#11 {strides = array<i32>} : memref<128xi32, #tpu.memory_space<vmem>>, vector<16xi32>,
    %swap3A_318 = arith.constant 64 : index
    %swap3A_319 = tpu.vector_load %arg7[%swap3A_318] {strides = array<i32>} : memref<128xf32, #tpu.memory_space<vmem>>, vector<16xf32>,
    tpu.vector_store %arg7[%swap3A_318], %while3A_302#4 {strides = array<i32>} : memref<128xf32, #tpu.memory_space<vmem>>, vector<16xf32>,
    %swap3A_320 = arith.constant 64 : index
    %swap3A_321 = tpu.vector_load %arg8[%swap3A_320] {strides = array<i32>} : memref<128xi32, #tpu.memory_space<vmem>>, vector<16xi32>,
    tpu.vector_store %arg8[%swap3A_320], %while3A_302#12 {strides = array<i32>} : memref<128xi32, #tpu.memory_space<vmem>>, vector<16xi32>,
    %swap3A_322 = arith.constant 80 : index
    %swap3A_323 = tpu.vector_load %arg7[%swap3A_322] {strides = array<i32>} : memref<128xf32, #tpu.memory_space<vmem>>, vector<16xf32>,
    tpu.vector_store %arg7[%swap3A_322], %while3A_302#5 {strides = array<i32>} : memref<128xf32, #tpu.memory_space<vmem>>, vector<16xf32>,
    %swap3A_324 = arith.constant 80 : index
    %swap3A_325 = tpu.vector_load %arg8[%swap3A_324] {strides = array<i32>} : memref<128xi32, #tpu.memory_space<vmem>>, vector<16xi32>,
    tpu.vector_store %arg8[%swap3A_324], %while3A_302#13 {strides = array<i32>} : memref<128xi32, #tpu.memory_space<vmem>>, vector<16xi32>,
    %swap3A_326 = arith.constant 96 : index
    %swap3A_327 = tpu.vector_load %arg7[%swap3A_326] {strides = array<i32>} : memref<128xf32, #tpu.memory_space<vmem>>, vector<16xf32>,
    tpu.vector_store %arg7[%swap3A_326], %while3A_302#6 {strides = array<i32>} : memref<128xf32, #tpu.memory_space<vmem>>, vector<16xf32>,
    %swap3A_328 = arith.constant 96 : index
    %swap3A_329 = tpu.vector_load %arg8[%swap3A_328] {strides = array<i32>} : memref<128xi32, #tpu.memory_space<vmem>>, vector<16xi32>,
    tpu.vector_store %arg8[%swap3A_328], %while3A_302#14 {strides = array<i32>} : memref<128xi32, #tpu.memory_space<vmem>>, vector<16xi32>,
    %swap3A_330 = arith.constant 112 : index
    %swap3A_331 = tpu.vector_load %arg7[%swap3A_330] {strides = array<i32>} : memref<128xf32, #tpu.memory_space<vmem>>, vector<16xf32>,
    tpu.vector_store %arg7[%swap3A_330], %while3A_302#7 {strides = array<i32>} : memref<128xf32, #tpu.memory_space<vmem>>, vector<16xf32>,
    %swap3A_332 = arith.constant 112 : index
    %swap3A_333 = tpu.vector_load %arg8[%swap3A_332] {strides = array<i32>} : memref<128xi32, #tpu.memory_space<vmem>>, vector<16xi32>,
    tpu.vector_store %arg8[%swap3A_332], %while3A_302#15 {strides = array<i32>} : memref<128xi32, #tpu.memory_space<vmem>>, vector<16xi32>,
    "tpu.region"() ({
      %run_scoped3A = tpu.sem_alloc : memref<!tpu.dma_semaphore, #tpu.memory_space<semaphore_mem>>
      %dma_start3A_337 = arith.constant 0 : i32
      %dma_start3A_338 = tpu.memref_slice %arg11[%arg1, %dma_start3A_337] : memref<16x128xf32, #tpu.memory_space<vmem_shared>> -> memref<1x128xf32, #tpu.memory_space<vmem_shared>>
      %dma_start3A_339 = tpu.memref_squeeze %dma_start3A_338 : memref<1x128xf32, #tpu.memory_space<vmem_shared>> -> memref<128xf32, #tpu.memory_space<vmem_shared>>
      %dma_start3A_340 = arith.constant 0 : i32
      %dma_start3A_341 = tpu.memref_slice %arg11[%arg1, %dma_start3A_340] : memref<16x128xf32, #tpu.memory_space<vmem_shared>> -> memref<1x128xf32, #tpu.memory_space<vmem_shared>>
      %dma_start3A_342 = tpu.memref_squeeze %dma_start3A_341 : memref<1x128xf32, #tpu.memory_space<vmem_shared>> -> memref<128xf32, #tpu.memory_space<vmem_shared>>
      tpu.enqueue_dma source(%arg7 : memref<128xf32, #tpu.memory_space<vmem>>) target(%dma_start3A_342 : memref<128xf32, #tpu.memory_space<vmem_shared>>) target_semaphore(%run_scoped3A : memref<!tpu.dma_semaphore, #tpu.memory_space<semaphore_mem>>)
      %dma_wait3A_343 = arith.constant 0 : i32
      %dma_wait3A_344 = tpu.memref_slice %arg11[%arg1, %dma_wait3A_343] : memref<16x128xf32, #tpu.memory_space<vmem_shared>> -> memref<1x128xf32, #tpu.memory_space<vmem_shared>>
      %dma_wait3A_345 = tpu.memref_squeeze %dma_wait3A_344 : memref<1x128xf32, #tpu.memory_space<vmem_shared>> -> memref<128xf32, #tpu.memory_space<vmem_shared>>
      %dma_wait3A_346 = arith.constant 0 : i32
      %dma_wait3A_347 = tpu.memref_slice %arg11[%arg1, %dma_wait3A_346] : memref<16x128xf32, #tpu.memory_space<vmem_shared>> -> memref<1x128xf32, #tpu.memory_space<vmem_shared>>
      %dma_wait3A_348 = tpu.memref_squeeze %dma_wait3A_347 : memref<1x128xf32, #tpu.memory_space<vmem_shared>> -> memref<128xf32, #tpu.memory_space<vmem_shared>>
      tpu.wait_dma2 semaphore(%run_scoped3A : memref<!tpu.dma_semaphore, #tpu.memory_space<semaphore_mem>>) src(%arg7 : memref<128xf32, #tpu.memory_space<vmem>>) dst(%dma_wait3A_348 : memref<128xf32, #tpu.memory_space<vmem_shared>>)
      tpu.yield
    }) : () -> ()
    "tpu.region"() ({
      %run_scoped3A = tpu.sem_alloc : memref<!tpu.dma_semaphore, #tpu.memory_space<semaphore_mem>>
      %dma_start3A_337 = arith.constant 0 : i32
      %dma_start3A_338 = tpu.memref_slice %arg12[%arg1, %dma_start3A_337] : memref<16x128xi32, #tpu.memory_space<vmem_shared>> -> memref<1x128xi32, #tpu.memory_space<vmem_shared>>
      %dma_start3A_339 = tpu.memref_squeeze %dma_start3A_338 : memref<1x128xi32, #tpu.memory_space<vmem_shared>> -> memref<128xi32, #tpu.memory_space<vmem_shared>>
      %dma_start3A_340 = arith.constant 0 : i32
      %dma_start3A_341 = tpu.memref_slice %arg12[%arg1, %dma_start3A_340] : memref<16x128xi32, #tpu.memory_space<vmem_shared>> -> memref<1x128xi32, #tpu.memory_space<vmem_shared>>
      %dma_start3A_342 = tpu.memref_squeeze %dma_start3A_341 : memref<1x128xi32, #tpu.memory_space<vmem_shared>> -> memref<128xi32, #tpu.memory_space<vmem_shared>>
      tpu.enqueue_dma source(%arg8 : memref<128xi32, #tpu.memory_space<vmem>>) target(%dma_start3A_342 : memref<128xi32, #tpu.memory_space<vmem_shared>>) target_semaphore(%run_scoped3A : memref<!tpu.dma_semaphore, #tpu.memory_space<semaphore_mem>>)
      %dma_wait3A_343 = arith.constant 0 : i32
      %dma_wait3A_344 = tpu.memref_slice %arg12[%arg1, %dma_wait3A_343] : memref<16x128xi32, #tpu.memory_space<vmem_shared>> -> memref<1x128xi32, #tpu.memory_space<vmem_shared>>
      %dma_wait3A_345 = tpu.memref_squeeze %dma_wait3A_344 : memref<1x128xi32, #tpu.memory_space<vmem_shared>> -> memref<128xi32, #tpu.memory_space<vmem_shared>>
      %dma_wait3A_346 = arith.constant 0 : i32
      %dma_wait3A_347 = tpu.memref_slice %arg12[%arg1, %dma_wait3A_346] : memref<16x128xi32, #tpu.memory_space<vmem_shared>> -> memref<1x128xi32, #tpu.memory_space<vmem_shared>>
      %dma_wait3A_348 = tpu.memref_squeeze %dma_wait3A_347 : memref<1x128xi32, #tpu.memory_space<vmem_shared>> -> memref<128xi32, #tpu.memory_space<vmem_shared>>
      tpu.wait_dma2 semaphore(%run_scoped3A : memref<!tpu.dma_semaphore, #tpu.memory_space<semaphore_mem>>) src(%arg8 : memref<128xi32, #tpu.memory_space<vmem>>) dst(%dma_wait3A_348 : memref<128xi32, #tpu.memory_space<vmem_shared>>)
      tpu.yield
    }) : () -> ()
    %barrier3A = arith.constant 0 : index
    tpu.barrier barrier_id(%barrier3A)
    %eq3A_334 = arith.constant 0 : i32
    %eq3A_335 = arith.cmpi eq, %select_n3A_30, %eq3A_334 : i32
    %convert_element_type3A = arith.extui %eq3A_335 : i1 to i32
    %cond3A = arith.constant 0 : i32
    %cond3A_336 = arith.cmpi ne, %convert_element_type3A, %cond3A : i32
    scf.if %cond3A_336 {
      %add3A_337 = arith.constant 1 : i32
      %add3A_338 = arith.addi %arg1, %add3A_337 : i32
      "tpu.region"() ({
        %run_scoped3A = tpu.sem_alloc : memref<!tpu.dma_semaphore, #tpu.memory_space<semaphore_mem>>
        %dma_start3A_791 = arith.constant 0 : i32
        %dma_start3A_792 = tpu.memref_slice %arg11[%add3A_338, %dma_start3A_791] : memref<16x128xf32, #tpu.memory_space<vmem_shared>> -> memref<1x128xf32, #tpu.memory_space<vmem_shared>>
        %dma_start3A_793 = tpu.memref_squeeze %dma_start3A_792 : memref<1x128xf32, #tpu.memory_space<vmem_shared>> -> memref<128xf32, #tpu.memory_space<vmem_shared>>
        %dma_start3A_794 = arith.constant 0 : i32
        %dma_start3A_795 = tpu.memref_slice %arg11[%add3A_338, %dma_start3A_794] : memref<16x128xf32, #tpu.memory_space<vmem_shared>> -> memref<1x128xf32, #tpu.memory_space<vmem_shared>>
        %dma_start3A_796 = tpu.memref_squeeze %dma_start3A_795 : memref<1x128xf32, #tpu.memory_space<vmem_shared>> -> memref<128xf32, #tpu.memory_space<vmem_shared>>
        tpu.enqueue_dma source(%dma_start3A_796 : memref<128xf32, #tpu.memory_space<vmem_shared>>) target(%arg9 : memref<128xf32, #tpu.memory_space<vmem>>) target_semaphore(%run_scoped3A : memref<!tpu.dma_semaphore, #tpu.memory_space<semaphore_mem>>)
        %dma_wait3A_797 = arith.constant 0 : i32
        %dma_wait3A_798 = tpu.memref_slice %arg11[%add3A_338, %dma_wait3A_797] : memref<16x128xf32, #tpu.memory_space<vmem_shared>> -> memref<1x128xf32, #tpu.memory_space<vmem_shared>>
        %dma_wait3A_799 = tpu.memref_squeeze %dma_wait3A_798 : memref<1x128xf32, #tpu.memory_space<vmem_shared>> -> memref<128xf32, #tpu.memory_space<vmem_shared>>
        %dma_wait3A_800 = arith.constant 0 : i32
        %dma_wait3A_801 = tpu.memref_slice %arg11[%add3A_338, %dma_wait3A_800] : memref<16x128xf32, #tpu.memory_space<vmem_shared>> -> memref<1x128xf32, #tpu.memory_space<vmem_shared>>
        %dma_wait3A_802 = tpu.memref_squeeze %dma_wait3A_801 : memref<1x128xf32, #tpu.memory_space<vmem_shared>> -> memref<128xf32, #tpu.memory_space<vmem_shared>>
        tpu.wait_dma2 semaphore(%run_scoped3A : memref<!tpu.dma_semaphore, #tpu.memory_space<semaphore_mem>>) src(%dma_wait3A_802 : memref<128xf32, #tpu.memory_space<vmem_shared>>) dst(%arg9 : memref<128xf32, #tpu.memory_space<vmem>>)
        tpu.yield
      }) : () -> ()
      %add3A_339 = arith.constant 1 : i32
      %add3A_340 = arith.addi %arg1, %add3A_339 : i32
      "tpu.region"() ({
        %run_scoped3A = tpu.sem_alloc : memref<!tpu.dma_semaphore, #tpu.memory_space<semaphore_mem>>
        %dma_start3A_791 = arith.constant 0 : i32
        %dma_start3A_792 = tpu.memref_slice %arg12[%add3A_340, %dma_start3A_791] : memref<16x128xi32, #tpu.memory_space<vmem_shared>> -> memref<1x128xi32, #tpu.memory_space<vmem_shared>>
        %dma_start3A_793 = tpu.memref_squeeze %dma_start3A_792 : memref<1x128xi32, #tpu.memory_space<vmem_shared>> -> memref<128xi32, #tpu.memory_space<vmem_shared>>
        %dma_start3A_794 = arith.constant 0 : i32
        %dma_start3A_795 = tpu.memref_slice %arg12[%add3A_340, %dma_start3A_794] : memref<16x128xi32, #tpu.memory_space<vmem_shared>> -> memref<1x128xi32, #tpu.memory_space<vmem_shared>>
        %dma_start3A_796 = tpu.memref_squeeze %dma_start3A_795 : memref<1x128xi32, #tpu.memory_space<vmem_shared>> -> memref<128xi32, #tpu.memory_space<vmem_shared>>
        tpu.enqueue_dma source(%dma_start3A_796 : memref<128xi32, #tpu.memory_space<vmem_shared>>) target(%arg10 : memref<128xi32, #tpu.memory_space<vmem>>) target_semaphore(%run_scoped3A : memref<!tpu.dma_semaphore, #tpu.memory_space<semaphore_mem>>)
        %dma_wait3A_797 = arith.constant 0 : i32
        %dma_wait3A_798 = tpu.memref_slice %arg12[%add3A_340, %dma_wait3A_797] : memref<16x128xi32, #tpu.memory_space<vmem_shared>> -> memref<1x128xi32, #tpu.memory_space<vmem_shared>>
        %dma_wait3A_799 = tpu.memref_squeeze %dma_wait3A_798 : memref<1x128xi32, #tpu.memory_space<vmem_shared>> -> memref<128xi32, #tpu.memory_space<vmem_shared>>
        %dma_wait3A_800 = arith.constant 0 : i32
        %dma_wait3A_801 = tpu.memref_slice %arg12[%add3A_340, %dma_wait3A_800] : memref<16x128xi32, #tpu.memory_space<vmem_shared>> -> memref<1x128xi32, #tpu.memory_space<vmem_shared>>
        %dma_wait3A_802 = tpu.memref_squeeze %dma_wait3A_801 : memref<1x128xi32, #tpu.memory_space<vmem_shared>> -> memref<128xi32, #tpu.memory_space<vmem_shared>>
        tpu.wait_dma2 semaphore(%run_scoped3A : memref<!tpu.dma_semaphore, #tpu.memory_space<semaphore_mem>>) src(%dma_wait3A_802 : memref<128xi32, #tpu.memory_space<vmem_shared>>) dst(%arg10 : memref<128xi32, #tpu.memory_space<vmem>>)
        tpu.yield
      }) : () -> ()
      %get3A = arith.constant 0 : index
      %get3A_341 = tpu.vector_load %arg9[%get3A] {strides = array<i32>} : memref<128xf32, #tpu.memory_space<vmem>>, vector<16xf32>,
      %get3A_342 = arith.constant 0 : index
      %get3A_343 = tpu.vector_load %arg10[%get3A_342] {strides = array<i32>} : memref<128xi32, #tpu.memory_space<vmem>>, vector<16xi32>,
      %gt3A = arith.cmpf ogt, %get3A_341, %while3A_302#0 : vector<16xf32>
      %select_n3A_344 = arith.select %gt3A, %get3A_341, %while3A_302#0 : vector<16xi1>, vector<16xf32>
      %select_n3A_345 = arith.select %gt3A, %get3A_343, %while3A_302#8 : vector<16xi1>, vector<16xi32>
      %get3A_346 = arith.constant 16 : index
      %get3A_347 = tpu.vector_load %arg9[%get3A_346] {strides = array<i32>} : memref<128xf32, #tpu.memory_space<vmem>>, vector<16xf32>,
      %get3A_348 = arith.constant 16 : index
      %get3A_349 = tpu.vector_load %arg10[%get3A_348] {strides = array<i32>} : memref<128xi32, #tpu.memory_space<vmem>>, vector<16xi32>,
      %gt3A_350 = arith.cmpf ogt, %get3A_347, %while3A_302#1 : vector<16xf32>
      %select_n3A_351 = arith.select %gt3A_350, %get3A_347, %while3A_302#1 : vector<16xi1>, vector<16xf32>
      %select_n3A_352 = arith.select %gt3A_350, %get3A_349, %while3A_302#9 : vector<16xi1>, vector<16xi32>
      %get3A_353 = arith.constant 32 : index
      %get3A_354 = tpu.vector_load %arg9[%get3A_353] {strides = array<i32>} : memref<128xf32, #tpu.memory_space<vmem>>, vector<16xf32>,
      %get3A_355 = arith.constant 32 : index
      %get3A_356 = tpu.vector_load %arg10[%get3A_355] {strides = array<i32>} : memref<128xi32, #tpu.memory_space<vmem>>, vector<16xi32>,
      %gt3A_357 = arith.cmpf ogt, %get3A_354, %while3A_302#2 : vector<16xf32>
      %select_n3A_358 = arith.select %gt3A_357, %get3A_354, %while3A_302#2 : vector<16xi1>, vector<16xf32>
      %select_n3A_359 = arith.select %gt3A_357, %get3A_356, %while3A_302#10 : vector<16xi1>, vector<16xi32>
      %get3A_360 = arith.constant 48 : index
      %get3A_361 = tpu.vector_load %arg9[%get3A_360] {strides = array<i32>} : memref<128xf32, #tpu.memory_space<vmem>>, vector<16xf32>,
      %get3A_362 = arith.constant 48 : index
      %get3A_363 = tpu.vector_load %arg10[%get3A_362] {strides = array<i32>} : memref<128xi32, #tpu.memory_space<vmem>>, vector<16xi32>,
      %gt3A_364 = arith.cmpf ogt, %get3A_361, %while3A_302#3 : vector<16xf32>
      %select_n3A_365 = arith.select %gt3A_364, %get3A_361, %while3A_302#3 : vector<16xi1>, vector<16xf32>
      %select_n3A_366 = arith.select %gt3A_364, %get3A_363, %while3A_302#11 : vector<16xi1>, vector<16xi32>
      %get3A_367 = arith.constant 64 : index
      %get3A_368 = tpu.vector_load %arg9[%get3A_367] {strides = array<i32>} : memref<128xf32, #tpu.memory_space<vmem>>, vector<16xf32>,
      %get3A_369 = arith.constant 64 : index
      %get3A_370 = tpu.vector_load %arg10[%get3A_369] {strides = array<i32>} : memref<128xi32, #tpu.memory_space<vmem>>, vector<16xi32>,
      %gt3A_371 = arith.cmpf ogt, %get3A_368, %while3A_302#4 : vector<16xf32>
      %select_n3A_372 = arith.select %gt3A_371, %get3A_368, %while3A_302#4 : vector<16xi1>, vector<16xf32>
      %select_n3A_373 = arith.select %gt3A_371, %get3A_370, %while3A_302#12 : vector<16xi1>, vector<16xi32>
      %get3A_374 = arith.constant 80 : index
      %get3A_375 = tpu.vector_load %arg9[%get3A_374] {strides = array<i32>} : memref<128xf32, #tpu.memory_space<vmem>>, vector<16xf32>,
      %get3A_376 = arith.constant 80 : index
      %get3A_377 = tpu.vector_load %arg10[%get3A_376] {strides = array<i32>} : memref<128xi32, #tpu.memory_space<vmem>>, vector<16xi32>,
      %gt3A_378 = arith.cmpf ogt, %get3A_375, %while3A_302#5 : vector<16xf32>
      %select_n3A_379 = arith.select %gt3A_378, %get3A_375, %while3A_302#5 : vector<16xi1>, vector<16xf32>
      %select_n3A_380 = arith.select %gt3A_378, %get3A_377, %while3A_302#13 : vector<16xi1>, vector<16xi32>
      %get3A_381 = arith.constant 96 : index
      %get3A_382 = tpu.vector_load %arg9[%get3A_381] {strides = array<i32>} : memref<128xf32, #tpu.memory_space<vmem>>, vector<16xf32>,
      %get3A_383 = arith.constant 96 : index
      %get3A_384 = tpu.vector_load %arg10[%get3A_383] {strides = array<i32>} : memref<128xi32, #tpu.memory_space<vmem>>, vector<16xi32>,
      %gt3A_385 = arith.cmpf ogt, %get3A_382, %while3A_302#6 : vector<16xf32>
      %select_n3A_386 = arith.select %gt3A_385, %get3A_382, %while3A_302#6 : vector<16xi1>, vector<16xf32>
      %select_n3A_387 = arith.select %gt3A_385, %get3A_384, %while3A_302#14 : vector<16xi1>, vector<16xi32>
      %get3A_388 = arith.constant 112 : index
      %get3A_389 = tpu.vector_load %arg9[%get3A_388] {strides = array<i32>} : memref<128xf32, #tpu.memory_space<vmem>>, vector<16xf32>,
      %get3A_390 = arith.constant 112 : index
      %get3A_391 = tpu.vector_load %arg10[%get3A_390] {strides = array<i32>} : memref<128xi32, #tpu.memory_space<vmem>>, vector<16xi32>,
      %gt3A_392 = arith.cmpf ogt, %get3A_389, %while3A_302#7 : vector<16xf32>
      %select_n3A_393 = arith.select %gt3A_392, %get3A_389, %while3A_302#7 : vector<16xi1>, vector<16xf32>
      %select_n3A_394 = arith.select %gt3A_392, %get3A_391, %while3A_302#15 : vector<16xi1>, vector<16xi32>
      %add3A_395 = arith.constant 2 : i32
      %add3A_396 = arith.addi %arg1, %add3A_395 : i32
      "tpu.region"() ({
        %run_scoped3A = tpu.sem_alloc : memref<!tpu.dma_semaphore, #tpu.memory_space<semaphore_mem>>
        %dma_start3A_791 = arith.constant 0 : i32
        %dma_start3A_792 = tpu.memref_slice %arg11[%add3A_396, %dma_start3A_791] : memref<16x128xf32, #tpu.memory_space<vmem_shared>> -> memref<1x128xf32, #tpu.memory_space<vmem_shared>>
        %dma_start3A_793 = tpu.memref_squeeze %dma_start3A_792 : memref<1x128xf32, #tpu.memory_space<vmem_shared>> -> memref<128xf32, #tpu.memory_space<vmem_shared>>
        %dma_start3A_794 = arith.constant 0 : i32
        %dma_start3A_795 = tpu.memref_slice %arg11[%add3A_396, %dma_start3A_794] : memref<16x128xf32, #tpu.memory_space<vmem_shared>> -> memref<1x128xf32, #tpu.memory_space<vmem_shared>>
        %dma_start3A_796 = tpu.memref_squeeze %dma_start3A_795 : memref<1x128xf32, #tpu.memory_space<vmem_shared>> -> memref<128xf32, #tpu.memory_space<vmem_shared>>
        tpu.enqueue_dma source(%dma_start3A_796 : memref<128xf32, #tpu.memory_space<vmem_shared>>) target(%arg9 : memref<128xf32, #tpu.memory_space<vmem>>) target_semaphore(%run_scoped3A : memref<!tpu.dma_semaphore, #tpu.memory_space<semaphore_mem>>)
        %dma_wait3A_797 = arith.constant 0 : i32
        %dma_wait3A_798 = tpu.memref_slice %arg11[%add3A_396, %dma_wait3A_797] : memref<16x128xf32, #tpu.memory_space<vmem_shared>> -> memref<1x128xf32, #tpu.memory_space<vmem_shared>>
        %dma_wait3A_799 = tpu.memref_squeeze %dma_wait3A_798 : memref<1x128xf32, #tpu.memory_space<vmem_shared>> -> memref<128xf32, #tpu.memory_space<vmem_shared>>
        %dma_wait3A_800 = arith.constant 0 : i32
        %dma_wait3A_801 = tpu.memref_slice %arg11[%add3A_396, %dma_wait3A_800] : memref<16x128xf32, #tpu.memory_space<vmem_shared>> -> memref<1x128xf32, #tpu.memory_space<vmem_shared>>
        %dma_wait3A_802 = tpu.memref_squeeze %dma_wait3A_801 : memref<1x128xf32, #tpu.memory_space<vmem_shared>> -> memref<128xf32, #tpu.memory_space<vmem_shared>>
        tpu.wait_dma2 semaphore(%run_scoped3A : memref<!tpu.dma_semaphore, #tpu.memory_space<semaphore_mem>>) src(%dma_wait3A_802 : memref<128xf32, #tpu.memory_space<vmem_shared>>) dst(%arg9 : memref<128xf32, #tpu.memory_space<vmem>>)
        tpu.yield
      }) : () -> ()
      %add3A_397 = arith.constant 2 : i32
      %add3A_398 = arith.addi %arg1, %add3A_397 : i32
      "tpu.region"() ({
        %run_scoped3A = tpu.sem_alloc : memref<!tpu.dma_semaphore, #tpu.memory_space<semaphore_mem>>
        %dma_start3A_791 = arith.constant 0 : i32
        %dma_start3A_792 = tpu.memref_slice %arg12[%add3A_398, %dma_start3A_791] : memref<16x128xi32, #tpu.memory_space<vmem_shared>> -> memref<1x128xi32, #tpu.memory_space<vmem_shared>>
        %dma_start3A_793 = tpu.memref_squeeze %dma_start3A_792 : memref<1x128xi32, #tpu.memory_space<vmem_shared>> -> memref<128xi32, #tpu.memory_space<vmem_shared>>
        %dma_start3A_794 = arith.constant 0 : i32
        %dma_start3A_795 = tpu.memref_slice %arg12[%add3A_398, %dma_start3A_794] : memref<16x128xi32, #tpu.memory_space<vmem_shared>> -> memref<1x128xi32, #tpu.memory_space<vmem_shared>>
        %dma_start3A_796 = tpu.memref_squeeze %dma_start3A_795 : memref<1x128xi32, #tpu.memory_space<vmem_shared>> -> memref<128xi32, #tpu.memory_space<vmem_shared>>
        tpu.enqueue_dma source(%dma_start3A_796 : memref<128xi32, #tpu.memory_space<vmem_shared>>) target(%arg10 : memref<128xi32, #tpu.memory_space<vmem>>) target_semaphore(%run_scoped3A : memref<!tpu.dma_semaphore, #tpu.memory_space<semaphore_mem>>)
        %dma_wait3A_797 = arith.constant 0 : i32
        %dma_wait3A_798 = tpu.memref_slice %arg12[%add3A_398, %dma_wait3A_797] : memref<16x128xi32, #tpu.memory_space<vmem_shared>> -> memref<1x128xi32, #tpu.memory_space<vmem_shared>>
        %dma_wait3A_799 = tpu.memref_squeeze %dma_wait3A_798 : memref<1x128xi32, #tpu.memory_space<vmem_shared>> -> memref<128xi32, #tpu.memory_space<vmem_shared>>
        %dma_wait3A_800 = arith.constant 0 : i32
        %dma_wait3A_801 = tpu.memref_slice %arg12[%add3A_398, %dma_wait3A_800] : memref<16x128xi32, #tpu.memory_space<vmem_shared>> -> memref<1x128xi32, #tpu.memory_space<vmem_shared>>
        %dma_wait3A_802 = tpu.memref_squeeze %dma_wait3A_801 : memref<1x128xi32, #tpu.memory_space<vmem_shared>> -> memref<128xi32, #tpu.memory_space<vmem_shared>>
        tpu.wait_dma2 semaphore(%run_scoped3A : memref<!tpu.dma_semaphore, #tpu.memory_space<semaphore_mem>>) src(%dma_wait3A_802 : memref<128xi32, #tpu.memory_space<vmem_shared>>) dst(%arg10 : memref<128xi32, #tpu.memory_space<vmem>>)
        tpu.yield
      }) : () -> ()
      %get3A_399 = arith.constant 0 : index
      %get3A_400 = tpu.vector_load %arg9[%get3A_399] {strides = array<i32>} : memref<128xf32, #tpu.memory_space<vmem>>, vector<16xf32>,
      %get3A_401 = arith.constant 0 : index
      %get3A_402 = tpu.vector_load %arg10[%get3A_401] {strides = array<i32>} : memref<128xi32, #tpu.memory_space<vmem>>, vector<16xi32>,
      %gt3A_403 = arith.cmpf ogt, %get3A_400, %select_n3A_344 : vector<16xf32>
      %select_n3A_404 = arith.select %gt3A_403, %get3A_400, %select_n3A_344 : vector<16xi1>, vector<16xf32>
      %select_n3A_405 = arith.select %gt3A_403, %get3A_402, %select_n3A_345 : vector<16xi1>, vector<16xi32>
      %get3A_406 = arith.constant 16 : index
      %get3A_407 = tpu.vector_load %arg9[%get3A_406] {strides = array<i32>} : memref<128xf32, #tpu.memory_space<vmem>>, vector<16xf32>,
      %get3A_408 = arith.constant 16 : index
      %get3A_409 = tpu.vector_load %arg10[%get3A_408] {strides = array<i32>} : memref<128xi32, #tpu.memory_space<vmem>>, vector<16xi32>,
      %gt3A_410 = arith.cmpf ogt, %get3A_407, %select_n3A_351 : vector<16xf32>
      %select_n3A_411 = arith.select %gt3A_410, %get3A_407, %select_n3A_351 : vector<16xi1>, vector<16xf32>
      %select_n3A_412 = arith.select %gt3A_410, %get3A_409, %select_n3A_352 : vector<16xi1>, vector<16xi32>
      %get3A_413 = arith.constant 32 : index
      %get3A_414 = tpu.vector_load %arg9[%get3A_413] {strides = array<i32>} : memref<128xf32, #tpu.memory_space<vmem>>, vector<16xf32>,
      %get3A_415 = arith.constant 32 : index
      %get3A_416 = tpu.vector_load %arg10[%get3A_415] {strides = array<i32>} : memref<128xi32, #tpu.memory_space<vmem>>, vector<16xi32>,
      %gt3A_417 = arith.cmpf ogt, %get3A_414, %select_n3A_358 : vector<16xf32>
      %select_n3A_418 = arith.select %gt3A_417, %get3A_414, %select_n3A_358 : vector<16xi1>, vector<16xf32>
      %select_n3A_419 = arith.select %gt3A_417, %get3A_416, %select_n3A_359 : vector<16xi1>, vector<16xi32>
      %get3A_420 = arith.constant 48 : index
      %get3A_421 = tpu.vector_load %arg9[%get3A_420] {strides = array<i32>} : memref<128xf32, #tpu.memory_space<vmem>>, vector<16xf32>,
      %get3A_422 = arith.constant 48 : index
      %get3A_423 = tpu.vector_load %arg10[%get3A_422] {strides = array<i32>} : memref<128xi32, #tpu.memory_space<vmem>>, vector<16xi32>,
      %gt3A_424 = arith.cmpf ogt, %get3A_421, %select_n3A_365 : vector<16xf32>
      %select_n3A_425 = arith.select %gt3A_424, %get3A_421, %select_n3A_365 : vector<16xi1>, vector<16xf32>
      %select_n3A_426 = arith.select %gt3A_424, %get3A_423, %select_n3A_366 : vector<16xi1>, vector<16xi32>
      %get3A_427 = arith.constant 64 : index
      %get3A_428 = tpu.vector_load %arg9[%get3A_427] {strides = array<i32>} : memref<128xf32, #tpu.memory_space<vmem>>, vector<16xf32>,
      %get3A_429 = arith.constant 64 : index
      %get3A_430 = tpu.vector_load %arg10[%get3A_429] {strides = array<i32>} : memref<128xi32, #tpu.memory_space<vmem>>, vector<16xi32>,
      %gt3A_431 = arith.cmpf ogt, %get3A_428, %select_n3A_372 : vector<16xf32>
      %select_n3A_432 = arith.select %gt3A_431, %get3A_428, %select_n3A_372 : vector<16xi1>, vector<16xf32>
      %select_n3A_433 = arith.select %gt3A_431, %get3A_430, %select_n3A_373 : vector<16xi1>, vector<16xi32>
      %get3A_434 = arith.constant 80 : index
      %get3A_435 = tpu.vector_load %arg9[%get3A_434] {strides = array<i32>} : memref<128xf32, #tpu.memory_space<vmem>>, vector<16xf32>,
      %get3A_436 = arith.constant 80 : index
      %get3A_437 = tpu.vector_load %arg10[%get3A_436] {strides = array<i32>} : memref<128xi32, #tpu.memory_space<vmem>>, vector<16xi32>,
      %gt3A_438 = arith.cmpf ogt, %get3A_435, %select_n3A_379 : vector<16xf32>
      %select_n3A_439 = arith.select %gt3A_438, %get3A_435, %select_n3A_379 : vector<16xi1>, vector<16xf32>
      %select_n3A_440 = arith.select %gt3A_438, %get3A_437, %select_n3A_380 : vector<16xi1>, vector<16xi32>
      %get3A_441 = arith.constant 96 : index
      %get3A_442 = tpu.vector_load %arg9[%get3A_441] {strides = array<i32>} : memref<128xf32, #tpu.memory_space<vmem>>, vector<16xf32>,
      %get3A_443 = arith.constant 96 : index
      %get3A_444 = tpu.vector_load %arg10[%get3A_443] {strides = array<i32>} : memref<128xi32, #tpu.memory_space<vmem>>, vector<16xi32>,
      %gt3A_445 = arith.cmpf ogt, %get3A_442, %select_n3A_386 : vector<16xf32>
      %select_n3A_446 = arith.select %gt3A_445, %get3A_442, %select_n3A_386 : vector<16xi1>, vector<16xf32>
      %select_n3A_447 = arith.select %gt3A_445, %get3A_444, %select_n3A_387 : vector<16xi1>, vector<16xi32>
      %get3A_448 = arith.constant 112 : index
      %get3A_449 = tpu.vector_load %arg9[%get3A_448] {strides = array<i32>} : memref<128xf32, #tpu.memory_space<vmem>>, vector<16xf32>,
      %get3A_450 = arith.constant 112 : index
      %get3A_451 = tpu.vector_load %arg10[%get3A_450] {strides = array<i32>} : memref<128xi32, #tpu.memory_space<vmem>>, vector<16xi32>,
      %gt3A_452 = arith.cmpf ogt, %get3A_449, %select_n3A_393 : vector<16xf32>
      %select_n3A_453 = arith.select %gt3A_452, %get3A_449, %select_n3A_393 : vector<16xi1>, vector<16xf32>
      %select_n3A_454 = arith.select %gt3A_452, %get3A_451, %select_n3A_394 : vector<16xi1>, vector<16xi32>
      %add3A_455 = arith.constant 3 : i32
      %add3A_456 = arith.addi %arg1, %add3A_455 : i32
      "tpu.region"() ({
        %run_scoped3A = tpu.sem_alloc : memref<!tpu.dma_semaphore, #tpu.memory_space<semaphore_mem>>
        %dma_start3A_791 = arith.constant 0 : i32
        %dma_start3A_792 = tpu.memref_slice %arg11[%add3A_456, %dma_start3A_791] : memref<16x128xf32, #tpu.memory_space<vmem_shared>> -> memref<1x128xf32, #tpu.memory_space<vmem_shared>>
        %dma_start3A_793 = tpu.memref_squeeze %dma_start3A_792 : memref<1x128xf32, #tpu.memory_space<vmem_shared>> -> memref<128xf32, #tpu.memory_space<vmem_shared>>
        %dma_start3A_794 = arith.constant 0 : i32
        %dma_start3A_795 = tpu.memref_slice %arg11[%add3A_456, %dma_start3A_794] : memref<16x128xf32, #tpu.memory_space<vmem_shared>> -> memref<1x128xf32, #tpu.memory_space<vmem_shared>>
        %dma_start3A_796 = tpu.memref_squeeze %dma_start3A_795 : memref<1x128xf32, #tpu.memory_space<vmem_shared>> -> memref<128xf32, #tpu.memory_space<vmem_shared>>
        tpu.enqueue_dma source(%dma_start3A_796 : memref<128xf32, #tpu.memory_space<vmem_shared>>) target(%arg9 : memref<128xf32, #tpu.memory_space<vmem>>) target_semaphore(%run_scoped3A : memref<!tpu.dma_semaphore, #tpu.memory_space<semaphore_mem>>)
        %dma_wait3A_797 = arith.constant 0 : i32
        %dma_wait3A_798 = tpu.memref_slice %arg11[%add3A_456, %dma_wait3A_797] : memref<16x128xf32, #tpu.memory_space<vmem_shared>> -> memref<1x128xf32, #tpu.memory_space<vmem_shared>>
        %dma_wait3A_799 = tpu.memref_squeeze %dma_wait3A_798 : memref<1x128xf32, #tpu.memory_space<vmem_shared>> -> memref<128xf32, #tpu.memory_space<vmem_shared>>
        %dma_wait3A_800 = arith.constant 0 : i32
        %dma_wait3A_801 = tpu.memref_slice %arg11[%add3A_456, %dma_wait3A_800] : memref<16x128xf32, #tpu.memory_space<vmem_shared>> -> memref<1x128xf32, #tpu.memory_space<vmem_shared>>
        %dma_wait3A_802 = tpu.memref_squeeze %dma_wait3A_801 : memref<1x128xf32, #tpu.memory_space<vmem_shared>> -> memref<128xf32, #tpu.memory_space<vmem_shared>>
        tpu.wait_dma2 semaphore(%run_scoped3A : memref<!tpu.dma_semaphore, #tpu.memory_space<semaphore_mem>>) src(%dma_wait3A_802 : memref<128xf32, #tpu.memory_space<vmem_shared>>) dst(%arg9 : memref<128xf32, #tpu.memory_space<vmem>>)
        tpu.yield
      }) : () -> ()
      %add3A_457 = arith.constant 3 : i32
      %add3A_458 = arith.addi %arg1, %add3A_457 : i32
      "tpu.region"() ({
        %run_scoped3A = tpu.sem_alloc : memref<!tpu.dma_semaphore, #tpu.memory_space<semaphore_mem>>
        %dma_start3A_791 = arith.constant 0 : i32
        %dma_start3A_792 = tpu.memref_slice %arg12[%add3A_458, %dma_start3A_791] : memref<16x128xi32, #tpu.memory_space<vmem_shared>> -> memref<1x128xi32, #tpu.memory_space<vmem_shared>>
        %dma_start3A_793 = tpu.memref_squeeze %dma_start3A_792 : memref<1x128xi32, #tpu.memory_space<vmem_shared>> -> memref<128xi32, #tpu.memory_space<vmem_shared>>
        %dma_start3A_794 = arith.constant 0 : i32
        %dma_start3A_795 = tpu.memref_slice %arg12[%add3A_458, %dma_start3A_794] : memref<16x128xi32, #tpu.memory_space<vmem_shared>> -> memref<1x128xi32, #tpu.memory_space<vmem_shared>>
        %dma_start3A_796 = tpu.memref_squeeze %dma_start3A_795 : memref<1x128xi32, #tpu.memory_space<vmem_shared>> -> memref<128xi32, #tpu.memory_space<vmem_shared>>
        tpu.enqueue_dma source(%dma_start3A_796 : memref<128xi32, #tpu.memory_space<vmem_shared>>) target(%arg10 : memref<128xi32, #tpu.memory_space<vmem>>) target_semaphore(%run_scoped3A : memref<!tpu.dma_semaphore, #tpu.memory_space<semaphore_mem>>)
        %dma_wait3A_797 = arith.constant 0 : i32
        %dma_wait3A_798 = tpu.memref_slice %arg12[%add3A_458, %dma_wait3A_797] : memref<16x128xi32, #tpu.memory_space<vmem_shared>> -> memref<1x128xi32, #tpu.memory_space<vmem_shared>>
        %dma_wait3A_799 = tpu.memref_squeeze %dma_wait3A_798 : memref<1x128xi32, #tpu.memory_space<vmem_shared>> -> memref<128xi32, #tpu.memory_space<vmem_shared>>
        %dma_wait3A_800 = arith.constant 0 : i32
        %dma_wait3A_801 = tpu.memref_slice %arg12[%add3A_458, %dma_wait3A_800] : memref<16x128xi32, #tpu.memory_space<vmem_shared>> -> memref<1x128xi32, #tpu.memory_space<vmem_shared>>
        %dma_wait3A_802 = tpu.memref_squeeze %dma_wait3A_801 : memref<1x128xi32, #tpu.memory_space<vmem_shared>> -> memref<128xi32, #tpu.memory_space<vmem_shared>>
        tpu.wait_dma2 semaphore(%run_scoped3A : memref<!tpu.dma_semaphore, #tpu.memory_space<semaphore_mem>>) src(%dma_wait3A_802 : memref<128xi32, #tpu.memory_space<vmem_shared>>) dst(%arg10 : memref<128xi32, #tpu.memory_space<vmem>>)
        tpu.yield
      }) : () -> ()
      %get3A_459 = arith.constant 0 : index
      %get3A_460 = tpu.vector_load %arg9[%get3A_459] {strides = array<i32>} : memref<128xf32, #tpu.memory_space<vmem>>, vector<16xf32>,
      %get3A_461 = arith.constant 0 : index
      %get3A_462 = tpu.vector_load %arg10[%get3A_461] {strides = array<i32>} : memref<128xi32, #tpu.memory_space<vmem>>, vector<16xi32>,
      %gt3A_463 = arith.cmpf ogt, %get3A_460, %select_n3A_404 : vector<16xf32>
      %select_n3A_464 = arith.select %gt3A_463, %get3A_460, %select_n3A_404 : vector<16xi1>, vector<16xf32>
      %select_n3A_465 = arith.select %gt3A_463, %get3A_462, %select_n3A_405 : vector<16xi1>, vector<16xi32>
      %get3A_466 = arith.constant 16 : index
      %get3A_467 = tpu.vector_load %arg9[%get3A_466] {strides = array<i32>} : memref<128xf32, #tpu.memory_space<vmem>>, vector<16xf32>,
      %get3A_468 = arith.constant 16 : index
      %get3A_469 = tpu.vector_load %arg10[%get3A_468] {strides = array<i32>} : memref<128xi32, #tpu.memory_space<vmem>>, vector<16xi32>,
      %gt3A_470 = arith.cmpf ogt, %get3A_467, %select_n3A_411 : vector<16xf32>
      %select_n3A_471 = arith.select %gt3A_470, %get3A_467, %select_n3A_411 : vector<16xi1>, vector<16xf32>
      %select_n3A_472 = arith.select %gt3A_470, %get3A_469, %select_n3A_412 : vector<16xi1>, vector<16xi32>
      %get3A_473 = arith.constant 32 : index
      %get3A_474 = tpu.vector_load %arg9[%get3A_473] {strides = array<i32>} : memref<128xf32, #tpu.memory_space<vmem>>, vector<16xf32>,
      %get3A_475 = arith.constant 32 : index
      %get3A_476 = tpu.vector_load %arg10[%get3A_475] {strides = array<i32>} : memref<128xi32, #tpu.memory_space<vmem>>, vector<16xi32>,
      %gt3A_477 = arith.cmpf ogt, %get3A_474, %select_n3A_418 : vector<16xf32>
      %select_n3A_478 = arith.select %gt3A_477, %get3A_474, %select_n3A_418 : vector<16xi1>, vector<16xf32>
      %select_n3A_479 = arith.select %gt3A_477, %get3A_476, %select_n3A_419 : vector<16xi1>, vector<16xi32>
      %get3A_480 = arith.constant 48 : index
      %get3A_481 = tpu.vector_load %arg9[%get3A_480] {strides = array<i32>} : memref<128xf32, #tpu.memory_space<vmem>>, vector<16xf32>,
      %get3A_482 = arith.constant 48 : index
      %get3A_483 = tpu.vector_load %arg10[%get3A_482] {strides = array<i32>} : memref<128xi32, #tpu.memory_space<vmem>>, vector<16xi32>,
      %gt3A_484 = arith.cmpf ogt, %get3A_481, %select_n3A_425 : vector<16xf32>
      %select_n3A_485 = arith.select %gt3A_484, %get3A_481, %select_n3A_425 : vector<16xi1>, vector<16xf32>
      %select_n3A_486 = arith.select %gt3A_484, %get3A_483, %select_n3A_426 : vector<16xi1>, vector<16xi32>
      %get3A_487 = arith.constant 64 : index
      %get3A_488 = tpu.vector_load %arg9[%get3A_487] {strides = array<i32>} : memref<128xf32, #tpu.memory_space<vmem>>, vector<16xf32>,
      %get3A_489 = arith.constant 64 : index
      %get3A_490 = tpu.vector_load %arg10[%get3A_489] {strides = array<i32>} : memref<128xi32, #tpu.memory_space<vmem>>, vector<16xi32>,
      %gt3A_491 = arith.cmpf ogt, %get3A_488, %select_n3A_432 : vector<16xf32>
      %select_n3A_492 = arith.select %gt3A_491, %get3A_488, %select_n3A_432 : vector<16xi1>, vector<16xf32>
      %select_n3A_493 = arith.select %gt3A_491, %get3A_490, %select_n3A_433 : vector<16xi1>, vector<16xi32>
      %get3A_494 = arith.constant 80 : index
      %get3A_495 = tpu.vector_load %arg9[%get3A_494] {strides = array<i32>} : memref<128xf32, #tpu.memory_space<vmem>>, vector<16xf32>,
      %get3A_496 = arith.constant 80 : index
      %get3A_497 = tpu.vector_load %arg10[%get3A_496] {strides = array<i32>} : memref<128xi32, #tpu.memory_space<vmem>>, vector<16xi32>,
      %gt3A_498 = arith.cmpf ogt, %get3A_495, %select_n3A_439 : vector<16xf32>
      %select_n3A_499 = arith.select %gt3A_498, %get3A_495, %select_n3A_439 : vector<16xi1>, vector<16xf32>
      %select_n3A_500 = arith.select %gt3A_498, %get3A_497, %select_n3A_440 : vector<16xi1>, vector<16xi32>
      %get3A_501 = arith.constant 96 : index
      %get3A_502 = tpu.vector_load %arg9[%get3A_501] {strides = array<i32>} : memref<128xf32, #tpu.memory_space<vmem>>, vector<16xf32>,
      %get3A_503 = arith.constant 96 : index
      %get3A_504 = tpu.vector_load %arg10[%get3A_503] {strides = array<i32>} : memref<128xi32, #tpu.memory_space<vmem>>, vector<16xi32>,
      %gt3A_505 = arith.cmpf ogt, %get3A_502, %select_n3A_446 : vector<16xf32>
      %select_n3A_506 = arith.select %gt3A_505, %get3A_502, %select_n3A_446 : vector<16xi1>, vector<16xf32>
      %select_n3A_507 = arith.select %gt3A_505, %get3A_504, %select_n3A_447 : vector<16xi1>, vector<16xi32>
      %get3A_508 = arith.constant 112 : index
      %get3A_509 = tpu.vector_load %arg9[%get3A_508] {strides = array<i32>} : memref<128xf32, #tpu.memory_space<vmem>>, vector<16xf32>,
      %get3A_510 = arith.constant 112 : index
      %get3A_511 = tpu.vector_load %arg10[%get3A_510] {strides = array<i32>} : memref<128xi32, #tpu.memory_space<vmem>>, vector<16xi32>,
      %gt3A_512 = arith.cmpf ogt, %get3A_509, %select_n3A_453 : vector<16xf32>
      %select_n3A_513 = arith.select %gt3A_512, %get3A_509, %select_n3A_453 : vector<16xi1>, vector<16xf32>
      %select_n3A_514 = arith.select %gt3A_512, %get3A_511, %select_n3A_454 : vector<16xi1>, vector<16xi32>
      %add3A_515 = arith.constant 4 : i32
      %add3A_516 = arith.addi %arg1, %add3A_515 : i32
      "tpu.region"() ({
        %run_scoped3A = tpu.sem_alloc : memref<!tpu.dma_semaphore, #tpu.memory_space<semaphore_mem>>
        %dma_start3A_791 = arith.constant 0 : i32
        %dma_start3A_792 = tpu.memref_slice %arg11[%add3A_516, %dma_start3A_791] : memref<16x128xf32, #tpu.memory_space<vmem_shared>> -> memref<1x128xf32, #tpu.memory_space<vmem_shared>>
        %dma_start3A_793 = tpu.memref_squeeze %dma_start3A_792 : memref<1x128xf32, #tpu.memory_space<vmem_shared>> -> memref<128xf32, #tpu.memory_space<vmem_shared>>
        %dma_start3A_794 = arith.constant 0 : i32
        %dma_start3A_795 = tpu.memref_slice %arg11[%add3A_516, %dma_start3A_794] : memref<16x128xf32, #tpu.memory_space<vmem_shared>> -> memref<1x128xf32, #tpu.memory_space<vmem_shared>>
        %dma_start3A_796 = tpu.memref_squeeze %dma_start3A_795 : memref<1x128xf32, #tpu.memory_space<vmem_shared>> -> memref<128xf32, #tpu.memory_space<vmem_shared>>
        tpu.enqueue_dma source(%dma_start3A_796 : memref<128xf32, #tpu.memory_space<vmem_shared>>) target(%arg9 : memref<128xf32, #tpu.memory_space<vmem>>) target_semaphore(%run_scoped3A : memref<!tpu.dma_semaphore, #tpu.memory_space<semaphore_mem>>)
        %dma_wait3A_797 = arith.constant 0 : i32
        %dma_wait3A_798 = tpu.memref_slice %arg11[%add3A_516, %dma_wait3A_797] : memref<16x128xf32, #tpu.memory_space<vmem_shared>> -> memref<1x128xf32, #tpu.memory_space<vmem_shared>>
        %dma_wait3A_799 = tpu.memref_squeeze %dma_wait3A_798 : memref<1x128xf32, #tpu.memory_space<vmem_shared>> -> memref<128xf32, #tpu.memory_space<vmem_shared>>
        %dma_wait3A_800 = arith.constant 0 : i32
        %dma_wait3A_801 = tpu.memref_slice %arg11[%add3A_516, %dma_wait3A_800] : memref<16x128xf32, #tpu.memory_space<vmem_shared>> -> memref<1x128xf32, #tpu.memory_space<vmem_shared>>
        %dma_wait3A_802 = tpu.memref_squeeze %dma_wait3A_801 : memref<1x128xf32, #tpu.memory_space<vmem_shared>> -> memref<128xf32, #tpu.memory_space<vmem_shared>>
        tpu.wait_dma2 semaphore(%run_scoped3A : memref<!tpu.dma_semaphore, #tpu.memory_space<semaphore_mem>>) src(%dma_wait3A_802 : memref<128xf32, #tpu.memory_space<vmem_shared>>) dst(%arg9 : memref<128xf32, #tpu.memory_space<vmem>>)
        tpu.yield
      }) : () -> ()
      %add3A_517 = arith.constant 4 : i32
      %add3A_518 = arith.addi %arg1, %add3A_517 : i32
      "tpu.region"() ({
        %run_scoped3A = tpu.sem_alloc : memref<!tpu.dma_semaphore, #tpu.memory_space<semaphore_mem>>
        %dma_start3A_791 = arith.constant 0 : i32
        %dma_start3A_792 = tpu.memref_slice %arg12[%add3A_518, %dma_start3A_791] : memref<16x128xi32, #tpu.memory_space<vmem_shared>> -> memref<1x128xi32, #tpu.memory_space<vmem_shared>>
        %dma_start3A_793 = tpu.memref_squeeze %dma_start3A_792 : memref<1x128xi32, #tpu.memory_space<vmem_shared>> -> memref<128xi32, #tpu.memory_space<vmem_shared>>
        %dma_start3A_794 = arith.constant 0 : i32
        %dma_start3A_795 = tpu.memref_slice %arg12[%add3A_518, %dma_start3A_794] : memref<16x128xi32, #tpu.memory_space<vmem_shared>> -> memref<1x128xi32, #tpu.memory_space<vmem_shared>>
        %dma_start3A_796 = tpu.memref_squeeze %dma_start3A_795 : memref<1x128xi32, #tpu.memory_space<vmem_shared>> -> memref<128xi32, #tpu.memory_space<vmem_shared>>
        tpu.enqueue_dma source(%dma_start3A_796 : memref<128xi32, #tpu.memory_space<vmem_shared>>) target(%arg10 : memref<128xi32, #tpu.memory_space<vmem>>) target_semaphore(%run_scoped3A : memref<!tpu.dma_semaphore, #tpu.memory_space<semaphore_mem>>)
        %dma_wait3A_797 = arith.constant 0 : i32
        %dma_wait3A_798 = tpu.memref_slice %arg12[%add3A_518, %dma_wait3A_797] : memref<16x128xi32, #tpu.memory_space<vmem_shared>> -> memref<1x128xi32, #tpu.memory_space<vmem_shared>>
        %dma_wait3A_799 = tpu.memref_squeeze %dma_wait3A_798 : memref<1x128xi32, #tpu.memory_space<vmem_shared>> -> memref<128xi32, #tpu.memory_space<vmem_shared>>
        %dma_wait3A_800 = arith.constant 0 : i32
        %dma_wait3A_801 = tpu.memref_slice %arg12[%add3A_518, %dma_wait3A_800] : memref<16x128xi32, #tpu.memory_space<vmem_shared>> -> memref<1x128xi32, #tpu.memory_space<vmem_shared>>
        %dma_wait3A_802 = tpu.memref_squeeze %dma_wait3A_801 : memref<1x128xi32, #tpu.memory_space<vmem_shared>> -> memref<128xi32, #tpu.memory_space<vmem_shared>>
        tpu.wait_dma2 semaphore(%run_scoped3A : memref<!tpu.dma_semaphore, #tpu.memory_space<semaphore_mem>>) src(%dma_wait3A_802 : memref<128xi32, #tpu.memory_space<vmem_shared>>) dst(%arg10 : memref<128xi32, #tpu.memory_space<vmem>>)
        tpu.yield
      }) : () -> ()
      %get3A_519 = arith.constant 0 : index
      %get3A_520 = tpu.vector_load %arg9[%get3A_519] {strides = array<i32>} : memref<128xf32, #tpu.memory_space<vmem>>, vector<16xf32>,
      %get3A_521 = arith.constant 0 : index
      %get3A_522 = tpu.vector_load %arg10[%get3A_521] {strides = array<i32>} : memref<128xi32, #tpu.memory_space<vmem>>, vector<16xi32>,
      %gt3A_523 = arith.cmpf ogt, %get3A_520, %select_n3A_464 : vector<16xf32>
      %select_n3A_524 = arith.select %gt3A_523, %get3A_520, %select_n3A_464 : vector<16xi1>, vector<16xf32>
      %select_n3A_525 = arith.select %gt3A_523, %get3A_522, %select_n3A_465 : vector<16xi1>, vector<16xi32>
      %get3A_526 = arith.constant 16 : index
      %get3A_527 = tpu.vector_load %arg9[%get3A_526] {strides = array<i32>} : memref<128xf32, #tpu.memory_space<vmem>>, vector<16xf32>,
      %get3A_528 = arith.constant 16 : index
      %get3A_529 = tpu.vector_load %arg10[%get3A_528] {strides = array<i32>} : memref<128xi32, #tpu.memory_space<vmem>>, vector<16xi32>,
      %gt3A_530 = arith.cmpf ogt, %get3A_527, %select_n3A_471 : vector<16xf32>
      %select_n3A_531 = arith.select %gt3A_530, %get3A_527, %select_n3A_471 : vector<16xi1>, vector<16xf32>
      %select_n3A_532 = arith.select %gt3A_530, %get3A_529, %select_n3A_472 : vector<16xi1>, vector<16xi32>
      %get3A_533 = arith.constant 32 : index
      %get3A_534 = tpu.vector_load %arg9[%get3A_533] {strides = array<i32>} : memref<128xf32, #tpu.memory_space<vmem>>, vector<16xf32>,
      %get3A_535 = arith.constant 32 : index
      %get3A_536 = tpu.vector_load %arg10[%get3A_535] {strides = array<i32>} : memref<128xi32, #tpu.memory_space<vmem>>, vector<16xi32>,
      %gt3A_537 = arith.cmpf ogt, %get3A_534, %select_n3A_478 : vector<16xf32>
      %select_n3A_538 = arith.select %gt3A_537, %get3A_534, %select_n3A_478 : vector<16xi1>, vector<16xf32>
      %select_n3A_539 = arith.select %gt3A_537, %get3A_536, %select_n3A_479 : vector<16xi1>, vector<16xi32>
      %get3A_540 = arith.constant 48 : index
      %get3A_541 = tpu.vector_load %arg9[%get3A_540] {strides = array<i32>} : memref<128xf32, #tpu.memory_space<vmem>>, vector<16xf32>,
      %get3A_542 = arith.constant 48 : index
      %get3A_543 = tpu.vector_load %arg10[%get3A_542] {strides = array<i32>} : memref<128xi32, #tpu.memory_space<vmem>>, vector<16xi32>,
      %gt3A_544 = arith.cmpf ogt, %get3A_541, %select_n3A_485 : vector<16xf32>
      %select_n3A_545 = arith.select %gt3A_544, %get3A_541, %select_n3A_485 : vector<16xi1>, vector<16xf32>
      %select_n3A_546 = arith.select %gt3A_544, %get3A_543, %select_n3A_486 : vector<16xi1>, vector<16xi32>
      %get3A_547 = arith.constant 64 : index
      %get3A_548 = tpu.vector_load %arg9[%get3A_547] {strides = array<i32>} : memref<128xf32, #tpu.memory_space<vmem>>, vector<16xf32>,
      %get3A_549 = arith.constant 64 : index
      %get3A_550 = tpu.vector_load %arg10[%get3A_549] {strides = array<i32>} : memref<128xi32, #tpu.memory_space<vmem>>, vector<16xi32>,
      %gt3A_551 = arith.cmpf ogt, %get3A_548, %select_n3A_492 : vector<16xf32>
      %select_n3A_552 = arith.select %gt3A_551, %get3A_548, %select_n3A_492 : vector<16xi1>, vector<16xf32>
      %select_n3A_553 = arith.select %gt3A_551, %get3A_550, %select_n3A_493 : vector<16xi1>, vector<16xi32>
      %get3A_554 = arith.constant 80 : index
      %get3A_555 = tpu.vector_load %arg9[%get3A_554] {strides = array<i32>} : memref<128xf32, #tpu.memory_space<vmem>>, vector<16xf32>,
      %get3A_556 = arith.constant 80 : index
      %get3A_557 = tpu.vector_load %arg10[%get3A_556] {strides = array<i32>} : memref<128xi32, #tpu.memory_space<vmem>>, vector<16xi32>,
      %gt3A_558 = arith.cmpf ogt, %get3A_555, %select_n3A_499 : vector<16xf32>
      %select_n3A_559 = arith.select %gt3A_558, %get3A_555, %select_n3A_499 : vector<16xi1>, vector<16xf32>
      %select_n3A_560 = arith.select %gt3A_558, %get3A_557, %select_n3A_500 : vector<16xi1>, vector<16xi32>
      %get3A_561 = arith.constant 96 : index
      %get3A_562 = tpu.vector_load %arg9[%get3A_561] {strides = array<i32>} : memref<128xf32, #tpu.memory_space<vmem>>, vector<16xf32>,
      %get3A_563 = arith.constant 96 : index
      %get3A_564 = tpu.vector_load %arg10[%get3A_563] {strides = array<i32>} : memref<128xi32, #tpu.memory_space<vmem>>, vector<16xi32>,
      %gt3A_565 = arith.cmpf ogt, %get3A_562, %select_n3A_506 : vector<16xf32>
      %select_n3A_566 = arith.select %gt3A_565, %get3A_562, %select_n3A_506 : vector<16xi1>, vector<16xf32>
      %select_n3A_567 = arith.select %gt3A_565, %get3A_564, %select_n3A_507 : vector<16xi1>, vector<16xi32>
      %get3A_568 = arith.constant 112 : index
      %get3A_569 = tpu.vector_load %arg9[%get3A_568] {strides = array<i32>} : memref<128xf32, #tpu.memory_space<vmem>>, vector<16xf32>,
      %get3A_570 = arith.constant 112 : index
      %get3A_571 = tpu.vector_load %arg10[%get3A_570] {strides = array<i32>} : memref<128xi32, #tpu.memory_space<vmem>>, vector<16xi32>,
      %gt3A_572 = arith.cmpf ogt, %get3A_569, %select_n3A_513 : vector<16xf32>
      %select_n3A_573 = arith.select %gt3A_572, %get3A_569, %select_n3A_513 : vector<16xi1>, vector<16xf32>
      %select_n3A_574 = arith.select %gt3A_572, %get3A_571, %select_n3A_514 : vector<16xi1>, vector<16xi32>
      %add3A_575 = arith.constant 5 : i32
      %add3A_576 = arith.addi %arg1, %add3A_575 : i32
      "tpu.region"() ({
        %run_scoped3A = tpu.sem_alloc : memref<!tpu.dma_semaphore, #tpu.memory_space<semaphore_mem>>
        %dma_start3A_791 = arith.constant 0 : i32
        %dma_start3A_792 = tpu.memref_slice %arg11[%add3A_576, %dma_start3A_791] : memref<16x128xf32, #tpu.memory_space<vmem_shared>> -> memref<1x128xf32, #tpu.memory_space<vmem_shared>>
        %dma_start3A_793 = tpu.memref_squeeze %dma_start3A_792 : memref<1x128xf32, #tpu.memory_space<vmem_shared>> -> memref<128xf32, #tpu.memory_space<vmem_shared>>
        %dma_start3A_794 = arith.constant 0 : i32
        %dma_start3A_795 = tpu.memref_slice %arg11[%add3A_576, %dma_start3A_794] : memref<16x128xf32, #tpu.memory_space<vmem_shared>> -> memref<1x128xf32, #tpu.memory_space<vmem_shared>>
        %dma_start3A_796 = tpu.memref_squeeze %dma_start3A_795 : memref<1x128xf32, #tpu.memory_space<vmem_shared>> -> memref<128xf32, #tpu.memory_space<vmem_shared>>
        tpu.enqueue_dma source(%dma_start3A_796 : memref<128xf32, #tpu.memory_space<vmem_shared>>) target(%arg9 : memref<128xf32, #tpu.memory_space<vmem>>) target_semaphore(%run_scoped3A : memref<!tpu.dma_semaphore, #tpu.memory_space<semaphore_mem>>)
        %dma_wait3A_797 = arith.constant 0 : i32
        %dma_wait3A_798 = tpu.memref_slice %arg11[%add3A_576, %dma_wait3A_797] : memref<16x128xf32, #tpu.memory_space<vmem_shared>> -> memref<1x128xf32, #tpu.memory_space<vmem_shared>>
        %dma_wait3A_799 = tpu.memref_squeeze %dma_wait3A_798 : memref<1x128xf32, #tpu.memory_space<vmem_shared>> -> memref<128xf32, #tpu.memory_space<vmem_shared>>
        %dma_wait3A_800 = arith.constant 0 : i32
        %dma_wait3A_801 = tpu.memref_slice %arg11[%add3A_576, %dma_wait3A_800] : memref<16x128xf32, #tpu.memory_space<vmem_shared>> -> memref<1x128xf32, #tpu.memory_space<vmem_shared>>
        %dma_wait3A_802 = tpu.memref_squeeze %dma_wait3A_801 : memref<1x128xf32, #tpu.memory_space<vmem_shared>> -> memref<128xf32, #tpu.memory_space<vmem_shared>>
        tpu.wait_dma2 semaphore(%run_scoped3A : memref<!tpu.dma_semaphore, #tpu.memory_space<semaphore_mem>>) src(%dma_wait3A_802 : memref<128xf32, #tpu.memory_space<vmem_shared>>) dst(%arg9 : memref<128xf32, #tpu.memory_space<vmem>>)
        tpu.yield
      }) : () -> ()
      %add3A_577 = arith.constant 5 : i32
      %add3A_578 = arith.addi %arg1, %add3A_577 : i32
      "tpu.region"() ({
        %run_scoped3A = tpu.sem_alloc : memref<!tpu.dma_semaphore, #tpu.memory_space<semaphore_mem>>
        %dma_start3A_791 = arith.constant 0 : i32
        %dma_start3A_792 = tpu.memref_slice %arg12[%add3A_578, %dma_start3A_791] : memref<16x128xi32, #tpu.memory_space<vmem_shared>> -> memref<1x128xi32, #tpu.memory_space<vmem_shared>>
        %dma_start3A_793 = tpu.memref_squeeze %dma_start3A_792 : memref<1x128xi32, #tpu.memory_space<vmem_shared>> -> memref<128xi32, #tpu.memory_space<vmem_shared>>
        %dma_start3A_794 = arith.constant 0 : i32
        %dma_start3A_795 = tpu.memref_slice %arg12[%add3A_578, %dma_start3A_794] : memref<16x128xi32, #tpu.memory_space<vmem_shared>> -> memref<1x128xi32, #tpu.memory_space<vmem_shared>>
        %dma_start3A_796 = tpu.memref_squeeze %dma_start3A_795 : memref<1x128xi32, #tpu.memory_space<vmem_shared>> -> memref<128xi32, #tpu.memory_space<vmem_shared>>
        tpu.enqueue_dma source(%dma_start3A_796 : memref<128xi32, #tpu.memory_space<vmem_shared>>) target(%arg10 : memref<128xi32, #tpu.memory_space<vmem>>) target_semaphore(%run_scoped3A : memref<!tpu.dma_semaphore, #tpu.memory_space<semaphore_mem>>)
        %dma_wait3A_797 = arith.constant 0 : i32
        %dma_wait3A_798 = tpu.memref_slice %arg12[%add3A_578, %dma_wait3A_797] : memref<16x128xi32, #tpu.memory_space<vmem_shared>> -> memref<1x128xi32, #tpu.memory_space<vmem_shared>>
        %dma_wait3A_799 = tpu.memref_squeeze %dma_wait3A_798 : memref<1x128xi32, #tpu.memory_space<vmem_shared>> -> memref<128xi32, #tpu.memory_space<vmem_shared>>
        %dma_wait3A_800 = arith.constant 0 : i32
        %dma_wait3A_801 = tpu.memref_slice %arg12[%add3A_578, %dma_wait3A_800] : memref<16x128xi32, #tpu.memory_space<vmem_shared>> -> memref<1x128xi32, #tpu.memory_space<vmem_shared>>
        %dma_wait3A_802 = tpu.memref_squeeze %dma_wait3A_801 : memref<1x128xi32, #tpu.memory_space<vmem_shared>> -> memref<128xi32, #tpu.memory_space<vmem_shared>>
        tpu.wait_dma2 semaphore(%run_scoped3A : memref<!tpu.dma_semaphore, #tpu.memory_space<semaphore_mem>>) src(%dma_wait3A_802 : memref<128xi32, #tpu.memory_space<vmem_shared>>) dst(%arg10 : memref<128xi32, #tpu.memory_space<vmem>>)
        tpu.yield
      }) : () -> ()
      %get3A_579 = arith.constant 0 : index
      %get3A_580 = tpu.vector_load %arg9[%get3A_579] {strides = array<i32>} : memref<128xf32, #tpu.memory_space<vmem>>, vector<16xf32>,
      %get3A_581 = arith.constant 0 : index
      %get3A_582 = tpu.vector_load %arg10[%get3A_581] {strides = array<i32>} : memref<128xi32, #tpu.memory_space<vmem>>, vector<16xi32>,
      %gt3A_583 = arith.cmpf ogt, %get3A_580, %select_n3A_524 : vector<16xf32>
      %select_n3A_584 = arith.select %gt3A_583, %get3A_580, %select_n3A_524 : vector<16xi1>, vector<16xf32>
      %select_n3A_585 = arith.select %gt3A_583, %get3A_582, %select_n3A_525 : vector<16xi1>, vector<16xi32>
      %get3A_586 = arith.constant 16 : index
      %get3A_587 = tpu.vector_load %arg9[%get3A_586] {strides = array<i32>} : memref<128xf32, #tpu.memory_space<vmem>>, vector<16xf32>,
      %get3A_588 = arith.constant 16 : index
      %get3A_589 = tpu.vector_load %arg10[%get3A_588] {strides = array<i32>} : memref<128xi32, #tpu.memory_space<vmem>>, vector<16xi32>,
      %gt3A_590 = arith.cmpf ogt, %get3A_587, %select_n3A_531 : vector<16xf32>
      %select_n3A_591 = arith.select %gt3A_590, %get3A_587, %select_n3A_531 : vector<16xi1>, vector<16xf32>
      %select_n3A_592 = arith.select %gt3A_590, %get3A_589, %select_n3A_532 : vector<16xi1>, vector<16xi32>
      %get3A_593 = arith.constant 32 : index
      %get3A_594 = tpu.vector_load %arg9[%get3A_593] {strides = array<i32>} : memref<128xf32, #tpu.memory_space<vmem>>, vector<16xf32>,
      %get3A_595 = arith.constant 32 : index
      %get3A_596 = tpu.vector_load %arg10[%get3A_595] {strides = array<i32>} : memref<128xi32, #tpu.memory_space<vmem>>, vector<16xi32>,
      %gt3A_597 = arith.cmpf ogt, %get3A_594, %select_n3A_538 : vector<16xf32>
      %select_n3A_598 = arith.select %gt3A_597, %get3A_594, %select_n3A_538 : vector<16xi1>, vector<16xf32>
      %select_n3A_599 = arith.select %gt3A_597, %get3A_596, %select_n3A_539 : vector<16xi1>, vector<16xi32>
      %get3A_600 = arith.constant 48 : index
      %get3A_601 = tpu.vector_load %arg9[%get3A_600] {strides = array<i32>} : memref<128xf32, #tpu.memory_space<vmem>>, vector<16xf32>,
      %get3A_602 = arith.constant 48 : index
      %get3A_603 = tpu.vector_load %arg10[%get3A_602] {strides = array<i32>} : memref<128xi32, #tpu.memory_space<vmem>>, vector<16xi32>,
      %gt3A_604 = arith.cmpf ogt, %get3A_601, %select_n3A_545 : vector<16xf32>
      %select_n3A_605 = arith.select %gt3A_604, %get3A_601, %select_n3A_545 : vector<16xi1>, vector<16xf32>
      %select_n3A_606 = arith.select %gt3A_604, %get3A_603, %select_n3A_546 : vector<16xi1>, vector<16xi32>
      %get3A_607 = arith.constant 64 : index
      %get3A_608 = tpu.vector_load %arg9[%get3A_607] {strides = array<i32>} : memref<128xf32, #tpu.memory_space<vmem>>, vector<16xf32>,
      %get3A_609 = arith.constant 64 : index
      %get3A_610 = tpu.vector_load %arg10[%get3A_609] {strides = array<i32>} : memref<128xi32, #tpu.memory_space<vmem>>, vector<16xi32>,
      %gt3A_611 = arith.cmpf ogt, %get3A_608, %select_n3A_552 : vector<16xf32>
      %select_n3A_612 = arith.select %gt3A_611, %get3A_608, %select_n3A_552 : vector<16xi1>, vector<16xf32>
      %select_n3A_613 = arith.select %gt3A_611, %get3A_610, %select_n3A_553 : vector<16xi1>, vector<16xi32>
      %get3A_614 = arith.constant 80 : index
      %get3A_615 = tpu.vector_load %arg9[%get3A_614] {strides = array<i32>} : memref<128xf32, #tpu.memory_space<vmem>>, vector<16xf32>,
      %get3A_616 = arith.constant 80 : index
      %get3A_617 = tpu.vector_load %arg10[%get3A_616] {strides = array<i32>} : memref<128xi32, #tpu.memory_space<vmem>>, vector<16xi32>,
      %gt3A_618 = arith.cmpf ogt, %get3A_615, %select_n3A_559 : vector<16xf32>
      %select_n3A_619 = arith.select %gt3A_618, %get3A_615, %select_n3A_559 : vector<16xi1>, vector<16xf32>
      %select_n3A_620 = arith.select %gt3A_618, %get3A_617, %select_n3A_560 : vector<16xi1>, vector<16xi32>
      %get3A_621 = arith.constant 96 : index
      %get3A_622 = tpu.vector_load %arg9[%get3A_621] {strides = array<i32>} : memref<128xf32, #tpu.memory_space<vmem>>, vector<16xf32>,
      %get3A_623 = arith.constant 96 : index
      %get3A_624 = tpu.vector_load %arg10[%get3A_623] {strides = array<i32>} : memref<128xi32, #tpu.memory_space<vmem>>, vector<16xi32>,
      %gt3A_625 = arith.cmpf ogt, %get3A_622, %select_n3A_566 : vector<16xf32>
      %select_n3A_626 = arith.select %gt3A_625, %get3A_622, %select_n3A_566 : vector<16xi1>, vector<16xf32>
      %select_n3A_627 = arith.select %gt3A_625, %get3A_624, %select_n3A_567 : vector<16xi1>, vector<16xi32>
      %get3A_628 = arith.constant 112 : index
      %get3A_629 = tpu.vector_load %arg9[%get3A_628] {strides = array<i32>} : memref<128xf32, #tpu.memory_space<vmem>>, vector<16xf32>,
      %get3A_630 = arith.constant 112 : index
      %get3A_631 = tpu.vector_load %arg10[%get3A_630] {strides = array<i32>} : memref<128xi32, #tpu.memory_space<vmem>>, vector<16xi32>,
      %gt3A_632 = arith.cmpf ogt, %get3A_629, %select_n3A_573 : vector<16xf32>
      %select_n3A_633 = arith.select %gt3A_632, %get3A_629, %select_n3A_573 : vector<16xi1>, vector<16xf32>
      %select_n3A_634 = arith.select %gt3A_632, %get3A_631, %select_n3A_574 : vector<16xi1>, vector<16xi32>
      %add3A_635 = arith.constant 6 : i32
      %add3A_636 = arith.addi %arg1, %add3A_635 : i32
      "tpu.region"() ({
        %run_scoped3A = tpu.sem_alloc : memref<!tpu.dma_semaphore, #tpu.memory_space<semaphore_mem>>
        %dma_start3A_791 = arith.constant 0 : i32
        %dma_start3A_792 = tpu.memref_slice %arg11[%add3A_636, %dma_start3A_791] : memref<16x128xf32, #tpu.memory_space<vmem_shared>> -> memref<1x128xf32, #tpu.memory_space<vmem_shared>>
        %dma_start3A_793 = tpu.memref_squeeze %dma_start3A_792 : memref<1x128xf32, #tpu.memory_space<vmem_shared>> -> memref<128xf32, #tpu.memory_space<vmem_shared>>
        %dma_start3A_794 = arith.constant 0 : i32
        %dma_start3A_795 = tpu.memref_slice %arg11[%add3A_636, %dma_start3A_794] : memref<16x128xf32, #tpu.memory_space<vmem_shared>> -> memref<1x128xf32, #tpu.memory_space<vmem_shared>>
        %dma_start3A_796 = tpu.memref_squeeze %dma_start3A_795 : memref<1x128xf32, #tpu.memory_space<vmem_shared>> -> memref<128xf32, #tpu.memory_space<vmem_shared>>
        tpu.enqueue_dma source(%dma_start3A_796 : memref<128xf32, #tpu.memory_space<vmem_shared>>) target(%arg9 : memref<128xf32, #tpu.memory_space<vmem>>) target_semaphore(%run_scoped3A : memref<!tpu.dma_semaphore, #tpu.memory_space<semaphore_mem>>)
        %dma_wait3A_797 = arith.constant 0 : i32
        %dma_wait3A_798 = tpu.memref_slice %arg11[%add3A_636, %dma_wait3A_797] : memref<16x128xf32, #tpu.memory_space<vmem_shared>> -> memref<1x128xf32, #tpu.memory_space<vmem_shared>>
        %dma_wait3A_799 = tpu.memref_squeeze %dma_wait3A_798 : memref<1x128xf32, #tpu.memory_space<vmem_shared>> -> memref<128xf32, #tpu.memory_space<vmem_shared>>
        %dma_wait3A_800 = arith.constant 0 : i32
        %dma_wait3A_801 = tpu.memref_slice %arg11[%add3A_636, %dma_wait3A_800] : memref<16x128xf32, #tpu.memory_space<vmem_shared>> -> memref<1x128xf32, #tpu.memory_space<vmem_shared>>
        %dma_wait3A_802 = tpu.memref_squeeze %dma_wait3A_801 : memref<1x128xf32, #tpu.memory_space<vmem_shared>> -> memref<128xf32, #tpu.memory_space<vmem_shared>>
        tpu.wait_dma2 semaphore(%run_scoped3A : memref<!tpu.dma_semaphore, #tpu.memory_space<semaphore_mem>>) src(%dma_wait3A_802 : memref<128xf32, #tpu.memory_space<vmem_shared>>) dst(%arg9 : memref<128xf32, #tpu.memory_space<vmem>>)
        tpu.yield
      }) : () -> ()
      %add3A_637 = arith.constant 6 : i32
      %add3A_638 = arith.addi %arg1, %add3A_637 : i32
      "tpu.region"() ({
        %run_scoped3A = tpu.sem_alloc : memref<!tpu.dma_semaphore, #tpu.memory_space<semaphore_mem>>
        %dma_start3A_791 = arith.constant 0 : i32
        %dma_start3A_792 = tpu.memref_slice %arg12[%add3A_638, %dma_start3A_791] : memref<16x128xi32, #tpu.memory_space<vmem_shared>> -> memref<1x128xi32, #tpu.memory_space<vmem_shared>>
        %dma_start3A_793 = tpu.memref_squeeze %dma_start3A_792 : memref<1x128xi32, #tpu.memory_space<vmem_shared>> -> memref<128xi32, #tpu.memory_space<vmem_shared>>
        %dma_start3A_794 = arith.constant 0 : i32
        %dma_start3A_795 = tpu.memref_slice %arg12[%add3A_638, %dma_start3A_794] : memref<16x128xi32, #tpu.memory_space<vmem_shared>> -> memref<1x128xi32, #tpu.memory_space<vmem_shared>>
        %dma_start3A_796 = tpu.memref_squeeze %dma_start3A_795 : memref<1x128xi32, #tpu.memory_space<vmem_shared>> -> memref<128xi32, #tpu.memory_space<vmem_shared>>
        tpu.enqueue_dma source(%dma_start3A_796 : memref<128xi32, #tpu.memory_space<vmem_shared>>) target(%arg10 : memref<128xi32, #tpu.memory_space<vmem>>) target_semaphore(%run_scoped3A : memref<!tpu.dma_semaphore, #tpu.memory_space<semaphore_mem>>)
        %dma_wait3A_797 = arith.constant 0 : i32
        %dma_wait3A_798 = tpu.memref_slice %arg12[%add3A_638, %dma_wait3A_797] : memref<16x128xi32, #tpu.memory_space<vmem_shared>> -> memref<1x128xi32, #tpu.memory_space<vmem_shared>>
        %dma_wait3A_799 = tpu.memref_squeeze %dma_wait3A_798 : memref<1x128xi32, #tpu.memory_space<vmem_shared>> -> memref<128xi32, #tpu.memory_space<vmem_shared>>
        %dma_wait3A_800 = arith.constant 0 : i32
        %dma_wait3A_801 = tpu.memref_slice %arg12[%add3A_638, %dma_wait3A_800] : memref<16x128xi32, #tpu.memory_space<vmem_shared>> -> memref<1x128xi32, #tpu.memory_space<vmem_shared>>
        %dma_wait3A_802 = tpu.memref_squeeze %dma_wait3A_801 : memref<1x128xi32, #tpu.memory_space<vmem_shared>> -> memref<128xi32, #tpu.memory_space<vmem_shared>>
        tpu.wait_dma2 semaphore(%run_scoped3A : memref<!tpu.dma_semaphore, #tpu.memory_space<semaphore_mem>>) src(%dma_wait3A_802 : memref<128xi32, #tpu.memory_space<vmem_shared>>) dst(%arg10 : memref<128xi32, #tpu.memory_space<vmem>>)
        tpu.yield
      }) : () -> ()
      %get3A_639 = arith.constant 0 : index
      %get3A_640 = tpu.vector_load %arg9[%get3A_639] {strides = array<i32>} : memref<128xf32, #tpu.memory_space<vmem>>, vector<16xf32>,
      %get3A_641 = arith.constant 0 : index
      %get3A_642 = tpu.vector_load %arg10[%get3A_641] {strides = array<i32>} : memref<128xi32, #tpu.memory_space<vmem>>, vector<16xi32>,
      %gt3A_643 = arith.cmpf ogt, %get3A_640, %select_n3A_584 : vector<16xf32>
      %select_n3A_644 = arith.select %gt3A_643, %get3A_640, %select_n3A_584 : vector<16xi1>, vector<16xf32>
      %select_n3A_645 = arith.select %gt3A_643, %get3A_642, %select_n3A_585 : vector<16xi1>, vector<16xi32>
      %get3A_646 = arith.constant 16 : index
      %get3A_647 = tpu.vector_load %arg9[%get3A_646] {strides = array<i32>} : memref<128xf32, #tpu.memory_space<vmem>>, vector<16xf32>,
      %get3A_648 = arith.constant 16 : index
      %get3A_649 = tpu.vector_load %arg10[%get3A_648] {strides = array<i32>} : memref<128xi32, #tpu.memory_space<vmem>>, vector<16xi32>,
      %gt3A_650 = arith.cmpf ogt, %get3A_647, %select_n3A_591 : vector<16xf32>
      %select_n3A_651 = arith.select %gt3A_650, %get3A_647, %select_n3A_591 : vector<16xi1>, vector<16xf32>
      %select_n3A_652 = arith.select %gt3A_650, %get3A_649, %select_n3A_592 : vector<16xi1>, vector<16xi32>
      %get3A_653 = arith.constant 32 : index
      %get3A_654 = tpu.vector_load %arg9[%get3A_653] {strides = array<i32>} : memref<128xf32, #tpu.memory_space<vmem>>, vector<16xf32>,
      %get3A_655 = arith.constant 32 : index
      %get3A_656 = tpu.vector_load %arg10[%get3A_655] {strides = array<i32>} : memref<128xi32, #tpu.memory_space<vmem>>, vector<16xi32>,
      %gt3A_657 = arith.cmpf ogt, %get3A_654, %select_n3A_598 : vector<16xf32>
      %select_n3A_658 = arith.select %gt3A_657, %get3A_654, %select_n3A_598 : vector<16xi1>, vector<16xf32>
      %select_n3A_659 = arith.select %gt3A_657, %get3A_656, %select_n3A_599 : vector<16xi1>, vector<16xi32>
      %get3A_660 = arith.constant 48 : index
      %get3A_661 = tpu.vector_load %arg9[%get3A_660] {strides = array<i32>} : memref<128xf32, #tpu.memory_space<vmem>>, vector<16xf32>,
      %get3A_662 = arith.constant 48 : index
      %get3A_663 = tpu.vector_load %arg10[%get3A_662] {strides = array<i32>} : memref<128xi32, #tpu.memory_space<vmem>>, vector<16xi32>,
      %gt3A_664 = arith.cmpf ogt, %get3A_661, %select_n3A_605 : vector<16xf32>
      %select_n3A_665 = arith.select %gt3A_664, %get3A_661, %select_n3A_605 : vector<16xi1>, vector<16xf32>
      %select_n3A_666 = arith.select %gt3A_664, %get3A_663, %select_n3A_606 : vector<16xi1>, vector<16xi32>
      %get3A_667 = arith.constant 64 : index
      %get3A_668 = tpu.vector_load %arg9[%get3A_667] {strides = array<i32>} : memref<128xf32, #tpu.memory_space<vmem>>, vector<16xf32>,
      %get3A_669 = arith.constant 64 : index
      %get3A_670 = tpu.vector_load %arg10[%get3A_669] {strides = array<i32>} : memref<128xi32, #tpu.memory_space<vmem>>, vector<16xi32>,
      %gt3A_671 = arith.cmpf ogt, %get3A_668, %select_n3A_612 : vector<16xf32>
      %select_n3A_672 = arith.select %gt3A_671, %get3A_668, %select_n3A_612 : vector<16xi1>, vector<16xf32>
      %select_n3A_673 = arith.select %gt3A_671, %get3A_670, %select_n3A_613 : vector<16xi1>, vector<16xi32>
      %get3A_674 = arith.constant 80 : index
      %get3A_675 = tpu.vector_load %arg9[%get3A_674] {strides = array<i32>} : memref<128xf32, #tpu.memory_space<vmem>>, vector<16xf32>,
      %get3A_676 = arith.constant 80 : index
      %get3A_677 = tpu.vector_load %arg10[%get3A_676] {strides = array<i32>} : memref<128xi32, #tpu.memory_space<vmem>>, vector<16xi32>,
      %gt3A_678 = arith.cmpf ogt, %get3A_675, %select_n3A_619 : vector<16xf32>
      %select_n3A_679 = arith.select %gt3A_678, %get3A_675, %select_n3A_619 : vector<16xi1>, vector<16xf32>
      %select_n3A_680 = arith.select %gt3A_678, %get3A_677, %select_n3A_620 : vector<16xi1>, vector<16xi32>
      %get3A_681 = arith.constant 96 : index
      %get3A_682 = tpu.vector_load %arg9[%get3A_681] {strides = array<i32>} : memref<128xf32, #tpu.memory_space<vmem>>, vector<16xf32>,
      %get3A_683 = arith.constant 96 : index
      %get3A_684 = tpu.vector_load %arg10[%get3A_683] {strides = array<i32>} : memref<128xi32, #tpu.memory_space<vmem>>, vector<16xi32>,
      %gt3A_685 = arith.cmpf ogt, %get3A_682, %select_n3A_626 : vector<16xf32>
      %select_n3A_686 = arith.select %gt3A_685, %get3A_682, %select_n3A_626 : vector<16xi1>, vector<16xf32>
      %select_n3A_687 = arith.select %gt3A_685, %get3A_684, %select_n3A_627 : vector<16xi1>, vector<16xi32>
      %get3A_688 = arith.constant 112 : index
      %get3A_689 = tpu.vector_load %arg9[%get3A_688] {strides = array<i32>} : memref<128xf32, #tpu.memory_space<vmem>>, vector<16xf32>,
      %get3A_690 = arith.constant 112 : index
      %get3A_691 = tpu.vector_load %arg10[%get3A_690] {strides = array<i32>} : memref<128xi32, #tpu.memory_space<vmem>>, vector<16xi32>,
      %gt3A_692 = arith.cmpf ogt, %get3A_689, %select_n3A_633 : vector<16xf32>
      %select_n3A_693 = arith.select %gt3A_692, %get3A_689, %select_n3A_633 : vector<16xi1>, vector<16xf32>
      %select_n3A_694 = arith.select %gt3A_692, %get3A_691, %select_n3A_634 : vector<16xi1>, vector<16xi32>
      %add3A_695 = arith.constant 7 : i32
      %add3A_696 = arith.addi %arg1, %add3A_695 : i32
      "tpu.region"() ({
        %run_scoped3A = tpu.sem_alloc : memref<!tpu.dma_semaphore, #tpu.memory_space<semaphore_mem>>
        %dma_start3A_791 = arith.constant 0 : i32
        %dma_start3A_792 = tpu.memref_slice %arg11[%add3A_696, %dma_start3A_791] : memref<16x128xf32, #tpu.memory_space<vmem_shared>> -> memref<1x128xf32, #tpu.memory_space<vmem_shared>>
        %dma_start3A_793 = tpu.memref_squeeze %dma_start3A_792 : memref<1x128xf32, #tpu.memory_space<vmem_shared>> -> memref<128xf32, #tpu.memory_space<vmem_shared>>
        %dma_start3A_794 = arith.constant 0 : i32
        %dma_start3A_795 = tpu.memref_slice %arg11[%add3A_696, %dma_start3A_794] : memref<16x128xf32, #tpu.memory_space<vmem_shared>> -> memref<1x128xf32, #tpu.memory_space<vmem_shared>>
        %dma_start3A_796 = tpu.memref_squeeze %dma_start3A_795 : memref<1x128xf32, #tpu.memory_space<vmem_shared>> -> memref<128xf32, #tpu.memory_space<vmem_shared>>
        tpu.enqueue_dma source(%dma_start3A_796 : memref<128xf32, #tpu.memory_space<vmem_shared>>) target(%arg9 : memref<128xf32, #tpu.memory_space<vmem>>) target_semaphore(%run_scoped3A : memref<!tpu.dma_semaphore, #tpu.memory_space<semaphore_mem>>)
        %dma_wait3A_797 = arith.constant 0 : i32
        %dma_wait3A_798 = tpu.memref_slice %arg11[%add3A_696, %dma_wait3A_797] : memref<16x128xf32, #tpu.memory_space<vmem_shared>> -> memref<1x128xf32, #tpu.memory_space<vmem_shared>>
        %dma_wait3A_799 = tpu.memref_squeeze %dma_wait3A_798 : memref<1x128xf32, #tpu.memory_space<vmem_shared>> -> memref<128xf32, #tpu.memory_space<vmem_shared>>
        %dma_wait3A_800 = arith.constant 0 : i32
        %dma_wait3A_801 = tpu.memref_slice %arg11[%add3A_696, %dma_wait3A_800] : memref<16x128xf32, #tpu.memory_space<vmem_shared>> -> memref<1x128xf32, #tpu.memory_space<vmem_shared>>
        %dma_wait3A_802 = tpu.memref_squeeze %dma_wait3A_801 : memref<1x128xf32, #tpu.memory_space<vmem_shared>> -> memref<128xf32, #tpu.memory_space<vmem_shared>>
        tpu.wait_dma2 semaphore(%run_scoped3A : memref<!tpu.dma_semaphore, #tpu.memory_space<semaphore_mem>>) src(%dma_wait3A_802 : memref<128xf32, #tpu.memory_space<vmem_shared>>) dst(%arg9 : memref<128xf32, #tpu.memory_space<vmem>>)
        tpu.yield
      }) : () -> ()
      %add3A_697 = arith.constant 7 : i32
      %add3A_698 = arith.addi %arg1, %add3A_697 : i32
      "tpu.region"() ({
        %run_scoped3A = tpu.sem_alloc : memref<!tpu.dma_semaphore, #tpu.memory_space<semaphore_mem>>
        %dma_start3A_791 = arith.constant 0 : i32
        %dma_start3A_792 = tpu.memref_slice %arg12[%add3A_698, %dma_start3A_791] : memref<16x128xi32, #tpu.memory_space<vmem_shared>> -> memref<1x128xi32, #tpu.memory_space<vmem_shared>>
        %dma_start3A_793 = tpu.memref_squeeze %dma_start3A_792 : memref<1x128xi32, #tpu.memory_space<vmem_shared>> -> memref<128xi32, #tpu.memory_space<vmem_shared>>
        %dma_start3A_794 = arith.constant 0 : i32
        %dma_start3A_795 = tpu.memref_slice %arg12[%add3A_698, %dma_start3A_794] : memref<16x128xi32, #tpu.memory_space<vmem_shared>> -> memref<1x128xi32, #tpu.memory_space<vmem_shared>>
        %dma_start3A_796 = tpu.memref_squeeze %dma_start3A_795 : memref<1x128xi32, #tpu.memory_space<vmem_shared>> -> memref<128xi32, #tpu.memory_space<vmem_shared>>
        tpu.enqueue_dma source(%dma_start3A_796 : memref<128xi32, #tpu.memory_space<vmem_shared>>) target(%arg10 : memref<128xi32, #tpu.memory_space<vmem>>) target_semaphore(%run_scoped3A : memref<!tpu.dma_semaphore, #tpu.memory_space<semaphore_mem>>)
        %dma_wait3A_797 = arith.constant 0 : i32
        %dma_wait3A_798 = tpu.memref_slice %arg12[%add3A_698, %dma_wait3A_797] : memref<16x128xi32, #tpu.memory_space<vmem_shared>> -> memref<1x128xi32, #tpu.memory_space<vmem_shared>>
        %dma_wait3A_799 = tpu.memref_squeeze %dma_wait3A_798 : memref<1x128xi32, #tpu.memory_space<vmem_shared>> -> memref<128xi32, #tpu.memory_space<vmem_shared>>
        %dma_wait3A_800 = arith.constant 0 : i32
        %dma_wait3A_801 = tpu.memref_slice %arg12[%add3A_698, %dma_wait3A_800] : memref<16x128xi32, #tpu.memory_space<vmem_shared>> -> memref<1x128xi32, #tpu.memory_space<vmem_shared>>
        %dma_wait3A_802 = tpu.memref_squeeze %dma_wait3A_801 : memref<1x128xi32, #tpu.memory_space<vmem_shared>> -> memref<128xi32, #tpu.memory_space<vmem_shared>>
        tpu.wait_dma2 semaphore(%run_scoped3A : memref<!tpu.dma_semaphore, #tpu.memory_space<semaphore_mem>>) src(%dma_wait3A_802 : memref<128xi32, #tpu.memory_space<vmem_shared>>) dst(%arg10 : memref<128xi32, #tpu.memory_space<vmem>>)
        tpu.yield
      }) : () -> ()
      %get3A_699 = arith.constant 0 : index
      %get3A_700 = tpu.vector_load %arg9[%get3A_699] {strides = array<i32>} : memref<128xf32, #tpu.memory_space<vmem>>, vector<16xf32>,
      %get3A_701 = arith.constant 0 : index
      %get3A_702 = tpu.vector_load %arg10[%get3A_701] {strides = array<i32>} : memref<128xi32, #tpu.memory_space<vmem>>, vector<16xi32>,
      %gt3A_703 = arith.cmpf ogt, %get3A_700, %select_n3A_644 : vector<16xf32>
      %select_n3A_704 = arith.select %gt3A_703, %get3A_700, %select_n3A_644 : vector<16xi1>, vector<16xf32>
      %select_n3A_705 = arith.select %gt3A_703, %get3A_702, %select_n3A_645 : vector<16xi1>, vector<16xi32>
      %get3A_706 = arith.constant 16 : index
      %get3A_707 = tpu.vector_load %arg9[%get3A_706] {strides = array<i32>} : memref<128xf32, #tpu.memory_space<vmem>>, vector<16xf32>,
      %get3A_708 = arith.constant 16 : index
      %get3A_709 = tpu.vector_load %arg10[%get3A_708] {strides = array<i32>} : memref<128xi32, #tpu.memory_space<vmem>>, vector<16xi32>,
      %gt3A_710 = arith.cmpf ogt, %get3A_707, %select_n3A_651 : vector<16xf32>
      %select_n3A_711 = arith.select %gt3A_710, %get3A_707, %select_n3A_651 : vector<16xi1>, vector<16xf32>
      %select_n3A_712 = arith.select %gt3A_710, %get3A_709, %select_n3A_652 : vector<16xi1>, vector<16xi32>
      %get3A_713 = arith.constant 32 : index
      %get3A_714 = tpu.vector_load %arg9[%get3A_713] {strides = array<i32>} : memref<128xf32, #tpu.memory_space<vmem>>, vector<16xf32>,
      %get3A_715 = arith.constant 32 : index
      %get3A_716 = tpu.vector_load %arg10[%get3A_715] {strides = array<i32>} : memref<128xi32, #tpu.memory_space<vmem>>, vector<16xi32>,
      %gt3A_717 = arith.cmpf ogt, %get3A_714, %select_n3A_658 : vector<16xf32>
      %select_n3A_718 = arith.select %gt3A_717, %get3A_714, %select_n3A_658 : vector<16xi1>, vector<16xf32>
      %select_n3A_719 = arith.select %gt3A_717, %get3A_716, %select_n3A_659 : vector<16xi1>, vector<16xi32>
      %get3A_720 = arith.constant 48 : index
      %get3A_721 = tpu.vector_load %arg9[%get3A_720] {strides = array<i32>} : memref<128xf32, #tpu.memory_space<vmem>>, vector<16xf32>,
      %get3A_722 = arith.constant 48 : index
      %get3A_723 = tpu.vector_load %arg10[%get3A_722] {strides = array<i32>} : memref<128xi32, #tpu.memory_space<vmem>>, vector<16xi32>,
      %gt3A_724 = arith.cmpf ogt, %get3A_721, %select_n3A_665 : vector<16xf32>
      %select_n3A_725 = arith.select %gt3A_724, %get3A_721, %select_n3A_665 : vector<16xi1>, vector<16xf32>
      %select_n3A_726 = arith.select %gt3A_724, %get3A_723, %select_n3A_666 : vector<16xi1>, vector<16xi32>
      %get3A_727 = arith.constant 64 : index
      %get3A_728 = tpu.vector_load %arg9[%get3A_727] {strides = array<i32>} : memref<128xf32, #tpu.memory_space<vmem>>, vector<16xf32>,
      %get3A_729 = arith.constant 64 : index
      %get3A_730 = tpu.vector_load %arg10[%get3A_729] {strides = array<i32>} : memref<128xi32, #tpu.memory_space<vmem>>, vector<16xi32>,
      %gt3A_731 = arith.cmpf ogt, %get3A_728, %select_n3A_672 : vector<16xf32>
      %select_n3A_732 = arith.select %gt3A_731, %get3A_728, %select_n3A_672 : vector<16xi1>, vector<16xf32>
      %select_n3A_733 = arith.select %gt3A_731, %get3A_730, %select_n3A_673 : vector<16xi1>, vector<16xi32>
      %get3A_734 = arith.constant 80 : index
      %get3A_735 = tpu.vector_load %arg9[%get3A_734] {strides = array<i32>} : memref<128xf32, #tpu.memory_space<vmem>>, vector<16xf32>,
      %get3A_736 = arith.constant 80 : index
      %get3A_737 = tpu.vector_load %arg10[%get3A_736] {strides = array<i32>} : memref<128xi32, #tpu.memory_space<vmem>>, vector<16xi32>,
      %gt3A_738 = arith.cmpf ogt, %get3A_735, %select_n3A_679 : vector<16xf32>
      %select_n3A_739 = arith.select %gt3A_738, %get3A_735, %select_n3A_679 : vector<16xi1>, vector<16xf32>
      %select_n3A_740 = arith.select %gt3A_738, %get3A_737, %select_n3A_680 : vector<16xi1>, vector<16xi32>
      %get3A_741 = arith.constant 96 : index
      %get3A_742 = tpu.vector_load %arg9[%get3A_741] {strides = array<i32>} : memref<128xf32, #tpu.memory_space<vmem>>, vector<16xf32>,
      %get3A_743 = arith.constant 96 : index
      %get3A_744 = tpu.vector_load %arg10[%get3A_743] {strides = array<i32>} : memref<128xi32, #tpu.memory_space<vmem>>, vector<16xi32>,
      %gt3A_745 = arith.cmpf ogt, %get3A_742, %select_n3A_686 : vector<16xf32>
      %select_n3A_746 = arith.select %gt3A_745, %get3A_742, %select_n3A_686 : vector<16xi1>, vector<16xf32>
      %select_n3A_747 = arith.select %gt3A_745, %get3A_744, %select_n3A_687 : vector<16xi1>, vector<16xi32>
      %get3A_748 = arith.constant 112 : index
      %get3A_749 = tpu.vector_load %arg9[%get3A_748] {strides = array<i32>} : memref<128xf32, #tpu.memory_space<vmem>>, vector<16xf32>,
      %get3A_750 = arith.constant 112 : index
      %get3A_751 = tpu.vector_load %arg10[%get3A_750] {strides = array<i32>} : memref<128xi32, #tpu.memory_space<vmem>>, vector<16xi32>,
      %gt3A_752 = arith.cmpf ogt, %get3A_749, %select_n3A_693 : vector<16xf32>
      %select_n3A_753 = arith.select %gt3A_752, %get3A_749, %select_n3A_693 : vector<16xi1>, vector<16xf32>
      %select_n3A_754 = arith.select %gt3A_752, %get3A_751, %select_n3A_694 : vector<16xi1>, vector<16xi32>
      %swap3A_755 = arith.constant 0 : index
      %swap3A_756 = tpu.vector_load %arg8[%swap3A_755] {strides = array<i32>} : memref<128xi32, #tpu.memory_space<vmem>>, vector<16xi32>,
      tpu.vector_store %arg8[%swap3A_755], %select_n3A_705 {strides = array<i32>} : memref<128xi32, #tpu.memory_space<vmem>>, vector<16xi32>,
      %swap3A_757 = arith.constant 0 : index
      %swap3A_758 = tpu.vector_load %arg7[%swap3A_757] {strides = array<i32>} : memref<128xf32, #tpu.memory_space<vmem>>, vector<16xf32>,
      tpu.vector_store %arg7[%swap3A_757], %select_n3A_704 {strides = array<i32>} : memref<128xf32, #tpu.memory_space<vmem>>, vector<16xf32>,
      %swap3A_759 = arith.constant 16 : index
      %swap3A_760 = tpu.vector_load %arg8[%swap3A_759] {strides = array<i32>} : memref<128xi32, #tpu.memory_space<vmem>>, vector<16xi32>,
      tpu.vector_store %arg8[%swap3A_759], %select_n3A_712 {strides = array<i32>} : memref<128xi32, #tpu.memory_space<vmem>>, vector<16xi32>,
      %swap3A_761 = arith.constant 16 : index
      %swap3A_762 = tpu.vector_load %arg7[%swap3A_761] {strides = array<i32>} : memref<128xf32, #tpu.memory_space<vmem>>, vector<16xf32>,
      tpu.vector_store %arg7[%swap3A_761], %select_n3A_711 {strides = array<i32>} : memref<128xf32, #tpu.memory_space<vmem>>, vector<16xf32>,
      %swap3A_763 = arith.constant 32 : index
      %swap3A_764 = tpu.vector_load %arg8[%swap3A_763] {strides = array<i32>} : memref<128xi32, #tpu.memory_space<vmem>>, vector<16xi32>,
      tpu.vector_store %arg8[%swap3A_763], %select_n3A_719 {strides = array<i32>} : memref<128xi32, #tpu.memory_space<vmem>>, vector<16xi32>,
      %swap3A_765 = arith.constant 32 : index
      %swap3A_766 = tpu.vector_load %arg7[%swap3A_765] {strides = array<i32>} : memref<128xf32, #tpu.memory_space<vmem>>, vector<16xf32>,
      tpu.vector_store %arg7[%swap3A_765], %select_n3A_718 {strides = array<i32>} : memref<128xf32, #tpu.memory_space<vmem>>, vector<16xf32>,
      %swap3A_767 = arith.constant 48 : index
      %swap3A_768 = tpu.vector_load %arg8[%swap3A_767] {strides = array<i32>} : memref<128xi32, #tpu.memory_space<vmem>>, vector<16xi32>,
      tpu.vector_store %arg8[%swap3A_767], %select_n3A_726 {strides = array<i32>} : memref<128xi32, #tpu.memory_space<vmem>>, vector<16xi32>,
      %swap3A_769 = arith.constant 48 : index
      %swap3A_770 = tpu.vector_load %arg7[%swap3A_769] {strides = array<i32>} : memref<128xf32, #tpu.memory_space<vmem>>, vector<16xf32>,
      tpu.vector_store %arg7[%swap3A_769], %select_n3A_725 {strides = array<i32>} : memref<128xf32, #tpu.memory_space<vmem>>, vector<16xf32>,
      %swap3A_771 = arith.constant 64 : index
      %swap3A_772 = tpu.vector_load %arg8[%swap3A_771] {strides = array<i32>} : memref<128xi32, #tpu.memory_space<vmem>>, vector<16xi32>,
      tpu.vector_store %arg8[%swap3A_771], %select_n3A_733 {strides = array<i32>} : memref<128xi32, #tpu.memory_space<vmem>>, vector<16xi32>,
      %swap3A_773 = arith.constant 64 : index
      %swap3A_774 = tpu.vector_load %arg7[%swap3A_773] {strides = array<i32>} : memref<128xf32, #tpu.memory_space<vmem>>, vector<16xf32>,
      tpu.vector_store %arg7[%swap3A_773], %select_n3A_732 {strides = array<i32>} : memref<128xf32, #tpu.memory_space<vmem>>, vector<16xf32>,
      %swap3A_775 = arith.constant 80 : index
      %swap3A_776 = tpu.vector_load %arg8[%swap3A_775] {strides = array<i32>} : memref<128xi32, #tpu.memory_space<vmem>>, vector<16xi32>,
      tpu.vector_store %arg8[%swap3A_775], %select_n3A_740 {strides = array<i32>} : memref<128xi32, #tpu.memory_space<vmem>>, vector<16xi32>,
      %swap3A_777 = arith.constant 80 : index
      %swap3A_778 = tpu.vector_load %arg7[%swap3A_777] {strides = array<i32>} : memref<128xf32, #tpu.memory_space<vmem>>, vector<16xf32>,
      tpu.vector_store %arg7[%swap3A_777], %select_n3A_739 {strides = array<i32>} : memref<128xf32, #tpu.memory_space<vmem>>, vector<16xf32>,
      %swap3A_779 = arith.constant 96 : index
      %swap3A_780 = tpu.vector_load %arg8[%swap3A_779] {strides = array<i32>} : memref<128xi32, #tpu.memory_space<vmem>>, vector<16xi32>,
      tpu.vector_store %arg8[%swap3A_779], %select_n3A_747 {strides = array<i32>} : memref<128xi32, #tpu.memory_space<vmem>>, vector<16xi32>,
      %swap3A_781 = arith.constant 96 : index
      %swap3A_782 = tpu.vector_load %arg7[%swap3A_781] {strides = array<i32>} : memref<128xf32, #tpu.memory_space<vmem>>, vector<16xf32>,
      tpu.vector_store %arg7[%swap3A_781], %select_n3A_746 {strides = array<i32>} : memref<128xf32, #tpu.memory_space<vmem>>, vector<16xf32>,
      %swap3A_783 = arith.constant 112 : index
      %swap3A_784 = tpu.vector_load %arg8[%swap3A_783] {strides = array<i32>} : memref<128xi32, #tpu.memory_space<vmem>>, vector<16xi32>,
      tpu.vector_store %arg8[%swap3A_783], %select_n3A_754 {strides = array<i32>} : memref<128xi32, #tpu.memory_space<vmem>>, vector<16xi32>,
      %swap3A_785 = arith.constant 112 : index
      %swap3A_786 = tpu.vector_load %arg7[%swap3A_785] {strides = array<i32>} : memref<128xf32, #tpu.memory_space<vmem>>, vector<16xf32>,
      tpu.vector_store %arg7[%swap3A_785], %select_n3A_753 {strides = array<i32>} : memref<128xf32, #tpu.memory_space<vmem>>, vector<16xf32>,
      %mul3A_787 = arith.constant 128 : i32
      %mul3A_788 = arith.muli %add3A, %mul3A_787 : i32
      "tpu.region"() ({
        %run_scoped3A = tpu.sem_alloc : memref<!tpu.dma_semaphore, #tpu.memory_space<semaphore_mem>>
        %dma_start3A_791 = tpu.memref_slice %arg3[%mul3A_788] : memref<512xi32, #tpu.memory_space<hbm>> -> memref<128xi32, #tpu.memory_space<hbm>>
        %dma_start3A_792 = tpu.memref_slice %arg3[%mul3A_788] : memref<512xi32, #tpu.memory_space<hbm>> -> memref<128xi32, #tpu.memory_space<hbm>>
        tpu.enqueue_dma source(%arg8 : memref<128xi32, #tpu.memory_space<vmem>>) target(%dma_start3A_792 : memref<128xi32, #tpu.memory_space<hbm>>) target_semaphore(%run_scoped3A : memref<!tpu.dma_semaphore, #tpu.memory_space<semaphore_mem>>)
        %dma_wait3A_793 = tpu.memref_slice %arg3[%mul3A_788] : memref<512xi32, #tpu.memory_space<hbm>> -> memref<128xi32, #tpu.memory_space<hbm>>
        %dma_wait3A_794 = tpu.memref_slice %arg3[%mul3A_788] : memref<512xi32, #tpu.memory_space<hbm>> -> memref<128xi32, #tpu.memory_space<hbm>>
        tpu.wait_dma2 semaphore(%run_scoped3A : memref<!tpu.dma_semaphore, #tpu.memory_space<semaphore_mem>>) src(%arg8 : memref<128xi32, #tpu.memory_space<vmem>>) dst(%dma_wait3A_794 : memref<128xi32, #tpu.memory_space<hbm>>)
        tpu.yield
      }) : () -> ()
      %mul3A_789 = arith.constant 128 : i32
      %mul3A_790 = arith.muli %add3A, %mul3A_789 : i32
      "tpu.region"() ({
        %run_scoped3A = tpu.sem_alloc : memref<!tpu.dma_semaphore, #tpu.memory_space<semaphore_mem>>
        %dma_start3A_791 = tpu.memref_slice %arg4[%mul3A_790] : memref<512xf32, #tpu.memory_space<hbm>> -> memref<128xf32, #tpu.memory_space<hbm>>
        %dma_start3A_792 = tpu.memref_slice %arg4[%mul3A_790] : memref<512xf32, #tpu.memory_space<hbm>> -> memref<128xf32, #tpu.memory_space<hbm>>
        tpu.enqueue_dma source(%arg7 : memref<128xf32, #tpu.memory_space<vmem>>) target(%dma_start3A_792 : memref<128xf32, #tpu.memory_space<hbm>>) target_semaphore(%run_scoped3A : memref<!tpu.dma_semaphore, #tpu.memory_space<semaphore_mem>>)
        %dma_wait3A_793 = tpu.memref_slice %arg4[%mul3A_790] : memref<512xf32, #tpu.memory_space<hbm>> -> memref<128xf32, #tpu.memory_space<hbm>>
        %dma_wait3A_794 = tpu.memref_slice %arg4[%mul3A_790] : memref<512xf32, #tpu.memory_space<hbm>> -> memref<128xf32, #tpu.memory_space<hbm>>
        tpu.wait_dma2 semaphore(%run_scoped3A : memref<!tpu.dma_semaphore, #tpu.memory_space<semaphore_mem>>) src(%arg7 : memref<128xf32, #tpu.memory_space<vmem>>) dst(%dma_wait3A_794 : memref<128xf32, #tpu.memory_space<hbm>>)
        tpu.yield
      }) : () -> ()
    } else {
    }
    return
  }
}

module attributes {stable_mosaic.version = 14 : i64} {
  func.func @_tc_body(%arg0: i32, %arg1: i32, %arg2: memref<1x4096x128xf32, #tpu.memory_space<vmem>>, %arg3: memref<1x1x128xf32, #tpu.memory_space<vmem>>, %arg4: memref<1x1x128xi32, #tpu.memory_space<vmem>>) attributes {dimension_semantics = [#tpu.dimension_semantics<parallel>, #tpu.dimension_semantics<arbitrary>], iteration_bounds = array<i64: 4, 6>, scalar_prefetch = 0 : i64, scratch_operands = 0 : i64, tpu.core_type = #tpu.core_type<tc>, window_params = [{transform_indices = @transform_0, window_bounds = array<i64: 1, 4096, 128>}, {transform_indices = @transform_1, window_bounds = array<i64: 1, 1, 128>}, {transform_indices = @transform_2, window_bounds = array<i64: 1, 1, 128>}]} {
    %get3A = arith.constant 0 : index
    %get3A_0 = arith.constant 0 : index
    %get3A_1 = arith.constant 0 : index
    %get3A_2 = vector.load %arg2[%get3A, %get3A_0, %get3A_1] : memref<1x4096x128xf32, #tpu.memory_space<vmem>>, vector<1x4096x128xf32>
    %get3A_3 = vector.shape_cast %get3A_2 : vector<1x4096x128xf32> to vector<4096x128xf32>
    %reduce_max3A = arith.constant dense<0xFF800000> : vector<128xf32>
    %reduce_max3A_4 = vector.multi_reduction <maximumf>, %get3A_3, %reduce_max3A [0] : vector<4096x128xf32> to vector<128xf32>
    %argmax3A = tpu.reduce_index %get3A_3 {axis = 0 : i32, kind = #tpu.reduction_kind<arg_max>} : vector<4096x128xf32> -> vector<128xi32>
    %mul3A = arith.constant 4096 : i32
    %mul3A_5 = arith.muli %arg1, %mul3A : i32
    %add3A = vector.broadcast %mul3A_5 : i32 to vector<128xi32>
    %add3A_6 = arith.addi %argmax3A, %add3A : vector<128xi32>
    %eq3A = arith.constant 0 : i32
    %eq3A_7 = arith.cmpi eq, %arg1, %eq3A : i32
    %convert_element_type3A = arith.extui %eq3A_7 : i1 to i32
    %cond3A = arith.constant 0 : i32
    %cond3A_8 = arith.cmpi ne, %convert_element_type3A, %cond3A : i32
    scf.if %cond3A_8 {
      %swap3A = arith.constant 0 : index
      %swap3A_13 = arith.constant 0 : index
      %swap3A_14 = arith.constant 0 : index
      %swap3A_15 = vector.load %arg3[%swap3A, %swap3A_13, %swap3A_14] : memref<1x1x128xf32, #tpu.memory_space<vmem>>, vector<1x1x128xf32>
      %swap3A_16 = vector.shape_cast %swap3A_15 : vector<1x1x128xf32> to vector<128xf32>
      %swap3A_17 = vector.shape_cast %reduce_max3A_4 : vector<128xf32> to vector<1x1x128xf32>
      tpu.vector_store %arg3[%swap3A, %swap3A_13, %swap3A_14], %swap3A_17 {strides = array<i32>} : memref<1x1x128xf32, #tpu.memory_space<vmem>>, vector<1x1x128xf32>,
      %swap3A_18 = arith.constant 0 : index
      %swap3A_19 = arith.constant 0 : index
      %swap3A_20 = arith.constant 0 : index
      %swap3A_21 = vector.load %arg4[%swap3A_18, %swap3A_19, %swap3A_20] : memref<1x1x128xi32, #tpu.memory_space<vmem>>, vector<1x1x128xi32>
      %swap3A_22 = vector.shape_cast %swap3A_21 : vector<1x1x128xi32> to vector<128xi32>
      %swap3A_23 = vector.shape_cast %add3A_6 : vector<128xi32> to vector<1x1x128xi32>
      tpu.vector_store %arg4[%swap3A_18, %swap3A_19, %swap3A_20], %swap3A_23 {strides = array<i32>} : memref<1x1x128xi32, #tpu.memory_space<vmem>>, vector<1x1x128xi32>,
    } else {
    }
    %gt3A = arith.constant 0 : i32
    %gt3A_9 = arith.cmpi sgt, %arg1, %gt3A : i32
    %convert_element_type3A_10 = arith.extui %gt3A_9 : i1 to i32
    %cond3A_11 = arith.constant 0 : i32
    %cond3A_12 = arith.cmpi ne, %convert_element_type3A_10, %cond3A_11 : i32
    scf.if %cond3A_12 {
      %get3A_13 = arith.constant 0 : index
      %get3A_14 = arith.constant 0 : index
      %get3A_15 = arith.constant 0 : index
      %get3A_16 = vector.load %arg3[%get3A_13, %get3A_14, %get3A_15] : memref<1x1x128xf32, #tpu.memory_space<vmem>>, vector<1x1x128xf32>
      %get3A_17 = vector.shape_cast %get3A_16 : vector<1x1x128xf32> to vector<128xf32>
      %gt3A_18 = arith.cmpf ogt, %reduce_max3A_4, %get3A_17 : vector<128xf32>
      %select_n3A = arith.select %gt3A_18, %reduce_max3A_4, %get3A_17 : vector<128xi1>, vector<128xf32>
      %swap3A = arith.constant 0 : index
      %swap3A_19 = arith.constant 0 : index
      %swap3A_20 = arith.constant 0 : index
      %swap3A_21 = vector.load %arg3[%swap3A, %swap3A_19, %swap3A_20] : memref<1x1x128xf32, #tpu.memory_space<vmem>>, vector<1x1x128xf32>
      %swap3A_22 = vector.shape_cast %swap3A_21 : vector<1x1x128xf32> to vector<128xf32>
      %swap3A_23 = vector.shape_cast %select_n3A : vector<128xf32> to vector<1x1x128xf32>
      tpu.vector_store %arg3[%swap3A, %swap3A_19, %swap3A_20], %swap3A_23 {strides = array<i32>} : memref<1x1x128xf32, #tpu.memory_space<vmem>>, vector<1x1x128xf32>,
      %get3A_24 = arith.constant 0 : index
      %get3A_25 = arith.constant 0 : index
      %get3A_26 = arith.constant 0 : index
      %get3A_27 = vector.load %arg4[%get3A_24, %get3A_25, %get3A_26] : memref<1x1x128xi32, #tpu.memory_space<vmem>>, vector<1x1x128xi32>
      %get3A_28 = vector.shape_cast %get3A_27 : vector<1x1x128xi32> to vector<128xi32>
      %select_n3A_29 = arith.select %gt3A_18, %add3A_6, %get3A_28 : vector<128xi1>, vector<128xi32>
      %swap3A_30 = arith.constant 0 : index
      %swap3A_31 = arith.constant 0 : index
      %swap3A_32 = arith.constant 0 : index
      %swap3A_33 = vector.load %arg4[%swap3A_30, %swap3A_31, %swap3A_32] : memref<1x1x128xi32, #tpu.memory_space<vmem>>, vector<1x1x128xi32>
      %swap3A_34 = vector.shape_cast %swap3A_33 : vector<1x1x128xi32> to vector<128xi32>
      %swap3A_35 = vector.shape_cast %select_n3A_29 : vector<128xi32> to vector<1x1x128xi32>
      tpu.vector_store %arg4[%swap3A_30, %swap3A_31, %swap3A_32], %swap3A_35 {strides = array<i32>} : memref<1x1x128xi32, #tpu.memory_space<vmem>>, vector<1x1x128xi32>,
    } else {
    }
    return
  }
  func.func @transform_0(%arg0: i32, %arg1: i32) -> (i32, i32, i32) {
    %c0_i32 = arith.constant 0 : i32
    %c0_i32_0 = arith.constant 0 : i32
    return %arg0, %arg1, %c0_i32 : i32, i32, i32
  }
  func.func @transform_1(%arg0: i32, %arg1: i32) -> (i32, i32, i32) {
    %c0_i32 = arith.constant 0 : i32
    %c0_i32_0 = arith.constant 0 : i32
    %c0_i32_1 = arith.constant 0 : i32
    return %arg0, %c0_i32, %c0_i32_0 : i32, i32, i32
  }
  func.func @transform_2(%arg0: i32, %arg1: i32) -> (i32, i32, i32) {
    %c0_i32 = arith.constant 0 : i32
    %c0_i32_0 = arith.constant 0 : i32
    %c0_i32_1 = arith.constant 0 : i32
    return %arg0, %c0_i32, %c0_i32_0 : i32, i32, i32
  }
}

</mosaic_0001>

<sc_bundles>
// kernel: kernel.4.cloned.1.call-start
scs
__scs_entry_jumppad:
0x0: {  	(pc) =	sbr.rel $0x88, $3  }
0x1: {  	(tag) =	ssettag $0x0;
	lr =	simm.s32 $0x1  }
0x2: {  	[smem:$0x3FA0] =	sst lr;
	_ =	strace $0xD0000000  }
0x3: {  	_ = 	snop  }
0x4: {  	_ = 	snop  }
0x5: {  	_ = 	snop  }
0x6: {  	_ = 	snop  }
0x7: {  	_ = 	snop  }
__scs_overlays_trampoline_lowered:
0x8: {  	[smem:$0x3FAF] =	sst s0  }
0x9: {  	[smem:$0x3FB0] =	sst s1  }
0xa: {  	[smem:$0x3FB1] =	sst s2  }
0xb: {  	[smem:$0x3FB2] =	sst s3  }
0xc: {  	[smem:$0x3FB3] =	sst s4  }
0xd: {  	[smem:$0x3FB4] =	sst s5  }
0xe: {  	[smem:$0x3FB5] =	sst s6  }
0xf: {  	[smem:$0x3FB6] =	sst s7  }
0x10: {  	[smem:$0x3FB7] =	sst s8  }
0x11: {  	[smem:$0x3FB8] =	sst s9;
	s0 =	simm.s32 @!p0 $0x0  }
0x12: {  	s1 =	sld [smem:$0x3F9E];
	s0 =	simm.s32 @p0 $0x1  }
0x13: {  	[smem:$0x3FB9] =	sst s0;
	s0 =	simm.s32 @!p1 $0x0  }
0x14: {  	s2 =	sld [smem:$0x3F9D];
	s0 =	simm.s32 @p1 $0x1  }
0x15: {  	[smem:$0x3FBA] =	sst s0;
	s0 =	simm.s32 @!p2 $0x0  }
0x16: {  	s3 =	sld [smem:$0x3FDB];
	s0 =	simm.s32 @p2 $0x1  }
0x17: {  	s4 =	simm.s32 $0x1BF5;
	[smem:$0x3FBC] =	sst s0  }
0x18: {  	s0 =	sld [smem:$0x3F9F];
	_ =	swait.ge [sflag:s4], $0x0  }
0x19: {  	s7 =	sld [smem:$0x3FA0]  }
0x1a: {  	s8 =	sadd.s32 $0xFFFFE003, lr  }
0x1b: {  	s9 =	sadd.s32 $0xFFFFFEF7, lr;
	s5 =	simm.s32 $0xFFFFFFFF;
	p2 =	slt.u32 s8, $0xFFFFF086  }
0x1c: {  	p1 =	slt.u32 s9, $0xF7A;
	s5 =	simm.s32 @!p2 $0x0  }
0x1d: {  	s5 =	simm.s32 @p1 $0x1;
	p0 =	seq.s32 s7, s2  }
0x1e: {  	s7 =	smul.u32 @!p0 $0xF7A, s2;
	p2 =	seq.s32 @!p0 s5, $0x0  }
0x1f: {  	s9 =	smul.u32 $0xF7A, s1;
	s8 =	simm.s32 @!p0 $0x1BF5;
	p2 =	por !p2, p0  }
0x20: {  	[sflag:s8] =	ssyncset.s32 @!p0 $0xFFFFF086;
	s6 =	sadd.s32 @!p0 s3, s7;
	s7 =	simm.s32 @!p0 $0x108  }
0x21: {  	s3 =	sadd.s32 s3, s9;
	s6 =	sadd.s32 @!p0 $0x88, s6;
	s7 =	simm.s32 @p2 $0x1082  }
0x22: {  	[simem:s7], [sflag:s8] =	dma.local @!p0 [hbm:s6], $0xF7A  }
0x23: {  	s9 =	sor.u32 $0xD0000000, s2;
	s6 =	simm.s32 $0x108;
	_ =	swait.ge @!p0 [sflag:s8], $0x0  }
0x24: {  	s3 =	sadd.s32 $0x88, s3;
	s6 =	simm.s32 @!p1 $0x1082;
	[sflag:s4] =	ssyncset.s32 $0xFFFFF086  }
0x25: {  	[simem:s6], [sflag:s4] =	dma.local [hbm:s3], $0xF7A  }
0x26: {  	[smem:$0x3FA0] =	sst s1;
	(tag) =	ssettag s2;
	_ =	strace s9  }
0x27: {  	s1 =	sld [smem:$0x3FB0]  }
0x28: {  	s2 =	sld [smem:$0x3FB1]  }
0x29: {  	s4 =	sld [smem:$0x3FB3]  }
0x2a: {  	p0 =	seq.s32 s5, $0x0;
	s5 =	sld [smem:$0x3FB4]  }
0x2b: {  	s6 =	sld [smem:$0x3FB5]  }
0x2c: {  	s7 =	sld [smem:$0x3FB6]  }
0x2d: {  	s3 =	simm.s32 $0x108;
	s8 =	sld [smem:$0x3FB7]  }
0x2e: {  	s3 =	simm.s32 @!p0 $0x1082;
	s9 =	sld [smem:$0x3FB8]  }
0x2f: {  	lr =	sadd.s32 s0, s3;
	s0 =	sld [smem:$0x3FAF]  }
0x30: {  	s3 =	sld [smem:$0x3FB2]  }
0x31: {  	[smem:$0x3FBB] =	sst s10  }
0x32: {  	s10 =	sld [smem:$0x3FB9];
	_ =	sdelay $0x3  }
0x33: {  	p0 =	seq.s32 s10, $0x1;
	s10 =	sld [smem:$0x3FBB];
	_ =	sdelay $0x3  }
0x34: {  	[smem:$0x3FBB] =	sst s10  }
0x35: {  	s10 =	sld [smem:$0x3FBA];
	_ =	sdelay $0x3  }
0x36: {  	p1 =	seq.s32 s10, $0x1;
	s10 =	sld [smem:$0x3FBB];
	_ =	sdelay $0x3  }
0x37: {  	[smem:$0x3FBB] =	sst s10  }
0x38: {  	s10 =	sld [smem:$0x3FBC]  }
0x39: {  	_ = 	snop;
	(pc) =	sbr.ind lr, $3  }
0x3a: {  	_ = 	snop  }
0x3b: {  	_ = 	snop  }
0x3c: {  	p2 =	seq.s32 s10, $0x1;
	s10 =	sld [smem:$0x3FBB]  }
0x3d: {  	_ =	shalt  }
0x3e: {  	_ =	shalt  }
0x3f: {  	_ =	shalt  }
0x40: {  	_ =	shalt  }
0x41: {  	_ =	shalt  }
0x42: {  	_ =	shalt  }
0x43: {  	_ =	shalt  }
0x44: {  	_ =	shalt  }
0x45: {  	_ =	shalt  }
0x46: {  	_ =	shalt  }
0x47: {  	_ =	shalt  }
0x48: {  	_ =	shalt  }
0x49: {  	_ =	shalt  }
0x4a: {  	_ =	shalt  }
0x4b: {  	_ =	shalt  }
0x4c: {  	_ =	shalt  }
0x4d: {  	_ =	shalt  }
0x4e: {  	_ =	shalt  }
0x4f: {  	_ =	shalt  }
0x50: {  	_ =	shalt  }
0x51: {  	_ =	shalt  }
0x52: {  	_ =	shalt  }
0x53: {  	_ =	shalt  }
0x54: {  	_ =	shalt  }
0x55: {  	_ =	shalt  }
0x56: {  	_ =	shalt  }
0x57: {  	_ =	shalt  }
0x58: {  	_ =	shalt  }
0x59: {  	_ =	shalt  }
0x5a: {  	_ =	shalt  }
0x5b: {  	_ =	shalt  }
0x5c: {  	_ =	shalt  }
0x5d: {  	_ =	shalt  }
0x5e: {  	_ =	shalt  }
0x5f: {  	_ =	shalt  }
0x60: {  	_ =	shalt  }
0x61: {  	_ =	shalt  }
0x62: {  	_ =	shalt  }
0x63: {  	_ =	shalt  }
0x64: {  	_ =	shalt  }
0x65: {  	_ =	shalt  }
0x66: {  	_ =	shalt  }
0x67: {  	_ =	shalt  }
0x68: {  	_ =	shalt  }
0x69: {  	_ =	shalt  }
0x6a: {  	_ =	shalt  }
0x6b: {  	_ =	shalt  }
0x6c: {  	_ =	shalt  }
0x6d: {  	_ =	shalt  }
0x6e: {  	_ =	shalt  }
0x6f: {  	_ =	shalt  }
0x70: {  	_ =	shalt  }
0x71: {  	_ =	shalt  }
0x72: {  	_ =	shalt  }
0x73: {  	_ =	shalt  }
0x74: {  	_ =	shalt  }
0x75: {  	_ =	shalt  }
0x76: {  	_ =	shalt  }
0x77: {  	_ =	shalt  }
0x78: {  	_ =	shalt  }
0x79: {  	_ =	shalt  }
0x7a: {  	_ =	shalt  }
0x7b: {  	_ =	shalt  }
0x7c: {  	_ =	shalt  }
0x7d: {  	_ =	shalt  }
0x7e: {  	_ =	shalt  }
0x7f: {  	_ =	shalt  }
0x80: {  	_ =	shalt  }
0x81: {  	_ =	shalt  }
0x82: {  	_ =	shalt  }
0x83: {  	_ =	shalt  }
0x84: {  	_ =	shalt  }
0x85: {  	_ =	shalt  }
0x86: {  	_ =	shalt  }
0x87: {  	_ =	shalt  }
.Lfunc_end0:
.L_simem_size_0:
called_computation_lowered:
.L_overlay_start_0:
0x88: {  	s2 =	sld [smem:$0x3FD9]  }
0x89: {  	s3 =	sld [smem:$0x3FFE];
	_ =	sdelay $0x1  }
0x8a: {  	s1 =	srdreg.scid  }
0x8b: {  	s0 =	sand.u32 $0x1, s1  }
0x8c: {  	s17 =	sshll.u32 s0, $0xA;
	s2 =	sadd.s32 s3, s2  }
0x8d: {  	s2 =	sadd.s32 s2, s17  }
0x8e: {  	[smem:$0x3FC7] =	sst s2  }
0x8f: {  	_ = 	snop  }
0x90: {  	s2 =	sld [smem:$0x3FC9];
	(tm) =	ssettm $0x1  }
0x91: {  	s18 =	sld [smem:$0x3FFB];
	_ =	sdelay $0x3  }
0x92: {  	_ =	strace s18  }
0x93: {  	s3 =	sld [smem:$0x3FFC];
	_ =	sdelay $0x3  }
0x94: {  	_ =	strace s3  }
0x95: {  	s3 =	sld [smem:$0x3FFD];
	_ =	sdelay $0x3  }
0x96: {  	_ =	strace s3  }
0x97: {  	_ =	strace $0x8FFFFFFF  }
0x98: {  	s19 =	sld [smem:$0x3FDB];
	_ =	sdelay $0x1  }
0x99: {  	s4 =	simm.s32 $_scs_section_size  }
0x9a: {  	s5 =	simm.s32 $_size__tile_overlayer_lowered;
	s6 =	simm.s32 $_tile_overlayer_lowered  }
0x9b: {  	s22 =	simm.s32 $0x1BFF;
	s21 =	sshll.u32 s6, $0x1;
	s3 =	sadd.s32 s4, s19  }
0x9c: {  	s7 =	simm.s32 $0x0;
	s20 =	sshll.u32 s5, $0x1;
	s5 =	sadd.s32 s21, s3  }
0x9d: {  	[timem:s7], [sflag:s22] =	dma.local [hbm:s5], s20  }
0x9e: {  	_ =	swait.ge [sflag:s22], s20  }
0x9f: {  	s4 =	ssub.s32 $0x0, s20;
	[sflag:s22] =	ssyncset.done $0x0  }
0xa0: {  	[sflag:s22] =	ssyncadd.s32 s4;
	_ =	sdelay $0x1  }
0xa1: {  	s23 =	simm.s32 $0x1B8B  }
0xa2: {  	_ =	swait.ge [sflag:s23], $0x1  }
0xa3: {  	[sflag:s23] =	ssyncset.done $0x0  }
0xa4: {  	s25 =	simm.s32 $0x1B8E;
	s24 =	sld [smem:$0x3FFE];
	[sflag:s23] =	ssyncadd.s32 $0xFFFFFFFF  }
0xa5: {  	s26 =	simm.s32 $execute0_lowered;
	[smem:$0x3FD2] =	sst s25  }
0xa6: {  	s5 =	sshll.u32 s26, $0x1;
	_ =	strace $0x80000046;
	[dreg:$0x1] =	wrdreg $0xFFFFFFFF  }
0xa7: {  	s28 =	simm.s32 $_size_execute0_lowered;
	s3 =	sadd.s32 s3, s5;
	[dreg:$0x0] =	wrdreg $0x0  }
0xa8: {  	s5 =	sshll.u32 s28, $0x1;
	[dreg:$0x2] =	wrdreg s3  }
0xa9: {  	[dreg:$0x3] =	wrdreg s5  }
0xaa: {  	[dreg:$0x4] =	wrdreg $0xC0  }
0xab: {  	_ =	task [dreg:s7], $0x5FFFF  }
0xac: {  	[dreg:$0x1] =	wrdreg $0xFFFFFFFF  }
0xad: {  	[dreg:$0x0] =	wrdreg $0x60  }
0xae: {  	[dreg:$0x2] =	wrdreg s2  }
0xaf: {  	[dreg:$0x3] =	wrdreg s24  }
0xb0: {  	[dreg:$0x4] =	wrdreg $0x1C2000  }
0xb1: {  	[dreg:$0x5] =	wrdreg $0x1C2800  }
0xb2: {  	[dreg:$0x6] =	wrdreg $0x9  }
0xb3: {  	_ =	task.clear_ibuf [dreg:s7], $0x7FFFF;
	_ =	strace $0x90000046  }
0xb4: {  	s29 =	simm.s32 $0x9;
	_ =	strace $0x80000048  }
0xb5: {  	_ =	swait.ge [sflag:s29], $0x1  }
0xb6: {  	[sflag:s29] =	ssyncadd.s32 $0xFFFFFFFF  }
0xb7: {  	_ =	strace $0x90000048  }
0xb8: {  	_ =	sfence  }
0xb9: {  	s30 =	sld [smem:$0x0];
	_ =	sdelay $0x2  }
0xba: {  	s31 =	sshll.u32 s1, $0xD;
	s1 =	sshrl.u32 s1, $0x2  }
0xbb: {  	s3 =	sand.u32 $0x4000, s31;
	s1 =	sadd.s32 s1, s30  }
0xbc: {  	s0 =	sor.u32 s3, s0;
	s1 =	sshll.u32 s1, $0x11  }
0xbd: {  	s0 =	sor.u32 s1, s0  }
0xbe: {  	s0 =	sadd.s32 $0x8F2B, s0  }
0xbf: {  	[sflag:s0] =	ssyncadd.remote.s32 $0x1  }
0xc0: {  	_ =	sfence.sel $0xFFFF  }
0xc1: {  	[dreg:$0x0] =	wrdreg $0xFFFFFFFF;
	(pc) =	sbr.abs _section_cstart, $3  }
0xc2: {  	[dreg:$0x1] =	wrdreg $0xFFFFFFFF  }
0xc3: {  	_ =	task.clear_ibuf [dreg:s7], $0x2FFFF;
	_ =	strace $0x9FFFFFFF  }
0xc4: {  	(tm) =	ssettm $0x7FFFFFFF  }
0xc5: {  	_ =	shalt  }
tec
execute0_lowered:
.L_overlay_start_1:
0x0: {  	(tag) =	ssettag $0x1  }
0x1: {  	s5 =	rddreg [dreg:$0x0]  }
0x2: {  	s0 =	srdreg.scid;
	s1 =	rddreg [dreg:$0x1]  }
0x3: {  	s22 =	stileid.u32;
	s17 =	rddreg [dreg:$0x2]  }
0x4: {  	s20 =	rddreg [dreg:$0x3];
	s31 =	simm.s32 $0x3;
	s0 =	sand.u32 $0x1, s0  }
0x5: {  	s3 =	sshrl.u32 s22, $0x3;
	s12 =	sand.u32 $0x7, s22;
	s2 =	sshll.u32 s0, $0x1  }
0x6: {  	s4 =	ssub.s32 $0x2, s0;
	s19 =	smul.u32 $0xC80, s12;
	p0 =	seq.s32 s12, $0x7  }
0x7: {  	p1 =	sne.s32 s12, $0x0;
	s2 =	sor.u32 s3, s2;
	s18 =	sshrl.u32 s4, $0x1  }
0x8: {  	s3 =	sshll.u32 s2, $0x4;
	s15 =	smul.u32 $0xC35000, s2;
	s2 =	sadd.s32 $0x61C0, s19  }
0x9: {  	s18 =	ssub.s32 s4, s18;
	s0 =	sadd.s32 s3, s1;
	s1 =	sadd.s32 $0x6000, s19  }
0xa: {  	s23 =	sshll.u32 s2, $0x7;
	s3 =	sadd.s32 $0x6380, s19;
	s21 =	sshll.u32 s1, $0x7  }
0xb: {  	s4 =	sadd.s32 s15, s23;
	s7 =	sshll.u32 s3, $0x7;
	s6 =	sadd.s32 s15, s21  }
0xc: {  	s4 =	sshrl.u32 s4, $0x3;
	s24 =	sadd.s32 s15, s7;
	s7 =	sadd.s32 $0x6700, s19  }
0xd: {  	s6 =	sshrl.u32 s6, $0x3;
	s4 =	sadd.s32 s5, s4;
	s9 =	sshll.u32 s7, $0x7  }
0xe: {  	s6 =	sadd.s32 s5, s6;
	[dreg:$0x6] =	wrdreg s4;
	s4 =	sshrl.u32 s24, $0x3  }
0xf: {  	s10 =	sadd.s32 s15, s9;
	[dreg:$0x5] =	wrdreg s6;
	s6 =	sadd.s32 $0x6540, s19  }
0x10: {  	s9 =	sadd.s32 $0x68C0, s19;
	s8 =	sadd.s32 s5, s4;
	s25 =	sshll.u32 s6, $0x7  }
0x11: {  	s11 =	sshrl.u32 s10, $0x3;
	s13 =	sshll.u32 s9, $0x7;
	s4 =	sadd.s32 s15, s25  }
0x12: {  	s11 =	sadd.s32 s5, s11;
	s26 =	sadd.s32 s15, s13;
	s4 =	sshrl.u32 s4, $0x3  }
0x13: {  	s13 =	sadd.s32 $0x6C40, s19;
	s10 =	sadd.s32 s5, s4;
	s4 =	sadd.s32 $0x6A80, s19  }
0x14: {  	s14 =	sshrl.u32 s26, $0x3;
	s21 =	sshll.u32 s13, $0x7;
	s16 =	sshll.u32 s4, $0x7  }
0x15: {  	s16 =	sadd.s32 s15, s16;
	s15 =	sadd.s32 s15, s21;
	s21 =	sshll.u32 s22, $0x7  }
0x16: {  	s14 =	sadd.s32 s5, s14;
	s16 =	sshrl.u32 s16, $0x3;
	s23 =	sor.u32 $0x80, s21  }
0x17: {  	s30 =	sshrl.u32 s15, $0x3;
	s25 =	sor.u32 $0x100, s21;
	s22 =	sadd.s32 s23, s17  }
0x18: {  	s15 =	sadd.s32 s5, s16;
	s24 =	sadd.s32 s23, s20;
	[dreg:$0x7] =	wrdreg s22  }
0x19: {  	s16 =	sadd.s32 s5, s30;
	s30 =	sadd.s32 s25, s17;
	[dreg:$0x8] =	wrdreg s24  }
0x1a: {  	s26 =	sor.u32 $0x180, s21;
	s5 =	sadd.s32 s25, s20;
	[dreg:$0x9] =	wrdreg s30  }
0x1b: {  	s28 =	sadd.s32 s21, s17;
	s23 =	sadd.s32 s26, s17;
	[dreg:$0xa] =	wrdreg s5  }
0x1c: {  	s25 =	sor.u32 $0x200, s21;
	[dreg:$0xb] =	wrdreg s23;
	s24 =	sadd.s32 s26, s20  }
0x1d: {  	s29 =	sadd.s32 s21, s20;
	s30 =	sadd.s32 s25, s17;
	[dreg:$0xc] =	wrdreg s24  }
0x1e: {  	s26 =	sor.u32 $0x280, s21;
	s5 =	sadd.s32 s25, s20;
	[dreg:$0xd] =	wrdreg s30  }
0x1f: {  	[dreg:$0xe] =	wrdreg s5;
	s24 =	sadd.s32 s26, s17;
	s25 =	sadd.s32 s26, s20  }
0x20: {  	s26 =	sor.u32 $0x300, s21;
	s21 =	sor.u32 $0x380, s21;
	[dreg:$0xf] =	wrdreg s24  }
0x21: {  	[dreg:$0x10] =	wrdreg s25;
	s30 =	sadd.s32 s26, s17;
	s5 =	sadd.s32 s26, s20  }
0x22: {  	s22 =	sadd.s32 s21, s17;
	s17 =	simm.s32 $0x0;
	s23 =	sadd.s32 s21, s20  }
0x23: {  	s24 =	ssub.s32 $0x6350, s19;
	s26 =	sadd.s32 $0xA00, s0;
	[dreg:$0x11] =	wrdreg s30  }
0x24: {  	s0 =	sadd.s32 $0xC00, s0;
	s21 =	smax.u32 s18, $0x1;
	[dreg:$0x12] =	wrdreg s5  }
0x25: {  	s18 =	simm.s32 $0x1C100;
	s19 =	simm.s32 $0x1C180;
	[dreg:$0x13] =	wrdreg s22  }
.Ltmp0:
0x26: {  	s20 =	simm.s32 $0x0;
	[dreg:$0x14] =	wrdreg s23;
	(pc) =	sbr.rel .LBB2_1-.Ltmp0, $4  }
0x27: {  	[smem:$0x7FF] =	sst s17;
	s25 =	smin.u32 s24, $0xC40;
	s5 =	smax.u32 s24, $0xC41  }
0x28: {  	s24 =	simm.s32 $0xE000;
	_ =	strace $0x80000047;
	[dreg:$0x15] =	wrdreg s26  }
0x29: {  	[dreg:$0x16] =	wrdreg s0;
	s30 =	smin.u32 s5, $0xC80;
	s22 =	ssub.s32 $0xA80, s25  }
0x2a: {  	s25 =	simm.s32 $0x1;
	s26 =	simm.s32 $0x2;
	s23 =	sadd.s32 $0xFFFFF3C0, s30  }
.LBB2_29:
0x2b: {  	s20 =	sadd.s32 $0x1, s20  }
0x2c: {  	p2 =	sne.s32 s20, s21  }
.Ltmp1:
0x2d: {  	_ = 	snop;
	(pc) =	sbr.rel @!p2 .LBB2_30-.Ltmp1, $1  }
0x2e: {  	_ =	sdelay $0x3  }
.LBB2_1:
0x2f: {  	s0 =	rddreg [dreg:$0x5]  }
0x30: {  	[tilespmem:s17], [sflag:$0x1] =	stream.linear.gather [hbm4b:s0+s17], $0xE000, $0x38;
	[tilespmem:$0x1C300] =	vst v63  }
0x31: {  	s5 =	rddreg [dreg:$0x6]  }
0x32: {  	[tilespmem:s24], [sflag:$0x2] =	stream.linear.gather [hbm4b:s5+s17], $0xE000, $0x38;
	[tilespmem:$0x1C300] =	vst v63  }
0x33: {  	_ =	swait.ge [sflag:s25], $0xE000  }
0x34: {  	[sflag:s25] =	ssyncset.done $0x0  }
0x35: {  	s12 =	simm.s32 $0x40;
	[sflag:s25] =	ssyncadd.s32 $0xFFFF2000  }
0x36: {  	v2 =	vld [tilespmem:s12+$0xFFFFFFC0]  }
0x37: {  	v4 =	vld [tilespmem:s12+$0xFFFFFFD0]  }
0x38: {  	v6 =	vld [tilespmem:s12+$0xFFFFFFE0]  }
0x39: {  	v7 =	vld [tilespmem:s12+$0xFFFFFFF0]  }
0x3a: {  	v8 =	vld [tilespmem:s12+$0x0]  }
0x3b: {  	v10 =	vld [tilespmem:s12+$0x10]  }
0x3c: {  	v11 =	vld [tilespmem:s12+$0x20];
	_ =	sdelay $0x1  }
0x3d: {  	v12 =	vimm.f32 $-Inf;
	s5 =	simm.s32 $0xC0;
	v13 =	vld [tilespmem:s12+$0x30]  }
0x3e: {  	v0 =	vimm.s32 $0x0;
	v22 =	vld [tilespmem:s5+$0xFFFFFFC0];
	vm0 =	vgt.f32 v2, v12;
	vm1 =	vgt.f32 v4, v12  }
0x3f: {  	v1 =	vld [tilespmem:s5+$0xFFFFFFD0];
	vm2 =	vgt.f32 v6, v12;
	vm3 =	vgt.f32 v7, v12;
	vm4 =	vgt.f32 v8, v12  }
0x40: {  	s12 =	sadd.s32 $0x0, s1;
	v23 =	vld [tilespmem:s5+$0xFFFFFFE0];
	vm5 =	vgt.f32 v10, v12;
	vm6 =	vgt.f32 v11, v12;
	v3 =	vsel vm0, v2, v12  }
0x41: {  	v16 =	vld [tilespmem:s5+$0x0];
	v5 =	vsel vm0, s12, v0;
	v4 =	vsel vm1, v4, v12;
	v6 =	vsel vm2, v6, v12  }
0x42: {  	v9 =	vld [tilespmem:s5+$0x10];
	v7 =	vsel vm3, v7, v12;
	v8 =	vsel vm4, v8, v12;
	vm0 =	vgt.f32 v13, v12  }
0x43: {  	v2 =	vld [tilespmem:s5+$0xFFFFFFF0];
	v10 =	vsel vm5, v10, v12;
	v11 =	vsel vm6, v11, v12;
	v14 =	vsel vm2, s12, v0  }
0x44: {  	v20 =	vld [tilespmem:s5+$0x20];
	v15 =	vsel vm3, s12, v0;
	v17 =	vsel vm4, s12, v0;
	v18 =	vsel vm5, s12, v0  }
0x45: {  	s30 =	simm.s32 $0x140;
	s0 =	simm.s32 $0x1;
	v21 =	vld [tilespmem:s5+$0x30];
	s5 =	simm.s32 $0x2;
	v19 =	vsel vm6, s12, v0;
	v12 =	vsel vm0, v13, v12;
	v13 =	vsel vm1, s12, v0  }
.LBB2_2:
0x46: {  	v24 =	vld [tilespmem:s30+$0xFFFFFFC0];
	p2 =	sne.s32 s5, $0x1BF;
	vm1 =	vgt.f32 v22, v3;
	vm2 =	vgt.f32 v1, v4;
	v0 =	vsel vm0, s12, v0;
	s12 =	sadd.s32 s0, s1;
	s0 =	smov.u32 s5  }
0x47: {  	v3 =	vsel vm1, v22, v3;
	v5 =	vsel vm1, s12, v5;
	v4 =	vsel vm2, v1, v4;
	v1 =	vld [tilespmem:s30+$0xFFFFFFD0]  }
0x48: {  	vm3 =	vgt.f32 v2, v7;
	vm1 =	vgt.f32 v23, v6;
	vm4 =	vgt.f32 v16, v8;
	v25 =	vld [tilespmem:s30+$0xFFFFFFE0]  }
.Ltmp2:
0x49: {  	v7 =	vsel vm3, v2, v7;
	v6 =	vsel vm1, v23, v6;
	v8 =	vsel vm4, v16, v8;
	v2 =	vld [tilespmem:s30+$0xFFFFFFF0];
	(pc) =	sbr.rel @p2 .LBB2_2-.Ltmp2, $4  }
0x4a: {  	vm5 =	vgt.f32 v9, v10;
	vm6 =	vgt.f32 v20, v11;
	v16 =	vld [tilespmem:s30+$0x0];
	vm0 =	vgt.f32 v21, v12  }
0x4b: {  	v10 =	vsel vm5, v9, v10;
	v11 =	vsel vm6, v20, v11;
	v9 =	vld [tilespmem:s30+$0x10];
	v12 =	vsel vm0, v21, v12;
	v22 =	vmovc v24  }
0x4c: {  	v13 =	vsel vm2, s12, v13;
	v15 =	vsel vm3, s12, v15;
	v14 =	vsel vm1, s12, v14;
	v20 =	vld [tilespmem:s30+$0x20]  }
0x4d: {  	s5 =	sadd.s32 $0x1, s5;
	v17 =	vsel vm4, s12, v17;
	v18 =	vsel vm5, s12, v18;
	v19 =	vsel vm6, s12, v19;
	v21 =	vld [tilespmem:s30+$0x30];
	s30 =	sadd.s32 $0x80, s30;
	v23 =	vmovc v25  }
0x4e: {  	s5 =	simm.s32 $0x0  }
0x4f: {  	[tilespmem:s5], [sflag:$0x1] =	stream.linear.gather [hbm4b:s8+s5], $0xE000, $0x38;
	[tilespmem:$0x1C300] =	vst v63  }
0x50: {  	_ =	swait.ge [sflag:s26], $0xE000  }
0x51: {  	[sflag:s26] =	ssyncset.done $0x0  }
0x52: {  	s5 =	simm.s32 $0xE040;
	[sflag:s26] =	ssyncadd.s32 $0xFFFF2000  }
0x53: {  	v24 =	vld [tilespmem:s5+$0xFFFFFFC0]  }
0x54: {  	vm1 =	vgt.f32 v22, v3;
	vm2 =	vgt.f32 v1, v4;
	v0 =	vsel vm0, s12, v0;
	v25 =	vld [tilespmem:s5+$0xFFFFFFD0]  }
0x55: {  	s0 =	sadd.s32 s0, s1;
	vm0 =	vgt.f32 v23, v6;
	v3 =	vsel vm1, v22, v3;
	vm3 =	vgt.f32 v16, v8;
	v26 =	vld [tilespmem:s5+$0xFFFFFFE0]  }
0x56: {  	v5 =	vsel vm1, s0, v5;
	v4 =	vsel vm2, v1, v4;
	v8 =	vsel vm3, v16, v8;
	v16 =	vld [tilespmem:s5+$0xFFFFFFF0]  }
0x57: {  	vm1 =	vgt.f32 v2, v7;
	v6 =	vsel vm0, v23, v6;
	vm5 =	vgt.f32 v20, v11;
	v27 =	vld [tilespmem:s5+$0x0]  }
0x58: {  	v13 =	vsel vm2, s0, v13;
	vm6 =	vgt.f32 v21, v12;
	v11 =	vsel vm5, v20, v11;
	v20 =	vld [tilespmem:s5+$0x10]  }
0x59: {  	v14 =	vsel vm0, s0, v14;
	v7 =	vsel vm1, v2, v7;
	v12 =	vsel vm6, v21, v12;
	v21 =	vld [tilespmem:s5+$0x20]  }
0x5a: {  	vm4 =	vgt.f32 v9, v10;
	v15 =	vsel vm1, s0, v15;
	v17 =	vsel vm3, s0, v17  }
0x5b: {  	v10 =	vsel vm4, v9, v10;
	v18 =	vsel vm4, s0, v18;
	v19 =	vsel vm5, s0, v19;
	v28 =	vld [tilespmem:s5+$0x30];
	s5 =	simm.s32 $0xE0C0  }
0x5c: {  	v0 =	vsel vm6, s0, v0;
	v22 =	vld [tilespmem:s5+$0xFFFFFFC0];
	vm0 =	vgt.f32 v24, v3;
	vm1 =	vgt.f32 v25, v4  }
0x5d: {  	v1 =	vld [tilespmem:s5+$0xFFFFFFD0];
	vm2 =	vgt.f32 v26, v6;
	vm3 =	vgt.f32 v16, v7;
	vm13 =	vgt.f32 v27, v8  }
0x5e: {  	s12 =	sadd.s32 $0x0, s2;
	v23 =	vld [tilespmem:s5+$0xFFFFFFE0];
	vm14 =	vgt.f32 v20, v10;
	vm15 =	vgt.f32 v21, v11;
	v3 =	vsel vm0, v24, v3  }
0x5f: {  	v2 =	vld [tilespmem:s5+$0xFFFFFFF0];
	v5 =	vsel vm0, s12, v5;
	v4 =	vsel vm1, v25, v4;
	v6 =	vsel vm2, v26, v6  }
0x60: {  	v9 =	vld [tilespmem:s5+$0x10];
	v7 =	vsel vm3, v16, v7;
	v8 =	vsel vm13, v27, v8;
	vm0 =	vgt.f32 v28, v12  }
0x61: {  	v16 =	vld [tilespmem:s5+$0x0];
	v10 =	vsel vm14, v20, v10;
	v11 =	vsel vm15, v21, v11;
	v13 =	vsel vm1, s12, v13  }
0x62: {  	v20 =	vld [tilespmem:s5+$0x20];
	v14 =	vsel vm2, s12, v14;
	v15 =	vsel vm3, s12, v15;
	v17 =	vsel vm13, s12, v17  }
0x63: {  	s30 =	simm.s32 $0xE140;
	s0 =	simm.s32 $0x1;
	v21 =	vld [tilespmem:s5+$0x30];
	s5 =	simm.s32 $0x2;
	v18 =	vsel vm14, s12, v18;
	v19 =	vsel vm15, s12, v19;
	v12 =	vsel vm0, v28, v12  }
.LBB2_4:
0x64: {  	v24 =	vld [tilespmem:s30+$0xFFFFFFC0];
	p2 =	sne.s32 s5, $0x1BF;
	vm1 =	vgt.f32 v22, v3;
	vm2 =	vgt.f32 v1, v4;
	v0 =	vsel vm0, s12, v0;
	s12 =	sadd.s32 s0, s2;
	s0 =	smov.u32 s5  }
0x65: {  	v3 =	vsel vm1, v22, v3;
	v5 =	vsel vm1, s12, v5;
	v4 =	vsel vm2, v1, v4;
	v1 =	vld [tilespmem:s30+$0xFFFFFFD0]  }
0x66: {  	vm3 =	vgt.f32 v2, v7;
	vm1 =	vgt.f32 v23, v6;
	vm4 =	vgt.f32 v16, v8;
	v25 =	vld [tilespmem:s30+$0xFFFFFFE0]  }
.Ltmp3:
0x67: {  	v7 =	vsel vm3, v2, v7;
	v6 =	vsel vm1, v23, v6;
	v8 =	vsel vm4, v16, v8;
	v2 =	vld [tilespmem:s30+$0xFFFFFFF0];
	(pc) =	sbr.rel @p2 .LBB2_4-.Ltmp3, $4  }
0x68: {  	vm5 =	vgt.f32 v9, v10;
	vm6 =	vgt.f32 v20, v11;
	v16 =	vld [tilespmem:s30+$0x0];
	vm0 =	vgt.f32 v21, v12  }
0x69: {  	v10 =	vsel vm5, v9, v10;
	v11 =	vsel vm6, v20, v11;
	v9 =	vld [tilespmem:s30+$0x10];
	v12 =	vsel vm0, v21, v12;
	v22 =	vmovc v24  }
0x6a: {  	v13 =	vsel vm2, s12, v13;
	v15 =	vsel vm3, s12, v15;
	v14 =	vsel vm1, s12, v14;
	v20 =	vld [tilespmem:s30+$0x20]  }
0x6b: {  	s5 =	sadd.s32 $0x1, s5;
	v17 =	vsel vm4, s12, v17;
	v18 =	vsel vm5, s12, v18;
	v19 =	vsel vm6, s12, v19;
	v21 =	vld [tilespmem:s30+$0x30];
	s30 =	sadd.s32 $0x80, s30;
	v23 =	vmovc v25  }
0x6c: {  	s5 =	simm.s32 $0x0  }
0x6d: {  	[tilespmem:s24], [sflag:$0x2] =	stream.linear.gather [hbm4b:s10+s5], $0xE000, $0x38;
	[tilespmem:$0x1C300] =	vst v63  }
0x6e: {  	_ =	swait.ge [sflag:s25], $0xE000  }
0x6f: {  	[sflag:s25] =	ssyncset.done $0x0  }
0x70: {  	s5 =	simm.s32 $0x40;
	[sflag:s25] =	ssyncadd.s32 $0xFFFF2000  }
0x71: {  	v24 =	vld [tilespmem:s5+$0xFFFFFFC0]  }
0x72: {  	vm1 =	vgt.f32 v22, v3;
	vm2 =	vgt.f32 v1, v4;
	v0 =	vsel vm0, s12, v0;
	v25 =	vld [tilespmem:s5+$0xFFFFFFD0]  }
0x73: {  	s0 =	sadd.s32 s0, s2;
	vm0 =	vgt.f32 v23, v6;
	v3 =	vsel vm1, v22, v3;
	vm3 =	vgt.f32 v16, v8;
	v26 =	vld [tilespmem:s5+$0xFFFFFFE0]  }
0x74: {  	v5 =	vsel vm1, s0, v5;
	v4 =	vsel vm2, v1, v4;
	v8 =	vsel vm3, v16, v8;
	v16 =	vld [tilespmem:s5+$0xFFFFFFF0]  }
0x75: {  	vm1 =	vgt.f32 v2, v7;
	v6 =	vsel vm0, v23, v6;
	vm5 =	vgt.f32 v20, v11;
	v27 =	vld [tilespmem:s5+$0x0]  }
0x76: {  	v13 =	vsel vm2, s0, v13;
	vm6 =	vgt.f32 v21, v12;
	v11 =	vsel vm5, v20, v11;
	v20 =	vld [tilespmem:s5+$0x10]  }
0x77: {  	v14 =	vsel vm0, s0, v14;
	v7 =	vsel vm1, v2, v7;
	v12 =	vsel vm6, v21, v12;
	v21 =	vld [tilespmem:s5+$0x20]  }
0x78: {  	vm4 =	vgt.f32 v9, v10;
	v15 =	vsel vm1, s0, v15;
	v17 =	vsel vm3, s0, v17  }
0x79: {  	v10 =	vsel vm4, v9, v10;
	v18 =	vsel vm4, s0, v18;
	v19 =	vsel vm5, s0, v19;
	v28 =	vld [tilespmem:s5+$0x30];
	s5 =	simm.s32 $0xC0  }
0x7a: {  	v0 =	vsel vm6, s0, v0;
	v22 =	vld [tilespmem:s5+$0xFFFFFFC0];
	vm0 =	vgt.f32 v24, v3;
	vm1 =	vgt.f32 v25, v4  }
0x7b: {  	v1 =	vld [tilespmem:s5+$0xFFFFFFD0];
	vm2 =	vgt.f32 v26, v6;
	vm3 =	vgt.f32 v16, v7;
	vm13 =	vgt.f32 v27, v8  }
0x7c: {  	s12 =	sadd.s32 $0x0, s3;
	v23 =	vld [tilespmem:s5+$0xFFFFFFE0];
	vm14 =	vgt.f32 v20, v10;
	vm15 =	vgt.f32 v21, v11;
	v3 =	vsel vm0, v24, v3  }
0x7d: {  	v2 =	vld [tilespmem:s5+$0xFFFFFFF0];
	v5 =	vsel vm0, s12, v5;
	v4 =	vsel vm1, v25, v4;
	v6 =	vsel vm2, v26, v6  }
0x7e: {  	v9 =	vld [tilespmem:s5+$0x10];
	v7 =	vsel vm3, v16, v7;
	v8 =	vsel vm13, v27, v8;
	vm0 =	vgt.f32 v28, v12  }
0x7f: {  	v16 =	vld [tilespmem:s5+$0x0];
	v10 =	vsel vm14, v20, v10;
	v11 =	vsel vm15, v21, v11;
	v13 =	vsel vm1, s12, v13  }
0x80: {  	v20 =	vld [tilespmem:s5+$0x20];
	v14 =	vsel vm2, s12, v14;
	v15 =	vsel vm3, s12, v15;
	v17 =	vsel vm13, s12, v17  }
0x81: {  	s30 =	simm.s32 $0x140;
	s0 =	simm.s32 $0x1;
	v21 =	vld [tilespmem:s5+$0x30];
	s5 =	simm.s32 $0x2;
	v18 =	vsel vm14, s12, v18;
	v19 =	vsel vm15, s12, v19;
	v12 =	vsel vm0, v28, v12  }
.LBB2_6:
0x82: {  	v24 =	vld [tilespmem:s30+$0xFFFFFFC0];
	p2 =	sne.s32 s5, $0x1BF;
	vm1 =	vgt.f32 v22, v3;
	vm2 =	vgt.f32 v1, v4;
	v0 =	vsel vm0, s12, v0;
	s12 =	sadd.s32 s0, s3;
	s0 =	smov.u32 s5  }
0x83: {  	v3 =	vsel vm1, v22, v3;
	v5 =	vsel vm1, s12, v5;
	v4 =	vsel vm2, v1, v4;
	v1 =	vld [tilespmem:s30+$0xFFFFFFD0]  }
0x84: {  	vm3 =	vgt.f32 v2, v7;
	vm1 =	vgt.f32 v23, v6;
	vm4 =	vgt.f32 v16, v8;
	v25 =	vld [tilespmem:s30+$0xFFFFFFE0]  }
.Ltmp4:
0x85: {  	v7 =	vsel vm3, v2, v7;
	v6 =	vsel vm1, v23, v6;
	v8 =	vsel vm4, v16, v8;
	v2 =	vld [tilespmem:s30+$0xFFFFFFF0];
	(pc) =	sbr.rel @p2 .LBB2_6-.Ltmp4, $4  }
0x86: {  	vm5 =	vgt.f32 v9, v10;
	vm6 =	vgt.f32 v20, v11;
	v16 =	vld [tilespmem:s30+$0x0];
	vm0 =	vgt.f32 v21, v12  }
0x87: {  	v10 =	vsel vm5, v9, v10;
	v11 =	vsel vm6, v20, v11;
	v9 =	vld [tilespmem:s30+$0x10];
	v12 =	vsel vm0, v21, v12;
	v22 =	vmovc v24  }
0x88: {  	v13 =	vsel vm2, s12, v13;
	v15 =	vsel vm3, s12, v15;
	v14 =	vsel vm1, s12, v14;
	v20 =	vld [tilespmem:s30+$0x20]  }
0x89: {  	s5 =	sadd.s32 $0x1, s5;
	v17 =	vsel vm4, s12, v17;
	v18 =	vsel vm5, s12, v18;
	v19 =	vsel vm6, s12, v19;
	v21 =	vld [tilespmem:s30+$0x30];
	s30 =	sadd.s32 $0x80, s30;
	v23 =	vmovc v25  }
0x8a: {  	s5 =	simm.s32 $0x0  }
0x8b: {  	[tilespmem:s5], [sflag:$0x1] =	stream.linear.gather [hbm4b:s11+s5], $0xE000, $0x38;
	[tilespmem:$0x1C300] =	vst v63  }
0x8c: {  	_ =	swait.ge [sflag:s26], $0xE000  }
0x8d: {  	[sflag:s26] =	ssyncset.done $0x0  }
0x8e: {  	s5 =	simm.s32 $0xE040;
	[sflag:s26] =	ssyncadd.s32 $0xFFFF2000  }
0x8f: {  	v24 =	vld [tilespmem:s5+$0xFFFFFFC0]  }
0x90: {  	vm1 =	vgt.f32 v22, v3;
	vm2 =	vgt.f32 v1, v4;
	v0 =	vsel vm0, s12, v0;
	v25 =	vld [tilespmem:s5+$0xFFFFFFD0]  }
0x91: {  	s0 =	sadd.s32 s0, s3;
	vm0 =	vgt.f32 v23, v6;
	v3 =	vsel vm1, v22, v3;
	vm3 =	vgt.f32 v16, v8;
	v26 =	vld [tilespmem:s5+$0xFFFFFFE0]  }
0x92: {  	v5 =	vsel vm1, s0, v5;
	v4 =	vsel vm2, v1, v4;
	v8 =	vsel vm3, v16, v8;
	v16 =	vld [tilespmem:s5+$0xFFFFFFF0]  }
0x93: {  	vm1 =	vgt.f32 v2, v7;
	v6 =	vsel vm0, v23, v6;
	vm5 =	vgt.f32 v20, v11;
	v27 =	vld [tilespmem:s5+$0x0]  }
0x94: {  	v13 =	vsel vm2, s0, v13;
	vm6 =	vgt.f32 v21, v12;
	v11 =	vsel vm5, v20, v11;
	v20 =	vld [tilespmem:s5+$0x10]  }
0x95: {  	v14 =	vsel vm0, s0, v14;
	v7 =	vsel vm1, v2, v7;
	v12 =	vsel vm6, v21, v12;
	v21 =	vld [tilespmem:s5+$0x20]  }
0x96: {  	vm4 =	vgt.f32 v9, v10;
	v15 =	vsel vm1, s0, v15;
	v17 =	vsel vm3, s0, v17  }
0x97: {  	v10 =	vsel vm4, v9, v10;
	v18 =	vsel vm4, s0, v18;
	v19 =	vsel vm5, s0, v19;
	v28 =	vld [tilespmem:s5+$0x30];
	s5 =	simm.s32 $0xE0C0  }
0x98: {  	v0 =	vsel vm6, s0, v0;
	v22 =	vld [tilespmem:s5+$0xFFFFFFC0];
	vm0 =	vgt.f32 v24, v3;
	vm1 =	vgt.f32 v25, v4  }
0x99: {  	v1 =	vld [tilespmem:s5+$0xFFFFFFD0];
	vm2 =	vgt.f32 v26, v6;
	vm3 =	vgt.f32 v16, v7;
	vm13 =	vgt.f32 v27, v8  }
0x9a: {  	s12 =	sadd.s32 $0x0, s6;
	v23 =	vld [tilespmem:s5+$0xFFFFFFE0];
	vm14 =	vgt.f32 v20, v10;
	vm15 =	vgt.f32 v21, v11;
	v3 =	vsel vm0, v24, v3  }
0x9b: {  	v2 =	vld [tilespmem:s5+$0xFFFFFFF0];
	v5 =	vsel vm0, s12, v5;
	v4 =	vsel vm1, v25, v4;
	v6 =	vsel vm2, v26, v6  }
0x9c: {  	v9 =	vld [tilespmem:s5+$0x10];
	v7 =	vsel vm3, v16, v7;
	v8 =	vsel vm13, v27, v8;
	vm0 =	vgt.f32 v28, v12  }
0x9d: {  	v16 =	vld [tilespmem:s5+$0x0];
	v10 =	vsel vm14, v20, v10;
	v11 =	vsel vm15, v21, v11;
	v13 =	vsel vm1, s12, v13  }
0x9e: {  	v20 =	vld [tilespmem:s5+$0x20];
	v14 =	vsel vm2, s12, v14;
	v15 =	vsel vm3, s12, v15;
	v17 =	vsel vm13, s12, v17  }
0x9f: {  	s30 =	simm.s32 $0xE140;
	s0 =	simm.s32 $0x1;
	v21 =	vld [tilespmem:s5+$0x30];
	s5 =	simm.s32 $0x2;
	v18 =	vsel vm14, s12, v18;
	v19 =	vsel vm15, s12, v19;
	v12 =	vsel vm0, v28, v12  }
.LBB2_8:
0xa0: {  	v24 =	vld [tilespmem:s30+$0xFFFFFFC0];
	p2 =	sne.s32 s5, $0x1BF;
	vm1 =	vgt.f32 v22, v3;
	vm2 =	vgt.f32 v1, v4;
	v0 =	vsel vm0, s12, v0;
	s12 =	sadd.s32 s0, s6;
	s0 =	smov.u32 s5  }
0xa1: {  	v3 =	vsel vm1, v22, v3;
	v5 =	vsel vm1, s12, v5;
	v4 =	vsel vm2, v1, v4;
	v1 =	vld [tilespmem:s30+$0xFFFFFFD0]  }
0xa2: {  	vm3 =	vgt.f32 v2, v7;
	vm1 =	vgt.f32 v23, v6;
	vm4 =	vgt.f32 v16, v8;
	v25 =	vld [tilespmem:s30+$0xFFFFFFE0]  }
.Ltmp5:
0xa3: {  	v7 =	vsel vm3, v2, v7;
	v6 =	vsel vm1, v23, v6;
	v8 =	vsel vm4, v16, v8;
	v2 =	vld [tilespmem:s30+$0xFFFFFFF0];
	(pc) =	sbr.rel @p2 .LBB2_8-.Ltmp5, $4  }
0xa4: {  	vm5 =	vgt.f32 v9, v10;
	vm6 =	vgt.f32 v20, v11;
	v16 =	vld [tilespmem:s30+$0x0];
	vm0 =	vgt.f32 v21, v12  }
0xa5: {  	v10 =	vsel vm5, v9, v10;
	v11 =	vsel vm6, v20, v11;
	v9 =	vld [tilespmem:s30+$0x10];
	v12 =	vsel vm0, v21, v12;
	v22 =	vmovc v24  }
0xa6: {  	v13 =	vsel vm2, s12, v13;
	v15 =	vsel vm3, s12, v15;
	v14 =	vsel vm1, s12, v14;
	v20 =	vld [tilespmem:s30+$0x20]  }
0xa7: {  	s5 =	sadd.s32 $0x1, s5;
	v17 =	vsel vm4, s12, v17;
	v18 =	vsel vm5, s12, v18;
	v19 =	vsel vm6, s12, v19;
	v21 =	vld [tilespmem:s30+$0x30];
	s30 =	sadd.s32 $0x80, s30;
	v23 =	vmovc v25  }
0xa8: {  	s5 =	simm.s32 $0x0  }
0xa9: {  	[tilespmem:s24], [sflag:$0x2] =	stream.linear.gather [hbm4b:s14+s5], $0xE000, $0x38;
	[tilespmem:$0x1C300] =	vst v63  }
0xaa: {  	_ =	swait.ge [sflag:s25], $0xE000  }
0xab: {  	[sflag:s25] =	ssyncset.done $0x0  }
0xac: {  	s5 =	simm.s32 $0x40;
	[sflag:s25] =	ssyncadd.s32 $0xFFFF2000  }
0xad: {  	v24 =	vld [tilespmem:s5+$0xFFFFFFC0]  }
0xae: {  	vm1 =	vgt.f32 v22, v3;
	vm2 =	vgt.f32 v1, v4;
	v0 =	vsel vm0, s12, v0;
	v25 =	vld [tilespmem:s5+$0xFFFFFFD0]  }
0xaf: {  	s0 =	sadd.s32 s0, s6;
	vm0 =	vgt.f32 v23, v6;
	v3 =	vsel vm1, v22, v3;
	vm3 =	vgt.f32 v16, v8;
	v26 =	vld [tilespmem:s5+$0xFFFFFFE0]  }
0xb0: {  	v5 =	vsel vm1, s0, v5;
	v4 =	vsel vm2, v1, v4;
	v8 =	vsel vm3, v16, v8;
	v16 =	vld [tilespmem:s5+$0xFFFFFFF0]  }
0xb1: {  	vm1 =	vgt.f32 v2, v7;
	v6 =	vsel vm0, v23, v6;
	vm5 =	vgt.f32 v20, v11;
	v27 =	vld [tilespmem:s5+$0x0]  }
0xb2: {  	v13 =	vsel vm2, s0, v13;
	vm6 =	vgt.f32 v21, v12;
	v11 =	vsel vm5, v20, v11;
	v20 =	vld [tilespmem:s5+$0x10]  }
0xb3: {  	v14 =	vsel vm0, s0, v14;
	v7 =	vsel vm1, v2, v7;
	v12 =	vsel vm6, v21, v12;
	v21 =	vld [tilespmem:s5+$0x20]  }
0xb4: {  	vm4 =	vgt.f32 v9, v10;
	v15 =	vsel vm1, s0, v15;
	v17 =	vsel vm3, s0, v17  }
0xb5: {  	v10 =	vsel vm4, v9, v10;
	v18 =	vsel vm4, s0, v18;
	v19 =	vsel vm5, s0, v19;
	v28 =	vld [tilespmem:s5+$0x30];
	s5 =	simm.s32 $0xC0  }
0xb6: {  	v0 =	vsel vm6, s0, v0;
	v22 =	vld [tilespmem:s5+$0xFFFFFFC0];
	vm0 =	vgt.f32 v24, v3;
	vm1 =	vgt.f32 v25, v4  }
0xb7: {  	v1 =	vld [tilespmem:s5+$0xFFFFFFD0];
	vm2 =	vgt.f32 v26, v6;
	vm3 =	vgt.f32 v16, v7;
	vm13 =	vgt.f32 v27, v8  }
0xb8: {  	s12 =	sadd.s32 $0x0, s7;
	v23 =	vld [tilespmem:s5+$0xFFFFFFE0];
	vm14 =	vgt.f32 v20, v10;
	vm15 =	vgt.f32 v21, v11;
	v3 =	vsel vm0, v24, v3  }
0xb9: {  	v2 =	vld [tilespmem:s5+$0xFFFFFFF0];
	v5 =	vsel vm0, s12, v5;
	v4 =	vsel vm1, v25, v4;
	v6 =	vsel vm2, v26, v6  }
0xba: {  	v9 =	vld [tilespmem:s5+$0x10];
	v7 =	vsel vm3, v16, v7;
	v8 =	vsel vm13, v27, v8;
	vm0 =	vgt.f32 v28, v12  }
0xbb: {  	v16 =	vld [tilespmem:s5+$0x0];
	v10 =	vsel vm14, v20, v10;
	v11 =	vsel vm15, v21, v11;
	v13 =	vsel vm1, s12, v13  }
0xbc: {  	v20 =	vld [tilespmem:s5+$0x20];
	v14 =	vsel vm2, s12, v14;
	v15 =	vsel vm3, s12, v15;
	v17 =	vsel vm13, s12, v17  }
0xbd: {  	s30 =	simm.s32 $0x140;
	s0 =	simm.s32 $0x1;
	v21 =	vld [tilespmem:s5+$0x30];
	s5 =	simm.s32 $0x2;
	v18 =	vsel vm14, s12, v18;
	v19 =	vsel vm15, s12, v19;
	v12 =	vsel vm0, v28, v12  }
.LBB2_10:
0xbe: {  	v24 =	vld [tilespmem:s30+$0xFFFFFFC0];
	p2 =	sne.s32 s5, $0x1BF;
	vm1 =	vgt.f32 v22, v3;
	vm2 =	vgt.f32 v1, v4;
	v0 =	vsel vm0, s12, v0;
	s12 =	sadd.s32 s0, s7;
	s0 =	smov.u32 s5  }
0xbf: {  	v3 =	vsel vm1, v22, v3;
	v5 =	vsel vm1, s12, v5;
	v4 =	vsel vm2, v1, v4;
	v1 =	vld [tilespmem:s30+$0xFFFFFFD0]  }
0xc0: {  	vm3 =	vgt.f32 v2, v7;
	vm1 =	vgt.f32 v23, v6;
	vm4 =	vgt.f32 v16, v8;
	v25 =	vld [tilespmem:s30+$0xFFFFFFE0]  }
.Ltmp6:
0xc1: {  	v7 =	vsel vm3, v2, v7;
	v6 =	vsel vm1, v23, v6;
	v8 =	vsel vm4, v16, v8;
	v2 =	vld [tilespmem:s30+$0xFFFFFFF0];
	(pc) =	sbr.rel @p2 .LBB2_10-.Ltmp6, $4  }
0xc2: {  	vm5 =	vgt.f32 v9, v10;
	vm6 =	vgt.f32 v20, v11;
	v16 =	vld [tilespmem:s30+$0x0];
	vm0 =	vgt.f32 v21, v12  }
0xc3: {  	v10 =	vsel vm5, v9, v10;
	v11 =	vsel vm6, v20, v11;
	v9 =	vld [tilespmem:s30+$0x10];
	v12 =	vsel vm0, v21, v12;
	v22 =	vmovc v24  }
0xc4: {  	v13 =	vsel vm2, s12, v13;
	v15 =	vsel vm3, s12, v15;
	v14 =	vsel vm1, s12, v14;
	v20 =	vld [tilespmem:s30+$0x20]  }
0xc5: {  	s5 =	sadd.s32 $0x1, s5;
	v17 =	vsel vm4, s12, v17;
	v18 =	vsel vm5, s12, v18;
	v19 =	vsel vm6, s12, v19;
	v21 =	vld [tilespmem:s30+$0x30];
	s30 =	sadd.s32 $0x80, s30;
	v23 =	vmovc v25  }
0xc6: {  	s5 =	simm.s32 $0x0  }
0xc7: {  	[tilespmem:s5], [sflag:$0x1] =	stream.linear.gather [hbm4b:s15+s5], $0xE000, $0x38;
	[tilespmem:$0x1C300] =	vst v63  }
0xc8: {  	_ =	swait.ge [sflag:s26], $0xE000  }
0xc9: {  	[sflag:s26] =	ssyncset.done $0x0  }
0xca: {  	s5 =	simm.s32 $0xE040;
	[sflag:s26] =	ssyncadd.s32 $0xFFFF2000  }
0xcb: {  	v24 =	vld [tilespmem:s5+$0xFFFFFFC0]  }
0xcc: {  	s0 =	sadd.s32 s0, s7;
	vm1 =	vgt.f32 v22, v3;
	vm2 =	vgt.f32 v1, v4;
	v0 =	vsel vm0, s12, v0;
	v25 =	vld [tilespmem:s5+$0xFFFFFFD0]  }
0xcd: {  	vm0 =	vgt.f32 v23, v6;
	v22 =	vsel vm1, v22, v3;
	v5 =	vsel vm1, s0, v5;
	v26 =	vld [tilespmem:s5+$0xFFFFFFE0]  }
0xce: {  	v4 =	vsel vm2, v1, v4;
	vm1 =	vgt.f32 v2, v7;
	v6 =	vsel vm0, v23, v6;
	v23 =	vld [tilespmem:s5+$0xFFFFFFF0]  }
0xcf: {  	vm3 =	vgt.f32 v16, v8;
	v29 =	vsel vm2, s0, v13;
	vm6 =	vgt.f32 v21, v12;
	v27 =	vld [tilespmem:s5+$0x0]  }
0xd0: {  	v30 =	vsel vm0, s0, v14;
	v2 =	vsel vm1, v2, v7;
	v21 =	vsel vm6, v21, v12;
	v12 =	vld [tilespmem:s5+$0x10]  }
0xd1: {  	v16 =	vsel vm3, v16, v8;
	vm4 =	vgt.f32 v9, v10;
	v31 =	vsel vm1, s0, v15;
	v15 =	vld [tilespmem:s5+$0x20]  }
0xd2: {  	v32 =	vsel vm3, s0, v17;
	vm5 =	vgt.f32 v20, v11;
	v28 =	vsel vm4, v9, v10  }
0xd3: {  	v33 =	vsel vm4, s0, v18;
	v20 =	vsel vm5, v20, v11;
	v34 =	vsel vm5, s0, v19;
	v18 =	vld [tilespmem:s5+$0x30];
	s5 =	simm.s32 $0xE0C0  }
0xd4: {  	v1 =	vsel vm6, s0, v0;
	v10 =	vld [tilespmem:s5+$0xFFFFFFC0];
	vm0 =	vgt.f32 v24, v22;
	vm1 =	vgt.f32 v25, v4  }
0xd5: {  	v3 =	vld [tilespmem:s5+$0xFFFFFFD0];
	vm2 =	vgt.f32 v26, v6;
	vm3 =	vgt.f32 v23, v2;
	vm13 =	vgt.f32 v27, v16  }
0xd6: {  	s12 =	sadd.s32 $0x0, s9;
	v14 =	vld [tilespmem:s5+$0xFFFFFFE0];
	vm14 =	vgt.f32 v12, v28;
	vm15 =	vgt.f32 v15, v20;
	v7 =	vsel vm0, v24, v22  }
0xd7: {  	v11 =	vld [tilespmem:s5+$0x0];
	v9 =	vsel vm0, s12, v5;
	v8 =	vsel vm1, v25, v4;
	v5 =	vsel vm2, v26, v6  }
0xd8: {  	v13 =	vld [tilespmem:s5+$0x10];
	v6 =	vsel vm3, v23, v2;
	v2 =	vsel vm13, v27, v16;
	vm0 =	vgt.f32 v18, v21  }
0xd9: {  	v4 =	vld [tilespmem:s5+$0xFFFFFFF0];
	v17 =	vsel vm14, v12, v28;
	v12 =	vsel vm15, v15, v20;
	v15 =	vsel vm2, s12, v30  }
0xda: {  	v23 =	vld [tilespmem:s5+$0x20];
	v16 =	vsel vm3, s12, v31;
	v19 =	vsel vm13, s12, v32;
	v22 =	vsel vm15, s12, v34  }
0xdb: {  	s30 =	simm.s32 $0xE140;
	s0 =	simm.s32 $0x1;
	v20 =	vld [tilespmem:s5+$0x30];
	s5 =	simm.s32 $0x2;
	v0 =	vsel vm0, v18, v21;
	v18 =	vsel vm1, s12, v29;
	v21 =	vsel vm14, s12, v33  }
.LBB2_12:
0xdc: {  	v24 =	vld [tilespmem:s30+$0xFFFFFFC0];
	p2 =	sne.s32 s5, $0x1BF;
	vm1 =	vgt.f32 v10, v7;
	vm2 =	vgt.f32 v3, v8;
	v1 =	vsel vm0, s12, v1;
	s12 =	sadd.s32 s0, s9;
	s0 =	smov.u32 s5  }
0xdd: {  	v7 =	vsel vm1, v10, v7;
	v9 =	vsel vm1, s12, v9;
	v8 =	vsel vm2, v3, v8;
	v3 =	vld [tilespmem:s30+$0xFFFFFFD0]  }
0xde: {  	vm3 =	vgt.f32 v4, v6;
	vm1 =	vgt.f32 v14, v5;
	vm4 =	vgt.f32 v11, v2;
	v25 =	vld [tilespmem:s30+$0xFFFFFFE0]  }
.Ltmp7:
0xdf: {  	v6 =	vsel vm3, v4, v6;
	v5 =	vsel vm1, v14, v5;
	v2 =	vsel vm4, v11, v2;
	v4 =	vld [tilespmem:s30+$0xFFFFFFF0];
	(pc) =	sbr.rel @p2 .LBB2_12-.Ltmp7, $4  }
0xe0: {  	vm5 =	vgt.f32 v13, v17;
	vm6 =	vgt.f32 v23, v12;
	v11 =	vld [tilespmem:s30+$0x0];
	vm0 =	vgt.f32 v20, v0  }
0xe1: {  	v17 =	vsel vm5, v13, v17;
	v12 =	vsel vm6, v23, v12;
	v13 =	vld [tilespmem:s30+$0x10];
	v0 =	vsel vm0, v20, v0;
	v10 =	vmovc v24  }
0xe2: {  	v18 =	vsel vm2, s12, v18;
	v16 =	vsel vm3, s12, v16;
	v15 =	vsel vm1, s12, v15;
	v23 =	vld [tilespmem:s30+$0x20]  }
0xe3: {  	s5 =	sadd.s32 $0x1, s5;
	v19 =	vsel vm4, s12, v19;
	v21 =	vsel vm5, s12, v21;
	v22 =	vsel vm6, s12, v22;
	v20 =	vld [tilespmem:s30+$0x30];
	s30 =	sadd.s32 $0x80, s30;
	v14 =	vmovc v25  }
0xe4: {  	vm1 =	vgt.f32 v10, v7  }
0xe5: {  	s0 =	sadd.s32 s0, s9;
	vm2 =	vgt.f32 v3, v8;
	v1 =	vsel vm0, s12, v1;
	vm0 =	vgt.f32 v14, v5  }
0xe6: {  	[tilespmem:s24], [sflag:$0x2] =	stream.linear.gather [hbm4b:s16+s17], $0xE000, $0x38;
	v25 =	vsel vm1, v10, v7;
	v9 =	vsel vm1, s0, v9;
	vm1 =	vgt.f32 v4, v6;
	[tilespmem:$0x1C300] =	vst v63  }
0xe7: {  	_ =	swait.ge [sflag:s25], $0xE000;
	vm3 =	vgt.f32 v11, v2;
	v14 =	vsel vm0, v14, v5;
	v15 =	vsel vm0, s0, v15  }
0xe8: {  	[sflag:s25] =	ssyncset.done $0x0;
	v27 =	vsel vm1, v4, v6;
	vm4 =	vgt.f32 v13, v17;
	v6 =	vsel vm1, s0, v16  }
0xe9: {  	s5 =	simm.s32 $0x40;
	v16 =	vsel vm3, s0, v19;
	[sflag:s25] =	ssyncadd.s32 $0xFFFF2000;
	vm5 =	vgt.f32 v23, v12;
	v4 =	vsel vm4, v13, v17  }
0xea: {  	v13 =	vsel vm2, s0, v18;
	v7 =	vsel vm4, s0, v21;
	v26 =	vld [tilespmem:s5+$0xFFFFFFF0];
	vm6 =	vgt.f32 v20, v0  }
0xeb: {  	v28 =	vld [tilespmem:s5+$0xFFFFFFC0];
	v5 =	vsel vm5, v23, v12;
	v17 =	vsel vm5, s0, v22;
	v12 =	vsel vm6, s0, v1;
	s0 =	sadd.s32 $0x1, s22  }
0xec: {  	v10 =	vsel vm2, v3, v8;
	v3 =	vld [tilespmem:s5+$0x30];
	p3 =	seq.s32 s0, $0x0  }
.Ltmp8:
0xed: {  	v24 =	vld [tilespmem:s5+$0x20];
	(pc) =	sbr.rel @p3 .LBB2_14-.Ltmp8, $4  }
0xee: {  	v19 =	vld [tilespmem:s5+$0x10]  }
0xef: {  	v11 =	vsel vm3, v11, v2;
	v18 =	vld [tilespmem:s5+$0xFFFFFFD0]  }
0xf0: {  	v21 =	vld [tilespmem:s5+$0x0];
	v8 =	vsel vm6, v20, v0;
	vm0 =	vgt.f32 v26, v27;
	vm1 =	vgt.f32 v28, v25  }
0xf1: {  	p2 =	por $0x0, $0x0;
	v20 =	vld [tilespmem:s5+$0xFFFFFFE0];
	s5 =	simm.s32 $0xC0;
	v0 =	vsel vm0, v26, v27;
	v1 =	vsel vm1, v28, v25;
	v2 =	vsel vm1, s4, v9  }
0xf2: {  	v22 =	vld [tilespmem:s5+$0xFFFFFFF0];
	v6 =	vsel vm0, s4, v6;
	vm0 =	vgt.f32 v3, v8  }
0xf3: {  	v23 =	vld [tilespmem:s5+$0xFFFFFFC0];
	vm2 =	vgt.f32 v24, v5;
	s0 =	sadd.s32 $0x1, s0;
	vm1 =	vgt.f32 v19, v4;
	v8 =	vsel vm0, v3, v8  }
0xf4: {  	v9 =	vld [tilespmem:s5+$0x20];
	v17 =	vsel vm2, s4, v17;
	v5 =	vsel vm2, v24, v5;
	v12 =	vsel vm0, s4, v12;
	p3 =	seq.s32 s0, $0x0  }
.Ltmp9:
0xf5: {  	v3 =	vld [tilespmem:s5+$0x30];
	v4 =	vsel vm1, v19, v4;
	v7 =	vsel vm1, s4, v7;
	vm3 =	vgt.f32 v18, v10;
	(pc) =	sbr.rel @p3 .LBB2_16-.Ltmp9, $4  }
0xf6: {  	v19 =	vld [tilespmem:s5+$0x10];
	v10 =	vsel vm3, v18, v10;
	vm2 =	vgt.f32 v21, v11;
	v13 =	vsel vm3, s4, v13  }
0xf7: {  	v18 =	vld [tilespmem:s5+$0xFFFFFFD0];
	vm1 =	vgt.f32 v20, v14;
	v16 =	vsel vm2, s4, v16;
	v11 =	vsel vm2, v21, v11  }
0xf8: {  	s12 =	sadd.s32 $0x1, s4;
	v21 =	vld [tilespmem:s5+$0xFFFFFFE0];
	vm0 =	vgt.f32 v22, v0;
	vm3 =	vgt.f32 v23, v1;
	v14 =	vsel vm1, v20, v14  }
0xf9: {  	p2 =	por $0x1, $0x1;
	s30 =	smov.u32 s4;
	v0 =	vsel vm0, v22, v0;
	v22 =	vld [tilespmem:s5+$0x0];
	v1 =	vsel vm3, v23, v1;
	v2 =	vsel vm3, s12, v2;
	s5 =	simm.s32 $0x140;
	v23 =	vmovc v15  }
.LBB2_17:
0xfa: {  	v20 =	vld [tilespmem:s5+$0xFFFFFFF0];
	s0 =	sadd.s32 $0x1, s0;
	v6 =	vsel vm0, s12, v6;
	vm0 =	vgt.f32 v3, v8;
	v23 =	vsel vm1, s30, v23;
	s30 =	smov.u32 s12;
	s12 =	sadd.s32 $0x1, s12  }
0xfb: {  	vm2 =	vgt.f32 v9, v5;
	v24 =	vld [tilespmem:s5+$0xFFFFFFC0];
	p3 =	seq.s32 s0, $0x0;
	vm1 =	vgt.f32 v19, v4;
	v8 =	vsel vm0, v3, v8  }
0xfc: {  	v17 =	vsel vm2, s30, v17;
	v3 =	vld [tilespmem:s5+$0x30];
	v4 =	vsel vm1, v19, v4;
	v7 =	vsel vm1, s30, v7  }
.Ltmp10:
0xfd: {  	v5 =	vsel vm2, v9, v5;
	v12 =	vsel vm0, s30, v12;
	vm3 =	vgt.f32 v18, v10;
	v9 =	vld [tilespmem:s5+$0x20];
	(pc) =	sbr.rel @!p3 .LBB2_17-.Ltmp10, $4  }
0xfe: {  	v10 =	vsel vm3, v18, v10;
	vm2 =	vgt.f32 v22, v11;
	v19 =	vld [tilespmem:s5+$0x10];
	vm1 =	vgt.f32 v21, v14  }
0xff: {  	v13 =	vsel vm3, s30, v13;
	v16 =	vsel vm2, s30, v16;
	v18 =	vld [tilespmem:s5+$0xFFFFFFD0];
	vm0 =	vgt.f32 v20, v0  }
0x100: {  	v11 =	vsel vm2, v22, v11;
	vm3 =	vgt.f32 v24, v1;
	v0 =	vsel vm0, v20, v0;
	v22 =	vld [tilespmem:s5+$0x0]  }
0x101: {  	v14 =	vsel vm1, v21, v14;
	v1 =	vsel vm3, v24, v1;
	v2 =	vsel vm3, s12, v2;
	v21 =	vld [tilespmem:s5+$0xFFFFFFE0];
	s5 =	sadd.s32 $0x80, s5  }
0x102: {  	_ =	sdelay $0x3  }
0x103: {  	v24 =	vmov v9;
	v20 =	vmov v21;
	v21 =	vmov v22  }
.LBB2_19:
0x104: {  	v9 =	vsel vm0, s12, v6;
	vm11 =	vgt.f32 v3, v8;
	v22 =	vsel @p2 vm1, s30, v23  }
0x105: {  	vm12 =	vgt.f32 v19, v4;
	vm2 =	vgt.f32 v24, v5;
	vm13 =	vgt.f32 v18, v10  }
.Ltmp11:
0x106: {  	vm14 =	vgt.f32 v20, v14;
	vm15 =	vgt.f32 v21, v11;
	v3 =	vsel vm11, v3, v8;
	(pc) =	sbr.rel @p0 .LBB2_27-.Ltmp11, $4  }
0x107: {  	v6 =	vsel vm12, v19, v4;
	v8 =	vsel vm12, s12, v7;
	v4 =	vsel vm2, s12, v17  }
0x108: {  	_ =	swait.ge [sflag:s26], $0xE000;
	v7 =	vsel vm2, v24, v5;
	v5 =	vsel vm11, s12, v12;
	v12 =	vsel vm13, v18, v10  }
0x109: {  	v13 =	vsel vm13, s12, v13;
	v10 =	vsel vm15, s12, v16;
	v15 =	vpsel p2, v22, v15;
	[sflag:s26] =	ssyncset.done $0x0  }
0x10a: {  	s0 =	simm.s32 $0xE040;
	v11 =	vsel vm15, v21, v11;
	v14 =	vsel vm14, v20, v14;
	v15 =	vsel vm14, s12, v15;
	[sflag:s26] =	ssyncadd.s32 $0xFFFF2000  }
0x10b: {  	v29 =	vld [tilespmem:s0+$0xFFFFFFC0]  }
0x10c: {  	v28 =	vld [tilespmem:s0+$0xFFFFFFD0]  }
0x10d: {  	v26 =	vld [tilespmem:s0+$0xFFFFFFE0];
	p3 =	sne.s32 s23, $0x1  }
.Ltmp12:
0x10e: {  	v27 =	vld [tilespmem:s0+$0xFFFFFFF0];
	(pc) =	sbr.rel @!p3 .LBB2_21-.Ltmp12, $4  }
0x10f: {  	v16 =	vld [tilespmem:s0+$0x0]  }
0x110: {  	v25 =	vld [tilespmem:s0+$0x10]  }
0x111: {  	v17 =	vld [tilespmem:s0+$0x20]  }
0x112: {  	v18 =	vld [tilespmem:s0+$0x30];
	s0 =	simm.s32 $0xE0C0;
	s5 =	sadd.s32 $0xFFFFFFFF, s23;
	p2 =	por $0x0, $0x0  }
0x113: {  	v23 =	vld [tilespmem:s0+$0xFFFFFFC0];
	vm0 =	vgt.f32 v29, v1;
	vm1 =	vgt.f32 v28, v12  }
0x114: {  	v19 =	vld [tilespmem:s0+$0xFFFFFFD0];
	vm2 =	vgt.f32 v26, v14;
	vm3 =	vgt.f32 v27, v0;
	v1 =	vsel vm0, v29, v1  }
0x115: {  	v24 =	vld [tilespmem:s0+$0xFFFFFFE0];
	p3 =	sne.s32 s5, $0x1;
	v2 =	vsel vm0, s13, v2;
	v12 =	vsel vm1, v28, v12;
	vm4 =	vgt.f32 v16, v11  }
.Ltmp13:
0x116: {  	v20 =	vld [tilespmem:s0+$0xFFFFFFF0];
	v14 =	vsel vm2, v26, v14;
	v0 =	vsel vm3, v27, v0;
	v13 =	vsel vm1, s13, v13;
	(pc) =	sbr.rel @!p3 .LBB2_23-.Ltmp13, $4  }
0x117: {  	v21 =	vld [tilespmem:s0+$0x10];
	v15 =	vsel vm2, s13, v15;
	v9 =	vsel vm3, s13, v9;
	v11 =	vsel vm4, v16, v11  }
0x118: {  	v16 =	vld [tilespmem:s0+$0x0];
	vm5 =	vgt.f32 v25, v6;
	v10 =	vsel vm4, s13, v10;
	vm6 =	vgt.f32 v17, v7  }
0x119: {  	s30 =	sadd.s32 $0xFFFFFFFF, s5;
	v6 =	vsel vm5, v25, v6;
	vm0 =	vgt.f32 v18, v3;
	v7 =	vsel vm6, v17, v7;
	v17 =	vld [tilespmem:s0+$0x20]  }
0x11a: {  	p2 =	por $0x1, $0x1;
	s12 =	smov.u32 s13;
	v22 =	vmovc v5;
	v8 =	vsel vm5, s13, v8;
	v4 =	vsel vm6, s13, v4;
	v3 =	vsel vm0, v18, v3;
	v18 =	vld [tilespmem:s0+$0x30];
	s0 =	simm.s32 $0xE140  }
.LBB2_24:
0x11b: {  	v25 =	vld [tilespmem:s0+$0xFFFFFFC0];
	p3 =	sne.s32 s30, $0x1;
	vm1 =	vgt.f32 v23, v1;
	vm2 =	vgt.f32 v19, v12;
	v22 =	vsel vm0, s12, v22;
	s12 =	sadd.s32 $0x1, s12  }
0x11c: {  	v1 =	vsel vm1, v23, v1;
	v2 =	vsel vm1, s12, v2;
	v12 =	vsel vm2, v19, v12;
	v19 =	vld [tilespmem:s0+$0xFFFFFFD0]  }
0x11d: {  	vm3 =	vgt.f32 v20, v0;
	vm1 =	vgt.f32 v24, v14;
	vm4 =	vgt.f32 v16, v11;
	v26 =	vld [tilespmem:s0+$0xFFFFFFE0]  }
.Ltmp14:
0x11e: {  	v0 =	vsel vm3, v20, v0;
	v14 =	vsel vm1, v24, v14;
	v11 =	vsel vm4, v16, v11;
	v20 =	vld [tilespmem:s0+$0xFFFFFFF0];
	(pc) =	sbr.rel @p3 .LBB2_24-.Ltmp14, $4  }
0x11f: {  	vm5 =	vgt.f32 v21, v6;
	vm6 =	vgt.f32 v17, v7;
	v16 =	vld [tilespmem:s0+$0x0];
	vm0 =	vgt.f32 v18, v3  }
0x120: {  	v6 =	vsel vm5, v21, v6;
	v7 =	vsel vm6, v17, v7;
	v21 =	vld [tilespmem:s0+$0x10];
	v3 =	vsel vm0, v18, v3;
	v23 =	vmovc v25  }
0x121: {  	v13 =	vsel vm2, s12, v13;
	v9 =	vsel vm3, s12, v9;
	v15 =	vsel vm1, s12, v15;
	v17 =	vld [tilespmem:s0+$0x20]  }
0x122: {  	s30 =	sadd.s32 $0xFFFFFFFF, s30;
	v10 =	vsel vm4, s12, v10;
	v8 =	vsel vm5, s12, v8;
	v4 =	vsel vm6, s12, v4;
	v18 =	vld [tilespmem:s0+$0x30];
	s0 =	sadd.s32 $0x80, s0;
	v24 =	vmovc v26  }
0x123: {  	_ =	sdelay $0x1  }
0x124: {  	v29 =	vmovc v23;
	v28 =	vmovc v19;
	v26 =	vmov v24;
	v27 =	vmov v20;
	v25 =	vmov v21  }
.LBB2_26:
0x125: {  	vm1 =	vgt.f32 v29, v1;
	vm2 =	vgt.f32 v28, v12  }
0x126: {  	v19 =	vsel @p2 vm0, s12, v22;
	vm14 =	vgt.f32 v26, v14;
	vm15 =	vgt.f32 v27, v0  }
0x127: {  	vm3 =	vgt.f32 v16, v11;
	vm4 =	vgt.f32 v25, v6;
	vm5 =	vgt.f32 v17, v7  }
0x128: {  	v1 =	vsel vm1, v29, v1;
	v12 =	vsel vm2, v28, v12;
	v14 =	vsel vm14, v26, v14  }
0x129: {  	s0 =	sadd.s32 @p2 $0x1, s12;
	s5 =	smov.u32 s13;
	v0 =	vsel vm15, v27, v0;
	v11 =	vsel vm3, v16, v11;
	vm6 =	vgt.f32 v18, v3  }
0x12a: {  	s5 =	smov.u32 @p2 s0;
	v6 =	vsel vm4, v25, v6;
	v7 =	vsel vm5, v17, v7;
	v5 =	vpsel p2, v19, v5  }
0x12b: {  	v2 =	vsel vm1, s5, v2;
	v3 =	vsel vm6, v18, v3;
	v13 =	vsel vm2, s5, v13  }
0x12c: {  	v15 =	vsel vm14, s5, v15;
	v9 =	vsel vm15, s5, v9;
	v10 =	vsel vm3, s5, v10  }
0x12d: {  	v8 =	vsel vm4, s5, v8;
	v4 =	vsel vm5, s5, v4;
	v5 =	vsel vm6, s5, v5  }
.LBB2_27:
0x12e: {  	[tilespmem:$0x1C000] =	vst v1  }
0x12f: {  	[tilespmem:$0x1C080] =	vst v2  }
0x130: {  	[tilespmem:$0x1C010] =	vst v12  }
0x131: {  	[tilespmem:$0x1C090] =	vst v13  }
0x132: {  	[tilespmem:$0x1C020] =	vst v14  }
0x133: {  	[tilespmem:$0x1C0A0] =	vst v15  }
0x134: {  	[tilespmem:$0x1C030] =	vst v0  }
0x135: {  	[tilespmem:$0x1C0B0] =	vst v9  }
0x136: {  	[tilespmem:$0x1C040] =	vst v11  }
0x137: {  	[tilespmem:$0x1C0C0] =	vst v10  }
0x138: {  	[tilespmem:$0x1C050] =	vst v6  }
0x139: {  	[tilespmem:$0x1C0D0] =	vst v8  }
0x13a: {  	[tilespmem:$0x1C060] =	vst v7  }
0x13b: {  	[tilespmem:$0x1C0E0] =	vst v4  }
0x13c: {  	[tilespmem:$0x1C070] =	vst v3  }
0x13d: {  	[tilespmem:$0x1C0F0] =	vst v5;
	s0 =	simm.s32 $0x1C000  }
0x13e: {  	[spmem:s28] =	stream.linear.scatter [tilespmem:s0], [sflag:$0x3], $0x80, $0x38;
	[tilespmem:$0x1C300] =	vst v63  }
0x13f: {  	_ =	swait.ge [sflag:s31], $0x80  }
0x140: {  	[sflag:s31] =	ssyncset.done $0x0  }
0x141: {  	s30 =	simm.s32 $0x1C080;
	[sflag:s31] =	ssyncadd.s32 $0xFFFFFF80  }
0x142: {  	[spmem:s29] =	stream.linear.scatter [tilespmem:s30], [sflag:$0x3], $0x80, $0x38;
	[tilespmem:$0x1C300] =	vst v63  }
.Ltmp15:
0x143: {  	_ =	swait.ge [sflag:s31], $0x80;
	(pc) =	sbr.rel @p1 .LBB2_29-.Ltmp15, $3  }
0x144: {  	[sflag:s31] =	ssyncset.done $0x0  }
0x145: {  	[sflag:s31] =	ssyncadd.s32 $0xFFFFFF80  }
0x146: {  	[bflag:$0x0] =	sbarrier.arrive $0xFFFF;
	_ =	sdelay $0x1  }
0x147: {  	s0 =	rddreg [dreg:$0x7]  }
0x148: {  	[tilespmem:s18], [sflag:$0x3] =	stream.linear.gather [spmem:s0], $0x80, $0x38;
	[tilespmem:$0x1C300] =	vst v63  }
0x149: {  	_ =	swait.ge [sflag:s31], $0x80  }
0x14a: {  	[sflag:s31] =	ssyncset.done $0x0  }
0x14b: {  	s12 =	rddreg [dreg:$0x8];
	[sflag:s31] =	ssyncadd.s32 $0xFFFFFF80  }
0x14c: {  	[tilespmem:s19], [sflag:$0x3] =	stream.linear.gather [spmem:s12], $0x80, $0x38;
	[tilespmem:$0x1C300] =	vst v63  }
0x14d: {  	_ =	swait.ge [sflag:s31], $0x80  }
0x14e: {  	[sflag:s31] =	ssyncset.done $0x0  }
0x14f: {  	[sflag:s31] =	ssyncadd.s32 $0xFFFFFF80  }
0x150: {  	v21 =	vld [tilespmem:$0x1C100]  }
0x151: {  	v62 =	vld [tilespmem:$0x1C180]  }
0x152: {  	v63 =	vld [tilespmem:$0x1C110]  }
0x153: {  	v47 =	vld [tilespmem:$0x1C190]  }
0x154: {  	v16 =	vld [tilespmem:$0x1C120]  }
0x155: {  	v49 =	vld [tilespmem:$0x1C1A0]  }
0x156: {  	v17 =	vld [tilespmem:$0x1C130]  }
0x157: {  	v51 =	vld [tilespmem:$0x1C1B0]  }
0x158: {  	v18 =	vld [tilespmem:$0x1C140]  }
0x159: {  	v55 =	vld [tilespmem:$0x1C1C0]  }
0x15a: {  	v20 =	vld [tilespmem:$0x1C150]  }
0x15b: {  	v19 =	vld [tilespmem:$0x1C1E0]  }
0x15c: {  	v40 =	vld [tilespmem:$0x1C1F0]  }
0x15d: {  	v57 =	vld [tilespmem:$0x1C1D0]  }
0x15e: {  	s30 =	rddreg [dreg:$0x9];
	v23 =	vld [tilespmem:$0x1C160]  }
0x15f: {  	v25 =	vld [tilespmem:$0x1C170];
	[tilespmem:s18], [sflag:$0x3] =	stream.linear.gather [spmem:s30], $0x80, $0x38  }
0x160: {  	[tilespmem:$0x1FE30] =	vst v19  }
0x161: {  	[tilespmem:$0x1FE40] =	vst v40  }
0x162: {  	_ =	swait.ge [sflag:s31], $0x80  }
0x163: {  	[sflag:s31] =	ssyncset.done $0x0  }
0x164: {  	s5 =	rddreg [dreg:$0xa];
	[sflag:s31] =	ssyncadd.s32 $0xFFFFFF80  }
0x165: {  	[tilespmem:s19], [sflag:$0x3] =	stream.linear.gather [spmem:s5], $0x80, $0x38;
	[tilespmem:$0x1C300] =	vst v63  }
0x166: {  	_ =	swait.ge [sflag:s31], $0x80  }
0x167: {  	[sflag:s31] =	ssyncset.done $0x0  }
0x168: {  	[sflag:s31] =	ssyncadd.s32 $0xFFFFFF80  }
0x169: {  	v19 =	vld [tilespmem:$0x1C100]  }
0x16a: {  	v53 =	vld [tilespmem:$0x1C180]  }
0x16b: {  	v22 =	vld [tilespmem:$0x1C110]  }
0x16c: {  	v59 =	vld [tilespmem:$0x1C190]  }
0x16d: {  	v24 =	vld [tilespmem:$0x1C120]  }
0x16e: {  	v61 =	vld [tilespmem:$0x1C1A0]  }
0x16f: {  	v27 =	vld [tilespmem:$0x1C1B0]  }
0x170: {  	v28 =	vld [tilespmem:$0x1C1C0]  }
0x171: {  	v41 =	vld [tilespmem:$0x1C1D0]  }
0x172: {  	v42 =	vld [tilespmem:$0x1C1E0]  }
0x173: {  	v43 =	vld [tilespmem:$0x1C1F0]  }
0x174: {  	v26 =	vld [tilespmem:$0x1C130];
	[tilespmem:$0x1FE50] =	vst v27  }
0x175: {  	v29 =	vld [tilespmem:$0x1C150];
	[tilespmem:$0x1FE60] =	vst v28  }
0x176: {  	v58 =	vld [tilespmem:$0x1C160];
	[tilespmem:$0x1FE70] =	vst v41  }
0x177: {  	s12 =	rddreg [dreg:$0xb];
	v54 =	vld [tilespmem:$0x1C170];
	[tilespmem:$0x1FE80] =	vst v42  }
0x178: {  	[tilespmem:$0x1FE90] =	vst v43;
	v27 =	vld [tilespmem:$0x1C140];
	[tilespmem:s18], [sflag:$0x3] =	stream.linear.gather [spmem:s12], $0x80, $0x38  }
0x179: {  	_ =	swait.ge [sflag:s31], $0x80  }
0x17a: {  	[sflag:s31] =	ssyncset.done $0x0  }
0x17b: {  	s30 =	rddreg [dreg:$0xc];
	[sflag:s31] =	ssyncadd.s32 $0xFFFFFF80  }
0x17c: {  	[tilespmem:s19], [sflag:$0x3] =	stream.linear.gather [spmem:s30], $0x80, $0x38;
	[tilespmem:$0x1C300] =	vst v63  }
0x17d: {  	_ =	swait.ge [sflag:s31], $0x80  }
0x17e: {  	[sflag:s31] =	ssyncset.done $0x0  }
0x17f: {  	[sflag:s31] =	ssyncadd.s32 $0xFFFFFF80  }
0x180: {  	v28 =	vld [tilespmem:$0x1C100]  }
0x181: {  	v30 =	vld [tilespmem:$0x1C180]  }
0x182: {  	v31 =	vld [tilespmem:$0x1C190]  }
0x183: {  	v60 =	vld [tilespmem:$0x1C120]  }
0x184: {  	v44 =	vld [tilespmem:$0x1C1A0]  }
0x185: {  	v56 =	vld [tilespmem:$0x1C130]  }
0x186: {  	v45 =	vld [tilespmem:$0x1C1B0]  }
0x187: {  	v46 =	vld [tilespmem:$0x1C1C0]  }
0x188: {  	v48 =	vld [tilespmem:$0x1C1D0];
	[tilespmem:$0x1FEA0] =	vst v30  }
0x189: {  	v52 =	vld [tilespmem:$0x1C1E0];
	[tilespmem:$0x1FEB0] =	vst v31  }
0x18a: {  	v33 =	vld [tilespmem:$0x1C1F0];
	[tilespmem:$0x1FEC0] =	vst v44  }
0x18b: {  	v50 =	vld [tilespmem:$0x1C140];
	[tilespmem:$0x1FED0] =	vst v45  }
0x18c: {  	v42 =	vld [tilespmem:$0x1C160];
	[tilespmem:$0x1FEE0] =	vst v46  }
0x18d: {  	v38 =	vld [tilespmem:$0x1C170];
	[tilespmem:$0x1FEF0] =	vst v48  }
0x18e: {  	s5 =	rddreg [dreg:$0xd];
	v30 =	vld [tilespmem:$0x1C110];
	[tilespmem:$0x1FF00] =	vst v52  }
0x18f: {  	[tilespmem:$0x1FF10] =	vst v33;
	v46 =	vld [tilespmem:$0x1C150];
	[tilespmem:s18], [sflag:$0x3] =	stream.linear.gather [spmem:s5], $0x80, $0x38  }
0x190: {  	_ =	swait.ge [sflag:s31], $0x80  }
0x191: {  	[sflag:s31] =	ssyncset.done $0x0  }
0x192: {  	s12 =	rddreg [dreg:$0xe];
	[sflag:s31] =	ssyncadd.s32 $0xFFFFFF80  }
0x193: {  	[tilespmem:s19], [sflag:$0x3] =	stream.linear.gather [spmem:s12], $0x80, $0x38;
	[tilespmem:$0x1C300] =	vst v63  }
0x194: {  	_ =	swait.ge [sflag:s31], $0x80  }
0x195: {  	[sflag:s31] =	ssyncset.done $0x0  }
0x196: {  	[sflag:s31] =	ssyncadd.s32 $0xFFFFFF80  }
0x197: {  	v52 =	vld [tilespmem:$0x1C100]  }
0x198: {  	v34 =	vld [tilespmem:$0x1C180]  }
0x199: {  	v48 =	vld [tilespmem:$0x1C110]  }
0x19a: {  	v35 =	vld [tilespmem:$0x1C190]  }
0x19b: {  	v44 =	vld [tilespmem:$0x1C120]  }
0x19c: {  	v36 =	vld [tilespmem:$0x1C1A0]  }
0x19d: {  	v37 =	vld [tilespmem:$0x1C1B0]  }
0x19e: {  	v39 =	vld [tilespmem:$0x1C1C0]  }
0x19f: {  	v32 =	vld [tilespmem:$0x1C1D0];
	[tilespmem:$0x1FF20] =	vst v34  }
0x1a0: {  	v41 =	vld [tilespmem:$0x1C1E0];
	[tilespmem:$0x1FF30] =	vst v35  }
0x1a1: {  	v43 =	vld [tilespmem:$0x1C1F0];
	[tilespmem:$0x1FF40] =	vst v36  }
0x1a2: {  	v40 =	vld [tilespmem:$0x1C130];
	[tilespmem:$0x1FF50] =	vst v37  }
0x1a3: {  	v31 =	vld [tilespmem:$0x1C150];
	[tilespmem:$0x1FF60] =	vst v39  }
0x1a4: {  	v33 =	vld [tilespmem:$0x1C160];
	[tilespmem:$0x1FF70] =	vst v32  }
0x1a5: {  	s30 =	rddreg [dreg:$0xf];
	v34 =	vld [tilespmem:$0x1C140];
	[tilespmem:$0x1FF80] =	vst v41  }
0x1a6: {  	[tilespmem:$0x1FF90] =	vst v43;
	v37 =	vld [tilespmem:$0x1C170];
	[tilespmem:s18], [sflag:$0x3] =	stream.linear.gather [spmem:s30], $0x80, $0x38  }
0x1a7: {  	_ =	swait.ge [sflag:s31], $0x80  }
0x1a8: {  	[sflag:s31] =	ssyncset.done $0x0  }
0x1a9: {  	s5 =	rddreg [dreg:$0x10];
	[sflag:s31] =	ssyncadd.s32 $0xFFFFFF80  }
0x1aa: {  	[tilespmem:s19], [sflag:$0x3] =	stream.linear.gather [spmem:s5], $0x80, $0x38;
	[tilespmem:$0x1C300] =	vst v63  }
0x1ab: {  	_ =	swait.ge [sflag:s31], $0x80  }
0x1ac: {  	[sflag:s31] =	ssyncset.done $0x0  }
0x1ad: {  	[sflag:s31] =	ssyncadd.s32 $0xFFFFFF80  }
0x1ae: {  	v36 =	vld [tilespmem:$0x1C100]  }
0x1af: {  	v45 =	vld [tilespmem:$0x1C180]  }
0x1b0: {  	v32 =	vld [tilespmem:$0x1C110]  }
0x1b1: {  	v35 =	vld [tilespmem:$0x1C190]  }
0x1b2: {  	v39 =	vld [tilespmem:$0x1C1A0]  }
0x1b3: {  	v41 =	vld [tilespmem:$0x1C1B0]  }
0x1b4: {  	vm0 =	vgt.f32 v21, v1;
	v43 =	vld [tilespmem:$0x1C1C0]  }
0x1b5: {  	v1 =	vsel vm0, v21, v1;
	v21 =	vld [tilespmem:$0x1C1E0]  }
0x1b6: {  	vm11 =	vgt.f32 v63, v12;
	v62 =	vsel vm0, v62, v2;
	v2 =	vld [tilespmem:$0x1C170]  }
0x1b7: {  	v63 =	vsel vm11, v63, v12;
	v12 =	vld [tilespmem:$0x1C1F0]  }
0x1b8: {  	[tilespmem:$0x1FFA0] =	vst v45;
	v45 =	vld [tilespmem:$0x1C1D0]  }
0x1b9: {  	[tilespmem:$0x1FFB0] =	vst v35;
	v35 =	vld [tilespmem:$0x1C120]  }
0x1ba: {  	[tilespmem:$0x1FFC0] =	vst v39;
	v39 =	vld [tilespmem:$0x1C130]  }
0x1bb: {  	[tilespmem:$0x1FFD0] =	vst v41;
	v41 =	vld [tilespmem:$0x1C140]  }
0x1bc: {  	s12 =	rddreg [dreg:$0x11];
	[tilespmem:$0x1FFE0] =	vst v43;
	v43 =	vld [tilespmem:$0x1C150]  }
0x1bd: {  	[tilespmem:$0x1FFF0] =	vst v45;
	v45 =	vld [tilespmem:$0x1C160];
	[tilespmem:s18], [sflag:$0x3] =	stream.linear.gather [spmem:s12], $0x80, $0x38  }
0x1be: {  	_ =	swait.ge [sflag:s31], $0x80  }
0x1bf: {  	[sflag:s31] =	ssyncset.done $0x0  }
0x1c0: {  	vm12 =	vgt.f32 v16, v14;
	vm13 =	vgt.f32 v17, v0;
	vm14 =	vgt.f32 v18, v11;
	s30 =	rddreg [dreg:$0x12];
	[sflag:s31] =	ssyncadd.s32 $0xFFFFFF80  }
0x1c1: {  	vm15 =	vgt.f32 v20, v6;
	vm4 =	vgt.f32 v23, v7;
	v10 =	vsel vm14, v55, v10;
	v55 =	vld [tilespmem:$0x1FE30];
	[tilespmem:s19], [sflag:$0x3] =	stream.linear.gather [spmem:s30], $0x80, $0x38  }
0x1c2: {  	vm5 =	vgt.f32 v25, v3;
	v14 =	vsel vm12, v16, v14;
	v8 =	vsel vm15, v57, v8;
	v57 =	vld [tilespmem:$0x1FE40];
	_ =	swait.ge [sflag:s31], $0x80  }
0x1c3: {  	v13 =	vsel vm11, v47, v13;
	v7 =	vsel vm4, v23, v7;
	vm8 =	vgt.f32 v24, v14;
	v23 =	vld [tilespmem:$0x1FE50]  }
0x1c4: {  	v0 =	vsel vm13, v17, v0;
	v11 =	vsel vm14, v18, v11;
	v14 =	vsel vm8, v24, v14;
	v24 =	vld [tilespmem:$0x1FE60]  }
0x1c5: {  	v6 =	vsel vm15, v20, v6;
	v3 =	vsel vm5, v25, v3;
	vm9 =	vgt.f32 v26, v0;
	v25 =	vld [tilespmem:$0x1FE70]  }
0x1c6: {  	vm7 =	vgt.f32 v22, v63;
	v0 =	vsel vm9, v26, v0;
	vm10 =	vgt.f32 v27, v11;
	v26 =	vld [tilespmem:$0x1FE80]  }
0x1c7: {  	vm11 =	vgt.f32 v29, v6;
	v63 =	vsel vm7, v22, v63;
	v11 =	vsel vm10, v27, v11;
	v27 =	vld [tilespmem:$0x1FE90]  }
0x1c8: {  	v6 =	vsel vm11, v29, v6;
	vm15 =	vgt.f32 v30, v63;
	v29 =	vld [tilespmem:$0x1FEA0]  }
0x1c9: {  	v17 =	vsel vm15, v30, v63;
	v30 =	vld [tilespmem:$0x1FEB0]  }
0x1ca: {  	v47 =	vld [tilespmem:$0x1FEC0]  }
0x1cb: {  	v15 =	vsel vm12, v49, v15;
	v49 =	vld [tilespmem:$0x1FED0]  }
0x1cc: {  	v9 =	vsel vm13, v51, v9;
	vm6 =	vgt.f32 v19, v1;
	v51 =	vld [tilespmem:$0x1FEE0]  }
0x1cd: {  	vm13 =	vgt.f32 v54, v3;
	v62 =	vsel vm6, v53, v62;
	v53 =	vld [tilespmem:$0x1FEF0]  }
0x1ce: {  	vm12 =	vgt.f32 v58, v7;
	v3 =	vsel vm13, v54, v3;
	v54 =	vld [tilespmem:$0x1FF00]  }
0x1cf: {  	v7 =	vsel vm12, v58, v7;
	v58 =	vld [tilespmem:$0x1FF40]  }
0x1d0: {  	v13 =	vsel vm7, v59, v13;
	v59 =	vld [tilespmem:$0x1FF50]  }
0x1d1: {  	[sflag:s31] =	ssyncset.done $0x0;
	v4 =	vsel vm4, v55, v4;
	v55 =	vld [tilespmem:$0x1FF10]  }
0x1d2: {  	v5 =	vsel vm5, v57, v5;
	[sflag:s31] =	ssyncadd.s32 $0xFFFFFF80;
	v57 =	vld [tilespmem:$0x1FF30]  }
0x1d3: {  	v18 =	vld [tilespmem:$0x1C100]  }
0x1d4: {  	v1 =	vsel vm6, v19, v1;
	v19 =	vld [tilespmem:$0x1C180]  }
0x1d5: {  	v20 =	vld [tilespmem:$0x1C110]  }
0x1d6: {  	vm14 =	vgt.f32 v28, v1;
	v22 =	vld [tilespmem:$0x1C190]  }
0x1d7: {  	v1 =	vsel vm14, v28, v1;
	vm5 =	vgt.f32 v56, v0;
	v28 =	vld [tilespmem:$0x1C1C0]  }
0x1d8: {  	v15 =	vsel vm8, v61, v15;
	vm8 =	vgt.f32 v42, v7;
	v0 =	vsel vm5, v56, v0;
	v56 =	vld [tilespmem:$0x1FF20]  }
0x1d9: {  	v7 =	vsel vm8, v42, v7;
	vm7 =	vgt.f32 v46, v6;
	v42 =	vld [tilespmem:$0x1C1E0]  }
0x1da: {  	v6 =	vsel vm7, v46, v6;
	v46 =	vld [tilespmem:$0x1C170]  }
0x1db: {  	v9 =	vsel vm9, v23, v9;
	v23 =	vld [tilespmem:$0x1C120]  }
0x1dc: {  	v10 =	vsel vm10, v24, v10;
	v24 =	vld [tilespmem:$0x1C1A0]  }
0x1dd: {  	v8 =	vsel vm11, v25, v8;
	v25 =	vld [tilespmem:$0x1C130]  }
0x1de: {  	vm6 =	vgt.f32 v50, v11;
	vm4 =	vgt.f32 v60, v14;
	v4 =	vsel vm12, v26, v4;
	v26 =	vld [tilespmem:$0x1C1B0]  }
0x1df: {  	v11 =	vsel vm6, v50, v11;
	v14 =	vsel vm4, v60, v14;
	v5 =	vsel vm13, v27, v5;
	v27 =	vld [tilespmem:$0x1C140]  }
0x1e0: {  	v16 =	vsel vm14, v29, v62;
	v13 =	vsel vm15, v30, v13;
	v15 =	vsel vm4, v47, v15;
	v29 =	vld [tilespmem:$0x1C150]  }
0x1e1: {  	vm9 =	vgt.f32 v38, v3;
	v30 =	vld [tilespmem:$0x1C1D0];
	vm10 =	vgt.f32 v52, v1;
	vm11 =	vgt.f32 v48, v17  }
0x1e2: {  	s5 =	rddreg [dreg:$0x13];
	vm12 =	vgt.f32 v44, v14;
	vm13 =	vgt.f32 v40, v0;
	v3 =	vsel vm9, v38, v3;
	v38 =	vld [tilespmem:$0x1C160]  }
0x1e3: {  	vm14 =	vgt.f32 v34, v11;
	vm15 =	vgt.f32 v31, v6;
	v14 =	vsel vm12, v44, v14;
	v44 =	vld [tilespmem:$0x1C1F0];
	[tilespmem:s18], [sflag:$0x3] =	stream.linear.gather [spmem:s5], $0x80, $0x38  }
0x1e4: {  	v60 =	vld [tilespmem:$0x1FF60];
	vm4 =	vgt.f32 v33, v7;
	v9 =	vsel vm5, v49, v9;
	v10 =	vsel vm6, v51, v10;
	_ =	swait.ge [sflag:s31], $0x80  }
0x1e5: {  	v8 =	vsel vm7, v53, v8;
	v4 =	vsel vm8, v54, v4;
	v5 =	vsel vm9, v55, v5;
	v61 =	vld [tilespmem:$0x1FF70];
	[sflag:s31] =	ssyncset.done $0x0  }
0x1e6: {  	v1 =	vsel vm10, v52, v1;
	v17 =	vsel vm11, v48, v17;
	v13 =	vsel vm11, v57, v13;
	v62 =	vld [tilespmem:$0x1FF80];
	s12 =	rddreg [dreg:$0x14];
	[sflag:s31] =	ssyncadd.s32 $0xFFFFFF80  }
0x1e7: {  	v15 =	vsel vm12, v58, v15;
	v0 =	vsel vm13, v40, v0;
	v11 =	vsel vm14, v34, v11;
	v63 =	vld [tilespmem:$0x1FF90];
	[tilespmem:s19], [sflag:$0x3] =	stream.linear.gather [spmem:s12], $0x80, $0x38  }
0x1e8: {  	v6 =	vsel vm15, v31, v6;
	v7 =	vsel vm4, v33, v7;
	v16 =	vsel vm10, v56, v16;
	v33 =	vld [tilespmem:$0x1FFA0];
	_ =	swait.ge [sflag:s31], $0x80  }
0x1e9: {  	v9 =	vsel vm13, v59, v9;
	v10 =	vsel vm14, v60, v10;
	vm8 =	vgt.f32 v35, v14;
	v34 =	vld [tilespmem:$0x1FFB0]  }
0x1ea: {  	vm5 =	vgt.f32 v37, v3;
	vm6 =	vgt.f32 v36, v1;
	v14 =	vsel vm8, v35, v14;
	v35 =	vld [tilespmem:$0x1FFC0]  }
0x1eb: {  	vm7 =	vgt.f32 v32, v17;
	vm9 =	vgt.f32 v39, v0;
	v1 =	vsel vm6, v36, v1;
	v36 =	vld [tilespmem:$0x1FFD0]  }
0x1ec: {  	vm10 =	vgt.f32 v41, v11;
	vm11 =	vgt.f32 v43, v6;
	v0 =	vsel vm9, v39, v0;
	[sflag:s31] =	ssyncset.done $0x0;
	v39 =	vld [tilespmem:$0x1FFE0]  }
0x1ed: {  	vm12 =	vgt.f32 v45, v7;
	v3 =	vsel vm5, v37, v3;
	v11 =	vsel vm10, v41, v11;
	v41 =	vld [tilespmem:$0x1FFF0];
	[sflag:s31] =	ssyncadd.s32 $0xFFFFFF80  }
0x1ee: {  	v17 =	vsel vm7, v32, v17;
	v6 =	vsel vm11, v43, v6;
	v7 =	vsel vm12, v45, v7;
	v37 =	vld [tilespmem:$0x1C100]  }
0x1ef: {  	vm13 =	vgt.f32 v18, v1;
	vm14 =	vgt.f32 v20, v17;
	vm1 =	vgt.f32 v23, v14;
	v40 =	vld [tilespmem:$0x1C180]  }
0x1f0: {  	v1 =	vsel vm13, v18, v1;
	v17 =	vsel vm14, v20, v17;
	v14 =	vsel vm1, v23, v14;
	v43 =	vld [tilespmem:$0x1C110]  }
0x1f1: {  	v8 =	vsel vm15, v61, v8;
	v4 =	vsel vm4, v62, v4;
	v5 =	vsel vm5, v63, v5;
	v45 =	vld [tilespmem:$0x1C190]  }
0x1f2: {  	v16 =	vsel vm6, v33, v16;
	vm15 =	vgt.f32 v25, v0;
	vm5 =	vgt.f32 v27, v11;
	v47 =	vld [tilespmem:$0x1C120]  }
0x1f3: {  	v4 =	vsel vm12, v21, v4;
	v16 =	vsel vm13, v19, v16;
	v48 =	vld [tilespmem:$0x1C1A0];
	v0 =	vsel vm15, v25, v0  }
0x1f4: {  	v49 =	vld [tilespmem:$0x1C130];
	v11 =	vsel vm5, v27, v11;
	v13 =	vsel vm7, v34, v13;
	vm2 =	vgt.f32 v37, v1  }
0x1f5: {  	v50 =	vld [tilespmem:$0x1C1B0];
	v15 =	vsel vm8, v35, v15;
	v9 =	vsel vm9, v36, v9;
	v16 =	vsel vm2, v40, v16  }
0x1f6: {  	v51 =	vld [tilespmem:$0x1C140];
	v13 =	vsel vm14, v22, v13;
	vm4 =	vgt.f32 v43, v17;
	v1 =	vsel vm2, v37, v1;
	[tilespmem:$0x1C080] =	vst v16  }
0x1f7: {  	v52 =	vld [tilespmem:$0x1C1C0];
	v10 =	vsel vm10, v39, v10;
	v8 =	vsel vm11, v41, v8;
	v13 =	vsel vm4, v45, v13;
	[tilespmem:$0x1C000] =	vst v1  }
0x1f8: {  	v53 =	vld [tilespmem:$0x1C150];
	v15 =	vsel vm1, v24, v15;
	vm6 =	vgt.f32 v47, v14;
	v17 =	vsel vm4, v43, v17;
	[tilespmem:$0x1C090] =	vst v13  }
0x1f9: {  	v54 =	vld [tilespmem:$0x1C1D0];
	vm7 =	vgt.f32 v29, v6;
	vm9 =	vgt.f32 v38, v7;
	v15 =	vsel vm6, v48, v15;
	[tilespmem:$0x1C010] =	vst v17  }
0x1fa: {  	v55 =	vld [tilespmem:$0x1C160];
	v9 =	vsel vm15, v26, v9;
	vm8 =	vgt.f32 v49, v0;
	v14 =	vsel vm6, v47, v14;
	[tilespmem:$0x1C0A0] =	vst v15  }
0x1fb: {  	v56 =	vld [tilespmem:$0x1C1E0];
	vm11 =	vgt.f32 v2, v3;
	v10 =	vsel vm5, v28, v10;
	v9 =	vsel vm8, v50, v9;
	[tilespmem:$0x1C020] =	vst v14  }
0x1fc: {  	v6 =	vsel vm7, v29, v6;
	vm10 =	vgt.f32 v51, v11;
	v0 =	vsel vm8, v49, v0;
	[tilespmem:$0x1C0B0] =	vst v9  }
0x1fd: {  	v57 =	vld [tilespmem:$0x1C170];
	v8 =	vsel vm7, v30, v8;
	vm12 =	vgt.f32 v53, v6;
	v10 =	vsel vm10, v52, v10;
	[tilespmem:$0x1C030] =	vst v0  }
0x1fe: {  	v58 =	vld [tilespmem:$0x1C1F0];
	v7 =	vsel vm9, v38, v7;
	v4 =	vsel vm9, v42, v4;
	v59 =	vsel vm12, v54, v8;
	[tilespmem:$0x1C0C0] =	vst v10  }
0x1ff: {  	v2 =	vsel vm11, v2, v3;
	vm14 =	vgt.f32 v55, v7;
	v60 =	vsel vm12, v53, v6;
	[tilespmem:$0x1C0D0] =	vst v59  }
0x200: {  	vm13 =	vgt.f32 v46, v2;
	v4 =	vsel vm14, v56, v4;
	[tilespmem:$0x1C050] =	vst v60  }
0x201: {  	v61 =	vsel vm11, v12, v5;
	v2 =	vsel vm13, v46, v2;
	v63 =	vsel vm14, v55, v7;
	[tilespmem:$0x1C0E0] =	vst v4  }
0x202: {  	v62 =	vsel vm13, v44, v61;
	v1 =	vsel vm10, v51, v11;
	vm15 =	vgt.f32 v57, v2;
	[tilespmem:$0x1C060] =	vst v63  }
0x203: {  	[tilespmem:$0x1C040] =	vst v1;
	v1 =	vsel vm15, v58, v62  }
0x204: {  	v0 =	vsel vm15, v57, v2;
	[tilespmem:$0x1C0F0] =	vst v1  }
0x205: {  	s5 =	simm.s32 $0x1C080;
	s30 =	rddreg [dreg:$0x15];
	[tilespmem:$0x1C070] =	vst v0  }
0x206: {  	[hbm4b:s30+s17] =	stream.linear.scatter [tilespmem:s5], [sflag:$0x3], $0x80, $0x38;
	[tilespmem:$0x1C300] =	vst v63  }
0x207: {  	_ =	swait.ge [sflag:s31], $0x80  }
0x208: {  	s30 =	simm.s32 $0x1C000;
	[sflag:s31] =	ssyncset.done $0x0  }
.Ltmp16:
0x209: {  	s12 =	rddreg [dreg:$0x16];
	[sflag:s31] =	ssyncadd.s32 $0xFFFFFF80;
	(pc) =	sbr.rel .LBB2_29-.Ltmp16, $4  }
0x20a: {  	[hbm4b:s12+s17] =	stream.linear.scatter [tilespmem:s30], [sflag:$0x3], $0x80, $0x38;
	[tilespmem:$0x1C300] =	vst v63  }
0x20b: {  	_ =	swait.ge [sflag:s31], $0x80  }
0x20c: {  	[sflag:s31] =	ssyncset.done $0x0  }
0x20d: {  	[sflag:s31] =	ssyncadd.s32 $0xFFFFFF80  }
.LBB2_14:
.Ltmp17:
0x20e: {  	(pc) =	sbr.rel .LBB2_19-.Ltmp17, $2  }
0x20f: {  	_ =	sdelay $0x2  }
0x210: {  	s12 =	smov.u32 s4;
	v23 =	vmov v15  }
.LBB2_16:
.Ltmp18:
0x211: {  	_ = 	snop;
	(pc) =	sbr.rel .LBB2_19-.Ltmp18, $2  }
0x212: {  	_ =	sdelay $0x2  }
0x213: {  	s30 =	smov.u32 s4;
	v23 =	vmovc v15;
	v24 =	vmov v9;
	v20 =	vmov v21;
	v21 =	vmov v22  }
.LBB2_21:
.Ltmp19:
0x214: {  	(pc) =	sbr.rel .LBB2_26-.Ltmp19, $2  }
0x215: {  	_ =	sdelay $0x2  }
0x216: {  	s12 =	smov.u32 s13;
	v22 =	vmov v5  }
.LBB2_23:
.Ltmp20:
0x217: {  	(pc) =	sbr.rel .LBB2_26-.Ltmp20, $3  }
0x218: {  	_ =	sdelay $0x1  }
0x219: {  	v29 =	vmov v23  }
0x21a: {  	v28 =	vmovc v19;
	s12 =	smov.u32 s13;
	v22 =	vmovc v5;
	v26 =	vmov v24;
	v27 =	vmov v20;
	v25 =	vmov v21  }
.LBB2_30:
0x21b: {  	_ =	sfence.sel $0x180000  }
0x21c: {  	[bflag:$0x0] =	sbarrier.arrive $0xFFFF  }
0x21d: {  	_ =	strace $0x90000047  }
0x21e: {  	s0 =	stileid.u32;
	[bflag:$0x2] =	sbarrier.arrive $0xFFFF  }
0x21f: {  	p0 =	sne.s32 s0, $0x0;
	s0 =	rddreg [dreg:$0x4]  }
0x220: {  	s0 =	sadd.s32 @!p0 $0x100000, s0  }
0x221: {  	[sflag:s0] =	ssyncadd.tile.s32 @!p0 $0x1;
	_ =	shalt  }
.Lfunc_end2:
_tile_overlayer_lowered:
.L_overlay_start_2:
0x222: {  	(tag) =	ssettag $0x2  }
0x223: {  	s0 =	rddreg [dreg:$0x0];
	s2 =	stileid.u32  }
0x224: {  	s1 =	rddreg [dreg:$0x1];
	p0 =	sne.s32 s2, $0x0  }
0x225: {  	s3 =	rddreg [dreg:$0x2];
	[bflag:$0x3] =	sbarrier.arrive $0xFFFF;
	s2 =	simm.s32 @!p0 $0x1C03  }
0x226: {  	[timem:s3], [sflag:s2] =	dma.local @!p0 [hbm:s0], s1  }
0x227: {  	s0 =	simm.s32 @!p0 $0x3  }
0x228: {  	_ =	swait.ge @!p0 [sflag:s0], s1  }
0x229: {  	s1 =	ssub.s32 @!p0 $0x0, s1;
	[sflag:s0] =	ssyncset.done @!p0 $0x0  }
0x22a: {  	[sflag:s0] =	ssyncadd.s32 @!p0 s1  }
0x22b: {  	[bflag:$0x3] =	sbarrier.arrive $0xFFFF  }
0x22c: {  	_ =	shalt  }

</sc_bundles>
